<compile_context>
chip_gen: v7x
topology: tpu7x:2x2x1
jax: 0.10.2.dev20260603
libtpu: 0.0.44.dev20260713+nightly
codegen_flags: <defaults>
</compile_context>

<pallas_src>
import functools

import jax
import jax.numpy as jnp
from jax import lax
from jax.experimental import pallas as pl
from jax.experimental.pallas import tpu as pltpu
from jax.experimental.pallas import tpu_sc as plsc

N = 10000
E = 320000
NC, NS, L = 2, 16, 16
NW = NC * NS

NPAD = 10240
ROWS_PER_TILE = NPAD // NS

CHUNK = 128
NCHUNKS = E // CHUNK
AGG_Q, AGG_R = NCHUNKS // NW, NCHUNKS % NW
AGG_MAX = AGG_Q + 1
DEG_Q, DEG_R = NCHUNKS // NS, NCHUNKS % NS
DEG_MAX = DEG_Q + 1



def _sc_mesh():
    return plsc.VectorSubcoreMesh(
        core_axis_name="c", subcore_axis_name="s",
        num_cores=NC, num_subcores=NS)


@functools.cache
def _make_deg():
    return functools.partial(
        pl.kernel,
        out_type=jax.ShapeDtypeStruct((NPAD,), jnp.float32),
        mesh=_sc_mesh(),
        compiler_params=pltpu.CompilerParams(use_tc_tiling_on_sc=False),
        scratch_types=[
            pltpu.VMEM((DEG_MAX, CHUNK), jnp.int32),
            pltpu.VMEM((CHUNK,), jnp.float32),
            pltpu.VMEM_SHARED((NPAD,), jnp.float32),
            pltpu.SemaphoreType.DMA,
            pltpu.SemaphoreType.DMA,
            pltpu.SemaphoreType.DMA,
            pltpu.SemaphoreType.DMA,
        ],
    )(_deg_body)


def _deg_body(dst_hbm, zeros_hbm, deg_out, dstv, onesv, acc, s0, s1, s2, s3):
    c = lax.axis_index("c")
    s = lax.axis_index("s")
    ssem = (s0, s1, s2, s3)
    nch = jnp.where(s >= NS - DEG_R, DEG_Q + 1, DEG_Q)
    base = DEG_Q * s + jnp.maximum(s - (NS - DEG_R), 0)
    one = jnp.full((L,), 1.0, dtype=jnp.float32)
    for i in range(CHUNK // L):
        onesv[pl.ds(i * L, L)] = one
    pltpu.sync_copy(dst_hbm.at[pl.ds(NCHUNKS + base, DEG_MAX)], dstv)
    stripe = pl.ds(s * (NPAD // NS), NPAD // NS)
    pltpu.sync_copy(zeros_hbm.at[stripe], acc.at[stripe])
    plsc.subcore_barrier()

    def s_fire(j, slot):
        pltpu.async_copy(onesv, acc.at[dstv.at[j]], ssem[slot], add=True)

    def s_wait(j, slot):
        pltpu.make_async_copy(onesv, acc.at[dstv.at[j]], ssem[slot]).wait()

    def grp(k, carry):
        for b in range(4):
            j = 4 * k + b

            @pl.when((j >= 4) & (j - 4 < nch))
            def _():
                s_wait(j - 4, b)

            @pl.when(j < nch)
            def _():
                s_fire(j, b)
        return carry

    lax.fori_loop(0, (DEG_MAX + 4 + 3) // 4, grp, 0)
    plsc.subcore_barrier()

    @pl.when(c == 0)
    def _():
        pltpu.sync_copy(acc.at[stripe], deg_out.at[stripe])


@functools.cache
def _make_agg(F):

    @functools.partial(
        pl.kernel,
        out_type=jax.ShapeDtypeStruct((NC, NPAD, F), jnp.float32),
        mesh=_sc_mesh(),
        compiler_params=pltpu.CompilerParams(use_tc_tiling_on_sc=False),
        scratch_types=[
            pltpu.VMEM((AGG_MAX, CHUNK), jnp.int32),
            pltpu.VMEM((AGG_MAX, CHUNK), jnp.int32),
            pltpu.VMEM((CHUNK, F), jnp.float32),
            pltpu.VMEM((CHUNK, F), jnp.float32),
            pltpu.VMEM((CHUNK, F), jnp.float32),
            pltpu.VMEM((CHUNK, F), jnp.float32),
            pltpu.VMEM_SHARED((NPAD, F), jnp.float32),
            pltpu.VMEM_SHARED((NPAD, F), jnp.float32),
            pltpu.SemaphoreType.DMA,
            pltpu.SemaphoreType.DMA,
            pltpu.SemaphoreType.DMA,
            pltpu.SemaphoreType.DMA,
            pltpu.SemaphoreType.DMA,
            pltpu.SemaphoreType.DMA,
            pltpu.SemaphoreType.DMA,
            pltpu.SemaphoreType.DMA,
        ],
    )
    def agg(edge_hbm, g_hbm, zeros_hbm, out_hbm,
            srcv, dstv, r0, r1, r2, r3, acc, gsh,
            g0, g1, g2, g3, s0, s1, s2, s3):
        c = lax.axis_index("c")
        s = lax.axis_index("s")
        w = c * NS + s
        rows = (r0, r1, r2, r3)
        gsem = (g0, g1, g2, g3)
        ssem = (s0, s1, s2, s3)
        nch = jnp.where(w >= NW - AGG_R, AGG_Q + 1, AGG_Q)
        base = AGG_Q * w + jnp.maximum(w - (NW - AGG_R), 0)
        pltpu.sync_copy(edge_hbm.at[pl.ds(base, AGG_MAX)], srcv)
        pltpu.sync_copy(edge_hbm.at[pl.ds(NCHUNKS + base, AGG_MAX)], dstv)
        stripe = pl.ds(s * ROWS_PER_TILE, ROWS_PER_TILE)
        pltpu.sync_copy(zeros_hbm.at[stripe], acc.at[stripe])
        pltpu.sync_copy(g_hbm.at[stripe], gsh.at[stripe])
        plsc.subcore_barrier()

        def g_issue(j, slot):
            pltpu.async_copy(gsh.at[srcv.at[j]], rows[slot], gsem[slot])

        def g_wait(j, slot):
            pltpu.make_async_copy(gsh.at[srcv.at[j]], rows[slot], gsem[slot]).wait()

        def s_fire(j, slot):
            pltpu.async_copy(rows[slot], acc.at[dstv.at[j]], ssem[slot], add=True)

        def s_wait(j, slot):
            pltpu.make_async_copy(rows[slot], acc.at[dstv.at[j]], ssem[slot]).wait()

        g_issue(0, 0)
        g_issue(1, 1)

        def grp(k, carry):
            for b in range(4):
                j = 4 * k + b
                s2 = (b + 2) % 4

                @pl.when((j >= 2) & (j - 2 < nch))
                def _():
                    s_wait(j - 2, s2)

                @pl.when(j + 2 < nch)
                def _():
                    g_issue(j + 2, s2)

                @pl.when(j < nch)
                def _():
                    g_wait(j, b)
                    s_fire(j, b)
            return carry

        lax.fori_loop(0, (AGG_MAX + 2 + 3) // 4, grp, 0)
        plsc.subcore_barrier()
        pltpu.sync_copy(acc.at[stripe], out_hbm.at[c].at[stripe])

    return agg



RB = 2048
GRID = NPAD // RB


def _dinv(deg_blk):
    return lax.rsqrt(deg_blk + 1.0)


def _stage1_body(x_ref, w_ref, deg_ref, o_ref):
    h = jnp.dot(x_ref[...], w_ref[...], preferred_element_type=jnp.float32)
    o_ref[...] = h * _dinv(deg_ref[...])


def _stage1(x, W1, deg):
    return pl.pallas_call(
        _stage1_body,
        out_shape=jax.ShapeDtypeStruct((NPAD, 16), jnp.float32),
        grid=(GRID,),
        in_specs=[
            pl.BlockSpec((RB, 128), lambda i: (i, 0)),
            pl.BlockSpec((128, 16), lambda i: (0, 0)),
            pl.BlockSpec((RB, 1), lambda i: (i, 0)),
        ],
        out_specs=pl.BlockSpec((RB, 16), lambda i: (i, 0)),
    )(x, W1, deg)


def _mid_body(p_ref, g_ref, deg_ref, b_ref, w_ref, o_ref):
    dinv = _dinv(deg_ref[...])
    z = (p_ref[0] + p_ref[1] + g_ref[...]) * dinv + b_ref[...]
    h = jnp.maximum(z, 0.0)
    o_ref[...] = jnp.dot(h, w_ref[...], preferred_element_type=jnp.float32) * dinv


def _mid(p, g, deg, b, W):
    F = g.shape[1]
    F2 = W.shape[1]
    return pl.pallas_call(
        _mid_body,
        out_shape=jax.ShapeDtypeStruct((NPAD, F2), jnp.float32),
        grid=(GRID,),
        in_specs=[
            pl.BlockSpec((2, RB, F), lambda i: (0, i, 0)),
            pl.BlockSpec((RB, F), lambda i: (i, 0)),
            pl.BlockSpec((RB, 1), lambda i: (i, 0)),
            pl.BlockSpec((1, F), lambda i: (0, 0)),
            pl.BlockSpec((F, F2), lambda i: (0, 0)),
        ],
        out_specs=pl.BlockSpec((RB, F2), lambda i: (i, 0)),
    )(p, g, deg, b, W)


def _final_body(p_ref, g_ref, deg_ref, b_ref, o_ref):
    dinv = _dinv(deg_ref[...])
    z = (p_ref[0] + p_ref[1] + g_ref[...]) * dinv + b_ref[...]
    z2 = z[:, 0:2]
    m = jnp.max(z2, axis=1, keepdims=True)
    e = jnp.exp(z2 - m)
    lse = jnp.log(e[:, 0:1] + e[:, 1:2]) + m
    o_ref[...] = z2 - lse


def _final(p, g, deg, b):
    return pl.pallas_call(
        _final_body,
        out_shape=jax.ShapeDtypeStruct((N, 2), jnp.float32),
        grid=(GRID,),
        in_specs=[
            pl.BlockSpec((2, RB, 8), lambda i: (0, i, 0)),
            pl.BlockSpec((RB, 8), lambda i: (i, 0)),
            pl.BlockSpec((RB, 1), lambda i: (i, 0)),
            pl.BlockSpec((1, 8), lambda i: (0, 0)),
        ],
        out_specs=pl.BlockSpec((RB, 2), lambda i: (i, 0)),
    )(p, g, deg, b)



def kernel(x, edge_index, W1, b1, W2, b2, W3, b3):
    ei = edge_index.reshape(2 * NCHUNKS, CHUNK)

    deg = _make_deg()(ei, jnp.zeros((NPAD,), jnp.float32))
    degc = deg.reshape(NPAD, 1)

    zeros16 = jnp.zeros((NPAD, 16), jnp.float32)
    zeros32 = jnp.zeros((NPAD, 32), jnp.float32)
    zeros8 = jnp.zeros((NPAD, 8), jnp.float32)

    g1 = _stage1(x, W1, degc)
    p1 = _make_agg(16)(ei, g1, zeros16)
    g2 = _mid(p1, g1, degc, b1.reshape(1, -1), W2)
    p2 = _make_agg(32)(ei, g2, zeros32)
    W3p = jnp.pad(W3, ((0, 0), (0, 6)))
    b3p = jnp.pad(b3, (0, 6)).reshape(1, 8)
    g3 = _mid(p2, g2, degc, b2.reshape(1, -1), W3p)
    p3 = _make_agg(8)(ei, g3, zeros8)
    return _final(p3, g3, degc, b3p)

# --- scband reference (transcript-rebuilt; emitter-appended) ---
"""Pipeline reference for scband-simple-gcnmodel-54279796687311 (READ-ONLY COPY).

The authoritative reference and input builder live on the scoring server;
editing this copy changes nothing except your own understanding.
"""

import jax, jax.numpy as jnp
import numpy as np

N = 10000
E = 320000
D_IN, H1, H2, D_OUT = 128, 16, 32, 2


def glorot(key, fan_in, fan_out):
    limit = np.sqrt(6.0 / (fan_in + fan_out))
    return jax.random.uniform(key, (fan_in, fan_out), dtype=jnp.float32, minval=-limit, maxval=limit)


def setup_inputs(seed: int = 0) -> dict:
    key = jax.random.key(seed)
    ks = jax.random.split(key, 8)
    x = jax.random.normal(ks[0], (N, D_IN), dtype=jnp.float32)
    edge_index = jax.random.randint(ks[1], (2, E), 0, N, dtype=jnp.int32)
    W1 = glorot(ks[2], D_IN, H1)
    b1 = jnp.zeros((H1,), dtype=jnp.float32)
    W2 = glorot(ks[3], H1, H2)
    b2 = jnp.zeros((H2,), dtype=jnp.float32)
    W3 = glorot(ks[4], H2, D_OUT)
    b3 = jnp.zeros((D_OUT,), dtype=jnp.float32)
    return {"x": x, "edge_index": edge_index, "W1": W1, "b1": b1, "W2": W2, "b2": b2, "W3": W3, "b3": b3}


def _gcn_norm(edge_index, n):
    # PyG GCNConv default: add self-loops, symmetric normalization
    loop = jnp.arange(n, dtype=edge_index.dtype)
    src = jnp.concatenate([edge_index[0], loop])
    dst = jnp.concatenate([edge_index[1], loop])
    deg = jnp.zeros((n,), dtype=jnp.float32).at[dst].add(1.0)
    dinv = jnp.where(deg > 0, jax.lax.rsqrt(jnp.maximum(deg, 1e-12)), 0.0)
    norm = dinv[src] * dinv[dst]
    return src, dst, norm


def _gcn_conv(x, src, dst, norm, W, b, n):
    h = x @ W
    msg = h[src] * norm[:, None]
    out = jnp.zeros((n, W.shape[1]), dtype=x.dtype).at[dst].add(msg)
    return out + b


def reference(x, edge_index, W1, b1, W2, b2, W3, b3):
    n = x.shape[0]
    src, dst, norm = _gcn_norm(edge_index, n)
    h = _gcn_conv(x, src, dst, norm, W1, b1, n)
    h = jax.nn.relu(h)
    # dropout is identity in eval mode
    h = _gcn_conv(h, src, dst, norm, W2, b2, n)
    h = jax.nn.relu(h)
    h = _gcn_conv(h, src, dst, norm, W3, b3, n)
    return jax.nn.log_softmax(h, axis=1)

if __name__ == "__main__":
    import jax
    _d = setup_inputs()
    print(jax.jit(kernel)(*tuple(_d.values())))

</pallas_src>

<mosaic_0001>
#map = affine_map<(d0, d1) -> (0, 0)>
#map1 = affine_map<(d0, d1) -> (0, 0, 0)>
module attributes {stable_mosaic.version = 14 : i64} {
  func.func @agg(%arg0: i32, %arg1: i32, %arg2: memref<5000x128xi32, #tpu.memory_space<hbm>>, %arg3: memref<10240x8xf32, #tpu.memory_space<hbm>>, %arg4: memref<10240x8xf32, #tpu.memory_space<hbm>>, %arg5: memref<2x10240x8xf32, #tpu.memory_space<hbm>>, %arg6: memref<79x128xi32, #tpu.memory_space<vmem>>, %arg7: memref<79x128xi32, #tpu.memory_space<vmem>>, %arg8: memref<128x8xf32, #tpu.memory_space<vmem>>, %arg9: memref<128x8xf32, #tpu.memory_space<vmem>>, %arg10: memref<128x8xf32, #tpu.memory_space<vmem>>, %arg11: memref<128x8xf32, #tpu.memory_space<vmem>>, %arg12: memref<10240x8xf32, #tpu.memory_space<vmem_shared>>, %arg13: memref<10240x8xf32, #tpu.memory_space<vmem_shared>>, %arg14: memref<!tpu.dma_semaphore, #tpu.memory_space<semaphore_mem>>, %arg15: memref<!tpu.dma_semaphore, #tpu.memory_space<semaphore_mem>>, %arg16: memref<!tpu.dma_semaphore, #tpu.memory_space<semaphore_mem>>, %arg17: memref<!tpu.dma_semaphore, #tpu.memory_space<semaphore_mem>>, %arg18: memref<!tpu.dma_semaphore, #tpu.memory_space<semaphore_mem>>, %arg19: memref<!tpu.dma_semaphore, #tpu.memory_space<semaphore_mem>>, %arg20: memref<!tpu.dma_semaphore, #tpu.memory_space<semaphore_mem>>, %arg21: memref<!tpu.dma_semaphore, #tpu.memory_space<semaphore_mem>>) attributes {dimension_semantics = [#tpu.dimension_semantics<core_parallel>, #tpu.dimension_semantics<subcore_parallel>], iteration_bounds = array<i64: 2, 16>, scalar_prefetch = 0 : i64, scratch_operands = 16 : i64, tpu.core_type = #tpu.core_type<sc_vector_subcore>, window_params = [{transform_indices = #map}, {transform_indices = #map}, {transform_indices = #map}, {transform_indices = #map1}]} {
    %mul3A = arith.constant 16 : i32
    %mul3A_0 = arith.muli %arg0, %mul3A : i32
    %add3A = arith.addi %mul3A_0, %arg1 : i32
    %ge3A = arith.constant 28 : i32
    %ge3A_1 = arith.cmpi sge, %add3A, %ge3A : i32
    %jit3A = arith.constant 79 : i32
    %jit3A_2 = arith.constant 78 : i32
    %select_n3A = arith.select %ge3A_1, %jit3A, %jit3A_2 : i32
    %mul3A_3 = arith.constant 78 : i32
    %mul3A_4 = arith.muli %mul3A_3, %add3A : i32
    %sub3A = arith.constant 28 : i32
    %sub3A_5 = arith.subi %add3A, %sub3A : i32
    %max3A = arith.constant 0 : i32
    %max3A_6 = arith.maxsi %sub3A_5, %max3A : i32
    %add3A_7 = arith.addi %mul3A_4, %max3A_6 : i32
    "tpu.region"() ({
      %run_scoped3A = tpu.sem_alloc : memref<!tpu.dma_semaphore, #tpu.memory_space<semaphore_mem>>
      %dma_start3A_31 = arith.constant 0 : i32
      %dma_start3A_32 = tpu.memref_slice %arg2[%add3A_7, %dma_start3A_31] : memref<5000x128xi32, #tpu.memory_space<hbm>> -> memref<79x128xi32, #tpu.memory_space<hbm>>
      %dma_start3A_33 = arith.constant 0 : i32
      %dma_start3A_34 = tpu.memref_slice %arg2[%add3A_7, %dma_start3A_33] : memref<5000x128xi32, #tpu.memory_space<hbm>> -> memref<79x128xi32, #tpu.memory_space<hbm>>
      tpu.enqueue_dma source(%dma_start3A_34 : memref<79x128xi32, #tpu.memory_space<hbm>>) target(%arg6 : memref<79x128xi32, #tpu.memory_space<vmem>>) target_semaphore(%run_scoped3A : memref<!tpu.dma_semaphore, #tpu.memory_space<semaphore_mem>>)
      %dma_wait3A = arith.constant 0 : i32
      %dma_wait3A_35 = tpu.memref_slice %arg2[%add3A_7, %dma_wait3A] : memref<5000x128xi32, #tpu.memory_space<hbm>> -> memref<79x128xi32, #tpu.memory_space<hbm>>
      %dma_wait3A_36 = arith.constant 0 : i32
      %dma_wait3A_37 = tpu.memref_slice %arg2[%add3A_7, %dma_wait3A_36] : memref<5000x128xi32, #tpu.memory_space<hbm>> -> memref<79x128xi32, #tpu.memory_space<hbm>>
      tpu.wait_dma2 semaphore(%run_scoped3A : memref<!tpu.dma_semaphore, #tpu.memory_space<semaphore_mem>>) src(%dma_wait3A_37 : memref<79x128xi32, #tpu.memory_space<hbm>>) dst(%arg6 : memref<79x128xi32, #tpu.memory_space<vmem>>)
      tpu.yield
    }) : () -> ()
    %add3A_8 = arith.constant 2500 : i32
    %add3A_9 = arith.addi %add3A_8, %add3A_7 : i32
    "tpu.region"() ({
      %run_scoped3A = tpu.sem_alloc : memref<!tpu.dma_semaphore, #tpu.memory_space<semaphore_mem>>
      %dma_start3A_31 = arith.constant 0 : i32
      %dma_start3A_32 = tpu.memref_slice %arg2[%add3A_9, %dma_start3A_31] : memref<5000x128xi32, #tpu.memory_space<hbm>> -> memref<79x128xi32, #tpu.memory_space<hbm>>
      %dma_start3A_33 = arith.constant 0 : i32
      %dma_start3A_34 = tpu.memref_slice %arg2[%add3A_9, %dma_start3A_33] : memref<5000x128xi32, #tpu.memory_space<hbm>> -> memref<79x128xi32, #tpu.memory_space<hbm>>
      tpu.enqueue_dma source(%dma_start3A_34 : memref<79x128xi32, #tpu.memory_space<hbm>>) target(%arg7 : memref<79x128xi32, #tpu.memory_space<vmem>>) target_semaphore(%run_scoped3A : memref<!tpu.dma_semaphore, #tpu.memory_space<semaphore_mem>>)
      %dma_wait3A = arith.constant 0 : i32
      %dma_wait3A_35 = tpu.memref_slice %arg2[%add3A_9, %dma_wait3A] : memref<5000x128xi32, #tpu.memory_space<hbm>> -> memref<79x128xi32, #tpu.memory_space<hbm>>
      %dma_wait3A_36 = arith.constant 0 : i32
      %dma_wait3A_37 = tpu.memref_slice %arg2[%add3A_9, %dma_wait3A_36] : memref<5000x128xi32, #tpu.memory_space<hbm>> -> memref<79x128xi32, #tpu.memory_space<hbm>>
      tpu.wait_dma2 semaphore(%run_scoped3A : memref<!tpu.dma_semaphore, #tpu.memory_space<semaphore_mem>>) src(%dma_wait3A_37 : memref<79x128xi32, #tpu.memory_space<hbm>>) dst(%arg7 : memref<79x128xi32, #tpu.memory_space<vmem>>)
      tpu.yield
    }) : () -> ()
    %mul3A_10 = arith.constant 640 : i32
    %mul3A_11 = arith.muli %arg1, %mul3A_10 : i32
    "tpu.region"() ({
      %run_scoped3A = tpu.sem_alloc : memref<!tpu.dma_semaphore, #tpu.memory_space<semaphore_mem>>
      %dma_start3A_31 = arith.constant 0 : i32
      %dma_start3A_32 = tpu.memref_slice %arg12[%mul3A_11, %dma_start3A_31] : memref<10240x8xf32, #tpu.memory_space<vmem_shared>> -> memref<640x8xf32, #tpu.memory_space<vmem_shared>>
      %dma_start3A_33 = arith.constant 0 : i32
      %dma_start3A_34 = tpu.memref_slice %arg4[%mul3A_11, %dma_start3A_33] : memref<10240x8xf32, #tpu.memory_space<hbm>> -> memref<640x8xf32, #tpu.memory_space<hbm>>
      tpu.enqueue_dma source(%dma_start3A_34 : memref<640x8xf32, #tpu.memory_space<hbm>>) target(%dma_start3A_32 : memref<640x8xf32, #tpu.memory_space<vmem_shared>>) target_semaphore(%run_scoped3A : memref<!tpu.dma_semaphore, #tpu.memory_space<semaphore_mem>>)
      %dma_wait3A = arith.constant 0 : i32
      %dma_wait3A_35 = tpu.memref_slice %arg12[%mul3A_11, %dma_wait3A] : memref<10240x8xf32, #tpu.memory_space<vmem_shared>> -> memref<640x8xf32, #tpu.memory_space<vmem_shared>>
      %dma_wait3A_36 = arith.constant 0 : i32
      %dma_wait3A_37 = tpu.memref_slice %arg4[%mul3A_11, %dma_wait3A_36] : memref<10240x8xf32, #tpu.memory_space<hbm>> -> memref<640x8xf32, #tpu.memory_space<hbm>>
      tpu.wait_dma2 semaphore(%run_scoped3A : memref<!tpu.dma_semaphore, #tpu.memory_space<semaphore_mem>>) src(%dma_wait3A_37 : memref<640x8xf32, #tpu.memory_space<hbm>>) dst(%dma_wait3A_35 : memref<640x8xf32, #tpu.memory_space<vmem_shared>>)
      tpu.yield
    }) : () -> ()
    "tpu.region"() ({
      %run_scoped3A = tpu.sem_alloc : memref<!tpu.dma_semaphore, #tpu.memory_space<semaphore_mem>>
      %dma_start3A_31 = arith.constant 0 : i32
      %dma_start3A_32 = tpu.memref_slice %arg13[%mul3A_11, %dma_start3A_31] : memref<10240x8xf32, #tpu.memory_space<vmem_shared>> -> memref<640x8xf32, #tpu.memory_space<vmem_shared>>
      %dma_start3A_33 = arith.constant 0 : i32
      %dma_start3A_34 = tpu.memref_slice %arg3[%mul3A_11, %dma_start3A_33] : memref<10240x8xf32, #tpu.memory_space<hbm>> -> memref<640x8xf32, #tpu.memory_space<hbm>>
      tpu.enqueue_dma source(%dma_start3A_34 : memref<640x8xf32, #tpu.memory_space<hbm>>) target(%dma_start3A_32 : memref<640x8xf32, #tpu.memory_space<vmem_shared>>) target_semaphore(%run_scoped3A : memref<!tpu.dma_semaphore, #tpu.memory_space<semaphore_mem>>)
      %dma_wait3A = arith.constant 0 : i32
      %dma_wait3A_35 = tpu.memref_slice %arg13[%mul3A_11, %dma_wait3A] : memref<10240x8xf32, #tpu.memory_space<vmem_shared>> -> memref<640x8xf32, #tpu.memory_space<vmem_shared>>
      %dma_wait3A_36 = arith.constant 0 : i32
      %dma_wait3A_37 = tpu.memref_slice %arg3[%mul3A_11, %dma_wait3A_36] : memref<10240x8xf32, #tpu.memory_space<hbm>> -> memref<640x8xf32, #tpu.memory_space<hbm>>
      tpu.wait_dma2 semaphore(%run_scoped3A : memref<!tpu.dma_semaphore, #tpu.memory_space<semaphore_mem>>) src(%dma_wait3A_37 : memref<640x8xf32, #tpu.memory_space<hbm>>) dst(%dma_wait3A_35 : memref<640x8xf32, #tpu.memory_space<vmem_shared>>)
      tpu.yield
    }) : () -> ()
    %barrier3A = arith.constant 0 : index
    tpu.barrier barrier_id(%barrier3A)
    %dma_start3A = arith.constant 0 : i32
    %dma_start3A_12 = arith.constant 0 : i32
    %dma_start3A_13 = tpu.memref_slice %arg6[%dma_start3A, %dma_start3A_12] : memref<79x128xi32, #tpu.memory_space<vmem>> -> memref<1x128xi32, #tpu.memory_space<vmem>>
    %dma_start3A_14 = tpu.memref_squeeze %dma_start3A_13 : memref<1x128xi32, #tpu.memory_space<vmem>> -> memref<128xi32, #tpu.memory_space<vmem>>
    %dma_start3A_15 = arith.constant 0 : i32
    %dma_start3A_16 = arith.constant 0 : i32
    %dma_start3A_17 = tpu.memref_slice %arg13[%dma_start3A_15, %dma_start3A_16] : memref<10240x8xf32, #tpu.memory_space<vmem_shared>> -> memref<10240x8xf32, #tpu.memory_space<vmem_shared>>
    tpu.enqueue_indirect_dma source(%dma_start3A_17 : memref<10240x8xf32, #tpu.memory_space<vmem_shared>>) target(%arg8 : memref<128x8xf32, #tpu.memory_space<vmem>>) offsets(%dma_start3A_14 : memref<128xi32, #tpu.memory_space<vmem>>) semaphore(%arg14 : memref<!tpu.dma_semaphore, #tpu.memory_space<semaphore_mem>>)
    %dma_start3A_18 = arith.constant 1 : i32
    %dma_start3A_19 = arith.constant 0 : i32
    %dma_start3A_20 = tpu.memref_slice %arg6[%dma_start3A_18, %dma_start3A_19] : memref<79x128xi32, #tpu.memory_space<vmem>> -> memref<1x128xi32, #tpu.memory_space<vmem>>
    %dma_start3A_21 = tpu.memref_squeeze %dma_start3A_20 : memref<1x128xi32, #tpu.memory_space<vmem>> -> memref<128xi32, #tpu.memory_space<vmem>>
    %dma_start3A_22 = arith.constant 0 : i32
    %dma_start3A_23 = arith.constant 0 : i32
    %dma_start3A_24 = tpu.memref_slice %arg13[%dma_start3A_22, %dma_start3A_23] : memref<10240x8xf32, #tpu.memory_space<vmem_shared>> -> memref<10240x8xf32, #tpu.memory_space<vmem_shared>>
    tpu.enqueue_indirect_dma source(%dma_start3A_24 : memref<10240x8xf32, #tpu.memory_space<vmem_shared>>) target(%arg9 : memref<128x8xf32, #tpu.memory_space<vmem>>) offsets(%dma_start3A_21 : memref<128xi32, #tpu.memory_space<vmem>>) semaphore(%arg15 : memref<!tpu.dma_semaphore, #tpu.memory_space<semaphore_mem>>)
    %scan3A = arith.constant 0 : i32
    %scan3A_25 = arith.constant 0 : i32
    %scan3A_26 = arith.constant 21 : i32
    %scan3A_27 = arith.addi %scan3A_25, %scan3A_26 : i32
    %scan3A_28 = arith.constant 1 : i32
    scf.for %scan3A_31 = %scan3A_25 to %scan3A_27 step %scan3A_28  : i32 {
      %mul3A_32 = arith.constant 4 : i32
      %mul3A_33 = arith.muli %mul3A_32, %scan3A_31 : i32
      %add3A_34 = arith.constant 0 : i32
      %add3A_35 = arith.addi %mul3A_33, %add3A_34 : i32
      %ge3A_36 = arith.constant 2 : i32
      %ge3A_37 = arith.cmpi sge, %add3A_35, %ge3A_36 : i32
      %sub3A_38 = arith.constant 2 : i32
      %sub3A_39 = arith.subi %add3A_35, %sub3A_38 : i32
      %lt3A = arith.cmpi slt, %sub3A_39, %select_n3A : i32
      %and3A = arith.andi %ge3A_37, %lt3A : i1
      %convert_element_type3A = arith.extui %and3A : i1 to i32
      %cond3A = arith.constant 0 : i32
      %cond3A_40 = arith.cmpi ne, %convert_element_type3A, %cond3A : i32
      scf.if %cond3A_40 {
        %sub3A_120 = arith.constant 2 : i32
        %sub3A_121 = arith.subi %add3A_35, %sub3A_120 : i32
        %dma_wait3A = arith.constant 0 : i32
        %dma_wait3A_122 = tpu.memref_slice %arg7[%sub3A_121, %dma_wait3A] : memref<79x128xi32, #tpu.memory_space<vmem>> -> memref<1x128xi32, #tpu.memory_space<vmem>>
        %dma_wait3A_123 = tpu.memref_squeeze %dma_wait3A_122 : memref<1x128xi32, #tpu.memory_space<vmem>> -> memref<128xi32, #tpu.memory_space<vmem>>
        %dma_wait3A_124 = arith.constant 0 : i32
        %dma_wait3A_125 = arith.constant 0 : i32
        %dma_wait3A_126 = tpu.memref_slice %arg12[%dma_wait3A_124, %dma_wait3A_125] : memref<10240x8xf32, #tpu.memory_space<vmem_shared>> -> memref<10240x8xf32, #tpu.memory_space<vmem_shared>>
        tpu.wait_indirect_dma semaphore(%arg20 : memref<!tpu.dma_semaphore, #tpu.memory_space<semaphore_mem>>) src(%arg10 : memref<128x8xf32, #tpu.memory_space<vmem>>) dst(%dma_wait3A_126 : memref<10240x8xf32, #tpu.memory_space<vmem_shared>>)
      } else {
      }
      %add3A_41 = arith.constant 2 : i32
      %add3A_42 = arith.addi %add3A_35, %add3A_41 : i32
      %lt3A_43 = arith.cmpi slt, %add3A_42, %select_n3A : i32
      %convert_element_type3A_44 = arith.extui %lt3A_43 : i1 to i32
      %cond3A_45 = arith.constant 0 : i32
      %cond3A_46 = arith.cmpi ne, %convert_element_type3A_44, %cond3A_45 : i32
      scf.if %cond3A_46 {
        %add3A_120 = arith.constant 2 : i32
        %add3A_121 = arith.addi %add3A_35, %add3A_120 : i32
        %dma_start3A_122 = arith.constant 0 : i32
        %dma_start3A_123 = tpu.memref_slice %arg6[%add3A_121, %dma_start3A_122] : memref<79x128xi32, #tpu.memory_space<vmem>> -> memref<1x128xi32, #tpu.memory_space<vmem>>
        %dma_start3A_124 = tpu.memref_squeeze %dma_start3A_123 : memref<1x128xi32, #tpu.memory_space<vmem>> -> memref<128xi32, #tpu.memory_space<vmem>>
        %dma_start3A_125 = arith.constant 0 : i32
        %dma_start3A_126 = arith.constant 0 : i32
        %dma_start3A_127 = tpu.memref_slice %arg13[%dma_start3A_125, %dma_start3A_126] : memref<10240x8xf32, #tpu.memory_space<vmem_shared>> -> memref<10240x8xf32, #tpu.memory_space<vmem_shared>>
        tpu.enqueue_indirect_dma source(%dma_start3A_127 : memref<10240x8xf32, #tpu.memory_space<vmem_shared>>) target(%arg10 : memref<128x8xf32, #tpu.memory_space<vmem>>) offsets(%dma_start3A_124 : memref<128xi32, #tpu.memory_space<vmem>>) semaphore(%arg16 : memref<!tpu.dma_semaphore, #tpu.memory_space<semaphore_mem>>)
      } else {
      }
      %lt3A_47 = arith.cmpi slt, %add3A_35, %select_n3A : i32
      %convert_element_type3A_48 = arith.extui %lt3A_47 : i1 to i32
      %cond3A_49 = arith.constant 0 : i32
      %cond3A_50 = arith.cmpi ne, %convert_element_type3A_48, %cond3A_49 : i32
      scf.if %cond3A_50 {
        %dma_wait3A = arith.constant 0 : i32
        %dma_wait3A_120 = tpu.memref_slice %arg6[%add3A_35, %dma_wait3A] : memref<79x128xi32, #tpu.memory_space<vmem>> -> memref<1x128xi32, #tpu.memory_space<vmem>>
        %dma_wait3A_121 = tpu.memref_squeeze %dma_wait3A_120 : memref<1x128xi32, #tpu.memory_space<vmem>> -> memref<128xi32, #tpu.memory_space<vmem>>
        %dma_wait3A_122 = arith.constant 0 : i32
        %dma_wait3A_123 = arith.constant 0 : i32
        %dma_wait3A_124 = tpu.memref_slice %arg13[%dma_wait3A_122, %dma_wait3A_123] : memref<10240x8xf32, #tpu.memory_space<vmem_shared>> -> memref<10240x8xf32, #tpu.memory_space<vmem_shared>>
        tpu.wait_indirect_dma semaphore(%arg14 : memref<!tpu.dma_semaphore, #tpu.memory_space<semaphore_mem>>) src(%dma_wait3A_124 : memref<10240x8xf32, #tpu.memory_space<vmem_shared>>) dst(%arg8 : memref<128x8xf32, #tpu.memory_space<vmem>>)
        %dma_start3A_125 = arith.constant 0 : i32
        %dma_start3A_126 = tpu.memref_slice %arg7[%add3A_35, %dma_start3A_125] : memref<79x128xi32, #tpu.memory_space<vmem>> -> memref<1x128xi32, #tpu.memory_space<vmem>>
        %dma_start3A_127 = tpu.memref_squeeze %dma_start3A_126 : memref<1x128xi32, #tpu.memory_space<vmem>> -> memref<128xi32, #tpu.memory_space<vmem>>
        %dma_start3A_128 = arith.constant 0 : i32
        %dma_start3A_129 = arith.constant 0 : i32
        %dma_start3A_130 = tpu.memref_slice %arg12[%dma_start3A_128, %dma_start3A_129] : memref<10240x8xf32, #tpu.memory_space<vmem_shared>> -> memref<10240x8xf32, #tpu.memory_space<vmem_shared>>
        tpu.enqueue_indirect_dma source(%arg8 : memref<128x8xf32, #tpu.memory_space<vmem>>) target(%dma_start3A_130 : memref<10240x8xf32, #tpu.memory_space<vmem_shared>>) offsets(%dma_start3A_127 : memref<128xi32, #tpu.memory_space<vmem>>) semaphore(%arg18 : memref<!tpu.dma_semaphore, #tpu.memory_space<semaphore_mem>>) {add = true}
      } else {
      }
      %mul3A_51 = arith.constant 4 : i32
      %mul3A_52 = arith.muli %mul3A_51, %scan3A_31 : i32
      %add3A_53 = arith.constant 1 : i32
      %add3A_54 = arith.addi %mul3A_52, %add3A_53 : i32
      %ge3A_55 = arith.constant 2 : i32
      %ge3A_56 = arith.cmpi sge, %add3A_54, %ge3A_55 : i32
      %sub3A_57 = arith.constant 2 : i32
      %sub3A_58 = arith.subi %add3A_54, %sub3A_57 : i32
      %lt3A_59 = arith.cmpi slt, %sub3A_58, %select_n3A : i32
      %and3A_60 = arith.andi %ge3A_56, %lt3A_59 : i1
      %convert_element_type3A_61 = arith.extui %and3A_60 : i1 to i32
      %cond3A_62 = arith.constant 0 : i32
      %cond3A_63 = arith.cmpi ne, %convert_element_type3A_61, %cond3A_62 : i32
      scf.if %cond3A_63 {
        %sub3A_120 = arith.constant 2 : i32
        %sub3A_121 = arith.subi %add3A_54, %sub3A_120 : i32
        %dma_wait3A = arith.constant 0 : i32
        %dma_wait3A_122 = tpu.memref_slice %arg7[%sub3A_121, %dma_wait3A] : memref<79x128xi32, #tpu.memory_space<vmem>> -> memref<1x128xi32, #tpu.memory_space<vmem>>
        %dma_wait3A_123 = tpu.memref_squeeze %dma_wait3A_122 : memref<1x128xi32, #tpu.memory_space<vmem>> -> memref<128xi32, #tpu.memory_space<vmem>>
        %dma_wait3A_124 = arith.constant 0 : i32
        %dma_wait3A_125 = arith.constant 0 : i32
        %dma_wait3A_126 = tpu.memref_slice %arg12[%dma_wait3A_124, %dma_wait3A_125] : memref<10240x8xf32, #tpu.memory_space<vmem_shared>> -> memref<10240x8xf32, #tpu.memory_space<vmem_shared>>
        tpu.wait_indirect_dma semaphore(%arg21 : memref<!tpu.dma_semaphore, #tpu.memory_space<semaphore_mem>>) src(%arg11 : memref<128x8xf32, #tpu.memory_space<vmem>>) dst(%dma_wait3A_126 : memref<10240x8xf32, #tpu.memory_space<vmem_shared>>)
      } else {
      }
      %add3A_64 = arith.constant 2 : i32
      %add3A_65 = arith.addi %add3A_54, %add3A_64 : i32
      %lt3A_66 = arith.cmpi slt, %add3A_65, %select_n3A : i32
      %convert_element_type3A_67 = arith.extui %lt3A_66 : i1 to i32
      %cond3A_68 = arith.constant 0 : i32
      %cond3A_69 = arith.cmpi ne, %convert_element_type3A_67, %cond3A_68 : i32
      scf.if %cond3A_69 {
        %add3A_120 = arith.constant 2 : i32
        %add3A_121 = arith.addi %add3A_54, %add3A_120 : i32
        %dma_start3A_122 = arith.constant 0 : i32
        %dma_start3A_123 = tpu.memref_slice %arg6[%add3A_121, %dma_start3A_122] : memref<79x128xi32, #tpu.memory_space<vmem>> -> memref<1x128xi32, #tpu.memory_space<vmem>>
        %dma_start3A_124 = tpu.memref_squeeze %dma_start3A_123 : memref<1x128xi32, #tpu.memory_space<vmem>> -> memref<128xi32, #tpu.memory_space<vmem>>
        %dma_start3A_125 = arith.constant 0 : i32
        %dma_start3A_126 = arith.constant 0 : i32
        %dma_start3A_127 = tpu.memref_slice %arg13[%dma_start3A_125, %dma_start3A_126] : memref<10240x8xf32, #tpu.memory_space<vmem_shared>> -> memref<10240x8xf32, #tpu.memory_space<vmem_shared>>
        tpu.enqueue_indirect_dma source(%dma_start3A_127 : memref<10240x8xf32, #tpu.memory_space<vmem_shared>>) target(%arg11 : memref<128x8xf32, #tpu.memory_space<vmem>>) offsets(%dma_start3A_124 : memref<128xi32, #tpu.memory_space<vmem>>) semaphore(%arg17 : memref<!tpu.dma_semaphore, #tpu.memory_space<semaphore_mem>>)
      } else {
      }
      %lt3A_70 = arith.cmpi slt, %add3A_54, %select_n3A : i32
      %convert_element_type3A_71 = arith.extui %lt3A_70 : i1 to i32
      %cond3A_72 = arith.constant 0 : i32
      %cond3A_73 = arith.cmpi ne, %convert_element_type3A_71, %cond3A_72 : i32
      scf.if %cond3A_73 {
        %dma_wait3A = arith.constant 0 : i32
        %dma_wait3A_120 = tpu.memref_slice %arg6[%add3A_54, %dma_wait3A] : memref<79x128xi32, #tpu.memory_space<vmem>> -> memref<1x128xi32, #tpu.memory_space<vmem>>
        %dma_wait3A_121 = tpu.memref_squeeze %dma_wait3A_120 : memref<1x128xi32, #tpu.memory_space<vmem>> -> memref<128xi32, #tpu.memory_space<vmem>>
        %dma_wait3A_122 = arith.constant 0 : i32
        %dma_wait3A_123 = arith.constant 0 : i32
        %dma_wait3A_124 = tpu.memref_slice %arg13[%dma_wait3A_122, %dma_wait3A_123] : memref<10240x8xf32, #tpu.memory_space<vmem_shared>> -> memref<10240x8xf32, #tpu.memory_space<vmem_shared>>
        tpu.wait_indirect_dma semaphore(%arg15 : memref<!tpu.dma_semaphore, #tpu.memory_space<semaphore_mem>>) src(%dma_wait3A_124 : memref<10240x8xf32, #tpu.memory_space<vmem_shared>>) dst(%arg9 : memref<128x8xf32, #tpu.memory_space<vmem>>)
        %dma_start3A_125 = arith.constant 0 : i32
        %dma_start3A_126 = tpu.memref_slice %arg7[%add3A_54, %dma_start3A_125] : memref<79x128xi32, #tpu.memory_space<vmem>> -> memref<1x128xi32, #tpu.memory_space<vmem>>
        %dma_start3A_127 = tpu.memref_squeeze %dma_start3A_126 : memref<1x128xi32, #tpu.memory_space<vmem>> -> memref<128xi32, #tpu.memory_space<vmem>>
        %dma_start3A_128 = arith.constant 0 : i32
        %dma_start3A_129 = arith.constant 0 : i32
        %dma_start3A_130 = tpu.memref_slice %arg12[%dma_start3A_128, %dma_start3A_129] : memref<10240x8xf32, #tpu.memory_space<vmem_shared>> -> memref<10240x8xf32, #tpu.memory_space<vmem_shared>>
        tpu.enqueue_indirect_dma source(%arg9 : memref<128x8xf32, #tpu.memory_space<vmem>>) target(%dma_start3A_130 : memref<10240x8xf32, #tpu.memory_space<vmem_shared>>) offsets(%dma_start3A_127 : memref<128xi32, #tpu.memory_space<vmem>>) semaphore(%arg19 : memref<!tpu.dma_semaphore, #tpu.memory_space<semaphore_mem>>) {add = true}
      } else {
      }
      %mul3A_74 = arith.constant 4 : i32
      %mul3A_75 = arith.muli %mul3A_74, %scan3A_31 : i32
      %add3A_76 = arith.constant 2 : i32
      %add3A_77 = arith.addi %mul3A_75, %add3A_76 : i32
      %ge3A_78 = arith.constant 2 : i32
      %ge3A_79 = arith.cmpi sge, %add3A_77, %ge3A_78 : i32
      %sub3A_80 = arith.constant 2 : i32
      %sub3A_81 = arith.subi %add3A_77, %sub3A_80 : i32
      %lt3A_82 = arith.cmpi slt, %sub3A_81, %select_n3A : i32
      %and3A_83 = arith.andi %ge3A_79, %lt3A_82 : i1
      %convert_element_type3A_84 = arith.extui %and3A_83 : i1 to i32
      %cond3A_85 = arith.constant 0 : i32
      %cond3A_86 = arith.cmpi ne, %convert_element_type3A_84, %cond3A_85 : i32
      scf.if %cond3A_86 {
        %sub3A_120 = arith.constant 2 : i32
        %sub3A_121 = arith.subi %add3A_77, %sub3A_120 : i32
        %dma_wait3A = arith.constant 0 : i32
        %dma_wait3A_122 = tpu.memref_slice %arg7[%sub3A_121, %dma_wait3A] : memref<79x128xi32, #tpu.memory_space<vmem>> -> memref<1x128xi32, #tpu.memory_space<vmem>>
        %dma_wait3A_123 = tpu.memref_squeeze %dma_wait3A_122 : memref<1x128xi32, #tpu.memory_space<vmem>> -> memref<128xi32, #tpu.memory_space<vmem>>
        %dma_wait3A_124 = arith.constant 0 : i32
        %dma_wait3A_125 = arith.constant 0 : i32
        %dma_wait3A_126 = tpu.memref_slice %arg12[%dma_wait3A_124, %dma_wait3A_125] : memref<10240x8xf32, #tpu.memory_space<vmem_shared>> -> memref<10240x8xf32, #tpu.memory_space<vmem_shared>>
        tpu.wait_indirect_dma semaphore(%arg18 : memref<!tpu.dma_semaphore, #tpu.memory_space<semaphore_mem>>) src(%arg8 : memref<128x8xf32, #tpu.memory_space<vmem>>) dst(%dma_wait3A_126 : memref<10240x8xf32, #tpu.memory_space<vmem_shared>>)
      } else {
      }
      %add3A_87 = arith.constant 2 : i32
      %add3A_88 = arith.addi %add3A_77, %add3A_87 : i32
      %lt3A_89 = arith.cmpi slt, %add3A_88, %select_n3A : i32
      %convert_element_type3A_90 = arith.extui %lt3A_89 : i1 to i32
      %cond3A_91 = arith.constant 0 : i32
      %cond3A_92 = arith.cmpi ne, %convert_element_type3A_90, %cond3A_91 : i32
      scf.if %cond3A_92 {
        %add3A_120 = arith.constant 2 : i32
        %add3A_121 = arith.addi %add3A_77, %add3A_120 : i32
        %dma_start3A_122 = arith.constant 0 : i32
        %dma_start3A_123 = tpu.memref_slice %arg6[%add3A_121, %dma_start3A_122] : memref<79x128xi32, #tpu.memory_space<vmem>> -> memref<1x128xi32, #tpu.memory_space<vmem>>
        %dma_start3A_124 = tpu.memref_squeeze %dma_start3A_123 : memref<1x128xi32, #tpu.memory_space<vmem>> -> memref<128xi32, #tpu.memory_space<vmem>>
        %dma_start3A_125 = arith.constant 0 : i32
        %dma_start3A_126 = arith.constant 0 : i32
        %dma_start3A_127 = tpu.memref_slice %arg13[%dma_start3A_125, %dma_start3A_126] : memref<10240x8xf32, #tpu.memory_space<vmem_shared>> -> memref<10240x8xf32, #tpu.memory_space<vmem_shared>>
        tpu.enqueue_indirect_dma source(%dma_start3A_127 : memref<10240x8xf32, #tpu.memory_space<vmem_shared>>) target(%arg8 : memref<128x8xf32, #tpu.memory_space<vmem>>) offsets(%dma_start3A_124 : memref<128xi32, #tpu.memory_space<vmem>>) semaphore(%arg14 : memref<!tpu.dma_semaphore, #tpu.memory_space<semaphore_mem>>)
      } else {
      }
      %lt3A_93 = arith.cmpi slt, %add3A_77, %select_n3A : i32
      %convert_element_type3A_94 = arith.extui %lt3A_93 : i1 to i32
      %cond3A_95 = arith.constant 0 : i32
      %cond3A_96 = arith.cmpi ne, %convert_element_type3A_94, %cond3A_95 : i32
      scf.if %cond3A_96 {
        %dma_wait3A = arith.constant 0 : i32
        %dma_wait3A_120 = tpu.memref_slice %arg6[%add3A_77, %dma_wait3A] : memref<79x128xi32, #tpu.memory_space<vmem>> -> memref<1x128xi32, #tpu.memory_space<vmem>>
        %dma_wait3A_121 = tpu.memref_squeeze %dma_wait3A_120 : memref<1x128xi32, #tpu.memory_space<vmem>> -> memref<128xi32, #tpu.memory_space<vmem>>
        %dma_wait3A_122 = arith.constant 0 : i32
        %dma_wait3A_123 = arith.constant 0 : i32
        %dma_wait3A_124 = tpu.memref_slice %arg13[%dma_wait3A_122, %dma_wait3A_123] : memref<10240x8xf32, #tpu.memory_space<vmem_shared>> -> memref<10240x8xf32, #tpu.memory_space<vmem_shared>>
        tpu.wait_indirect_dma semaphore(%arg16 : memref<!tpu.dma_semaphore, #tpu.memory_space<semaphore_mem>>) src(%dma_wait3A_124 : memref<10240x8xf32, #tpu.memory_space<vmem_shared>>) dst(%arg10 : memref<128x8xf32, #tpu.memory_space<vmem>>)
        %dma_start3A_125 = arith.constant 0 : i32
        %dma_start3A_126 = tpu.memref_slice %arg7[%add3A_77, %dma_start3A_125] : memref<79x128xi32, #tpu.memory_space<vmem>> -> memref<1x128xi32, #tpu.memory_space<vmem>>
        %dma_start3A_127 = tpu.memref_squeeze %dma_start3A_126 : memref<1x128xi32, #tpu.memory_space<vmem>> -> memref<128xi32, #tpu.memory_space<vmem>>
        %dma_start3A_128 = arith.constant 0 : i32
        %dma_start3A_129 = arith.constant 0 : i32
        %dma_start3A_130 = tpu.memref_slice %arg12[%dma_start3A_128, %dma_start3A_129] : memref<10240x8xf32, #tpu.memory_space<vmem_shared>> -> memref<10240x8xf32, #tpu.memory_space<vmem_shared>>
        tpu.enqueue_indirect_dma source(%arg10 : memref<128x8xf32, #tpu.memory_space<vmem>>) target(%dma_start3A_130 : memref<10240x8xf32, #tpu.memory_space<vmem_shared>>) offsets(%dma_start3A_127 : memref<128xi32, #tpu.memory_space<vmem>>) semaphore(%arg20 : memref<!tpu.dma_semaphore, #tpu.memory_space<semaphore_mem>>) {add = true}
      } else {
      }
      %mul3A_97 = arith.constant 4 : i32
      %mul3A_98 = arith.muli %mul3A_97, %scan3A_31 : i32
      %add3A_99 = arith.constant 3 : i32
      %add3A_100 = arith.addi %mul3A_98, %add3A_99 : i32
      %ge3A_101 = arith.constant 2 : i32
      %ge3A_102 = arith.cmpi sge, %add3A_100, %ge3A_101 : i32
      %sub3A_103 = arith.constant 2 : i32
      %sub3A_104 = arith.subi %add3A_100, %sub3A_103 : i32
      %lt3A_105 = arith.cmpi slt, %sub3A_104, %select_n3A : i32
      %and3A_106 = arith.andi %ge3A_102, %lt3A_105 : i1
      %convert_element_type3A_107 = arith.extui %and3A_106 : i1 to i32
      %cond3A_108 = arith.constant 0 : i32
      %cond3A_109 = arith.cmpi ne, %convert_element_type3A_107, %cond3A_108 : i32
      scf.if %cond3A_109 {
        %sub3A_120 = arith.constant 2 : i32
        %sub3A_121 = arith.subi %add3A_100, %sub3A_120 : i32
        %dma_wait3A = arith.constant 0 : i32
        %dma_wait3A_122 = tpu.memref_slice %arg7[%sub3A_121, %dma_wait3A] : memref<79x128xi32, #tpu.memory_space<vmem>> -> memref<1x128xi32, #tpu.memory_space<vmem>>
        %dma_wait3A_123 = tpu.memref_squeeze %dma_wait3A_122 : memref<1x128xi32, #tpu.memory_space<vmem>> -> memref<128xi32, #tpu.memory_space<vmem>>
        %dma_wait3A_124 = arith.constant 0 : i32
        %dma_wait3A_125 = arith.constant 0 : i32
        %dma_wait3A_126 = tpu.memref_slice %arg12[%dma_wait3A_124, %dma_wait3A_125] : memref<10240x8xf32, #tpu.memory_space<vmem_shared>> -> memref<10240x8xf32, #tpu.memory_space<vmem_shared>>
        tpu.wait_indirect_dma semaphore(%arg19 : memref<!tpu.dma_semaphore, #tpu.memory_space<semaphore_mem>>) src(%arg9 : memref<128x8xf32, #tpu.memory_space<vmem>>) dst(%dma_wait3A_126 : memref<10240x8xf32, #tpu.memory_space<vmem_shared>>)
      } else {
      }
      %add3A_110 = arith.constant 2 : i32
      %add3A_111 = arith.addi %add3A_100, %add3A_110 : i32
      %lt3A_112 = arith.cmpi slt, %add3A_111, %select_n3A : i32
      %convert_element_type3A_113 = arith.extui %lt3A_112 : i1 to i32
      %cond3A_114 = arith.constant 0 : i32
      %cond3A_115 = arith.cmpi ne, %convert_element_type3A_113, %cond3A_114 : i32
      scf.if %cond3A_115 {
        %add3A_120 = arith.constant 2 : i32
        %add3A_121 = arith.addi %add3A_100, %add3A_120 : i32
        %dma_start3A_122 = arith.constant 0 : i32
        %dma_start3A_123 = tpu.memref_slice %arg6[%add3A_121, %dma_start3A_122] : memref<79x128xi32, #tpu.memory_space<vmem>> -> memref<1x128xi32, #tpu.memory_space<vmem>>
        %dma_start3A_124 = tpu.memref_squeeze %dma_start3A_123 : memref<1x128xi32, #tpu.memory_space<vmem>> -> memref<128xi32, #tpu.memory_space<vmem>>
        %dma_start3A_125 = arith.constant 0 : i32
        %dma_start3A_126 = arith.constant 0 : i32
        %dma_start3A_127 = tpu.memref_slice %arg13[%dma_start3A_125, %dma_start3A_126] : memref<10240x8xf32, #tpu.memory_space<vmem_shared>> -> memref<10240x8xf32, #tpu.memory_space<vmem_shared>>
        tpu.enqueue_indirect_dma source(%dma_start3A_127 : memref<10240x8xf32, #tpu.memory_space<vmem_shared>>) target(%arg9 : memref<128x8xf32, #tpu.memory_space<vmem>>) offsets(%dma_start3A_124 : memref<128xi32, #tpu.memory_space<vmem>>) semaphore(%arg15 : memref<!tpu.dma_semaphore, #tpu.memory_space<semaphore_mem>>)
      } else {
      }
      %lt3A_116 = arith.cmpi slt, %add3A_100, %select_n3A : i32
      %convert_element_type3A_117 = arith.extui %lt3A_116 : i1 to i32
      %cond3A_118 = arith.constant 0 : i32
      %cond3A_119 = arith.cmpi ne, %convert_element_type3A_117, %cond3A_118 : i32
      scf.if %cond3A_119 {
        %dma_wait3A = arith.constant 0 : i32
        %dma_wait3A_120 = tpu.memref_slice %arg6[%add3A_100, %dma_wait3A] : memref<79x128xi32, #tpu.memory_space<vmem>> -> memref<1x128xi32, #tpu.memory_space<vmem>>
        %dma_wait3A_121 = tpu.memref_squeeze %dma_wait3A_120 : memref<1x128xi32, #tpu.memory_space<vmem>> -> memref<128xi32, #tpu.memory_space<vmem>>
        %dma_wait3A_122 = arith.constant 0 : i32
        %dma_wait3A_123 = arith.constant 0 : i32
        %dma_wait3A_124 = tpu.memref_slice %arg13[%dma_wait3A_122, %dma_wait3A_123] : memref<10240x8xf32, #tpu.memory_space<vmem_shared>> -> memref<10240x8xf32, #tpu.memory_space<vmem_shared>>
        tpu.wait_indirect_dma semaphore(%arg17 : memref<!tpu.dma_semaphore, #tpu.memory_space<semaphore_mem>>) src(%dma_wait3A_124 : memref<10240x8xf32, #tpu.memory_space<vmem_shared>>) dst(%arg11 : memref<128x8xf32, #tpu.memory_space<vmem>>)
        %dma_start3A_125 = arith.constant 0 : i32
        %dma_start3A_126 = tpu.memref_slice %arg7[%add3A_100, %dma_start3A_125] : memref<79x128xi32, #tpu.memory_space<vmem>> -> memref<1x128xi32, #tpu.memory_space<vmem>>
        %dma_start3A_127 = tpu.memref_squeeze %dma_start3A_126 : memref<1x128xi32, #tpu.memory_space<vmem>> -> memref<128xi32, #tpu.memory_space<vmem>>
        %dma_start3A_128 = arith.constant 0 : i32
        %dma_start3A_129 = arith.constant 0 : i32
        %dma_start3A_130 = tpu.memref_slice %arg12[%dma_start3A_128, %dma_start3A_129] : memref<10240x8xf32, #tpu.memory_space<vmem_shared>> -> memref<10240x8xf32, #tpu.memory_space<vmem_shared>>
        tpu.enqueue_indirect_dma source(%arg11 : memref<128x8xf32, #tpu.memory_space<vmem>>) target(%dma_start3A_130 : memref<10240x8xf32, #tpu.memory_space<vmem_shared>>) offsets(%dma_start3A_127 : memref<128xi32, #tpu.memory_space<vmem>>) semaphore(%arg21 : memref<!tpu.dma_semaphore, #tpu.memory_space<semaphore_mem>>) {add = true}
      } else {
      }
    }
    %scan3A_29 = arith.constant 21 : i32
    %barrier3A_30 = arith.constant 0 : index
    tpu.barrier barrier_id(%barrier3A_30)
    "tpu.region"() ({
      %run_scoped3A = tpu.sem_alloc : memref<!tpu.dma_semaphore, #tpu.memory_space<semaphore_mem>>
      %dma_start3A_31 = arith.constant 0 : i32
      %dma_start3A_32 = arith.constant 0 : i32
      %dma_start3A_33 = tpu.memref_slice %arg5[%arg0, %dma_start3A_31, %dma_start3A_32] : memref<2x10240x8xf32, #tpu.memory_space<hbm>> -> memref<1x10240x8xf32, #tpu.memory_space<hbm>>
      %dma_start3A_34 = tpu.memref_squeeze %dma_start3A_33 : memref<1x10240x8xf32, #tpu.memory_space<hbm>> -> memref<10240x8xf32, #tpu.memory_space<hbm>>
      %dma_start3A_35 = arith.constant 0 : i32
      %dma_start3A_36 = tpu.memref_slice %dma_start3A_34[%mul3A_11, %dma_start3A_35] : memref<10240x8xf32, #tpu.memory_space<hbm>> -> memref<640x8xf32, #tpu.memory_space<hbm>>
      %dma_start3A_37 = arith.constant 0 : i32
      %dma_start3A_38 = tpu.memref_slice %arg12[%mul3A_11, %dma_start3A_37] : memref<10240x8xf32, #tpu.memory_space<vmem_shared>> -> memref<640x8xf32, #tpu.memory_space<vmem_shared>>
      tpu.enqueue_dma source(%dma_start3A_38 : memref<640x8xf32, #tpu.memory_space<vmem_shared>>) target(%dma_start3A_36 : memref<640x8xf32, #tpu.memory_space<hbm>>) target_semaphore(%run_scoped3A : memref<!tpu.dma_semaphore, #tpu.memory_space<semaphore_mem>>)
      %dma_wait3A = arith.constant 0 : i32
      %dma_wait3A_39 = arith.constant 0 : i32
      %dma_wait3A_40 = tpu.memref_slice %arg5[%arg0, %dma_wait3A, %dma_wait3A_39] : memref<2x10240x8xf32, #tpu.memory_space<hbm>> -> memref<1x10240x8xf32, #tpu.memory_space<hbm>>
      %dma_wait3A_41 = tpu.memref_squeeze %dma_wait3A_40 : memref<1x10240x8xf32, #tpu.memory_space<hbm>> -> memref<10240x8xf32, #tpu.memory_space<hbm>>
      %dma_wait3A_42 = arith.constant 0 : i32
      %dma_wait3A_43 = tpu.memref_slice %dma_wait3A_41[%mul3A_11, %dma_wait3A_42] : memref<10240x8xf32, #tpu.memory_space<hbm>> -> memref<640x8xf32, #tpu.memory_space<hbm>>
      %dma_wait3A_44 = arith.constant 0 : i32
      %dma_wait3A_45 = tpu.memref_slice %arg12[%mul3A_11, %dma_wait3A_44] : memref<10240x8xf32, #tpu.memory_space<vmem_shared>> -> memref<640x8xf32, #tpu.memory_space<vmem_shared>>
      tpu.wait_dma2 semaphore(%run_scoped3A : memref<!tpu.dma_semaphore, #tpu.memory_space<semaphore_mem>>) src(%dma_wait3A_45 : memref<640x8xf32, #tpu.memory_space<vmem_shared>>) dst(%dma_wait3A_43 : memref<640x8xf32, #tpu.memory_space<hbm>>)
      tpu.yield
    }) : () -> ()
    return
  }
}

#map = affine_map<(d0, d1) -> (0, 0)>
#map1 = affine_map<(d0, d1) -> (0, 0, 0)>
module attributes {stable_mosaic.version = 14 : i64} {
  func.func @agg(%arg0: i32, %arg1: i32, %arg2: memref<5000x128xi32, #tpu.memory_space<hbm>>, %arg3: memref<10240x16xf32, #tpu.memory_space<hbm>>, %arg4: memref<10240x16xf32, #tpu.memory_space<hbm>>, %arg5: memref<2x10240x16xf32, #tpu.memory_space<hbm>>, %arg6: memref<79x128xi32, #tpu.memory_space<vmem>>, %arg7: memref<79x128xi32, #tpu.memory_space<vmem>>, %arg8: memref<128x16xf32, #tpu.memory_space<vmem>>, %arg9: memref<128x16xf32, #tpu.memory_space<vmem>>, %arg10: memref<128x16xf32, #tpu.memory_space<vmem>>, %arg11: memref<128x16xf32, #tpu.memory_space<vmem>>, %arg12: memref<10240x16xf32, #tpu.memory_space<vmem_shared>>, %arg13: memref<10240x16xf32, #tpu.memory_space<vmem_shared>>, %arg14: memref<!tpu.dma_semaphore, #tpu.memory_space<semaphore_mem>>, %arg15: memref<!tpu.dma_semaphore, #tpu.memory_space<semaphore_mem>>, %arg16: memref<!tpu.dma_semaphore, #tpu.memory_space<semaphore_mem>>, %arg17: memref<!tpu.dma_semaphore, #tpu.memory_space<semaphore_mem>>, %arg18: memref<!tpu.dma_semaphore, #tpu.memory_space<semaphore_mem>>, %arg19: memref<!tpu.dma_semaphore, #tpu.memory_space<semaphore_mem>>, %arg20: memref<!tpu.dma_semaphore, #tpu.memory_space<semaphore_mem>>, %arg21: memref<!tpu.dma_semaphore, #tpu.memory_space<semaphore_mem>>) attributes {dimension_semantics = [#tpu.dimension_semantics<core_parallel>, #tpu.dimension_semantics<subcore_parallel>], iteration_bounds = array<i64: 2, 16>, scalar_prefetch = 0 : i64, scratch_operands = 16 : i64, tpu.core_type = #tpu.core_type<sc_vector_subcore>, window_params = [{transform_indices = #map}, {transform_indices = #map}, {transform_indices = #map}, {transform_indices = #map1}]} {
    %mul3A = arith.constant 16 : i32
    %mul3A_0 = arith.muli %arg0, %mul3A : i32
    %add3A = arith.addi %mul3A_0, %arg1 : i32
    %ge3A = arith.constant 28 : i32
    %ge3A_1 = arith.cmpi sge, %add3A, %ge3A : i32
    %jit3A = arith.constant 79 : i32
    %jit3A_2 = arith.constant 78 : i32
    %select_n3A = arith.select %ge3A_1, %jit3A, %jit3A_2 : i32
    %mul3A_3 = arith.constant 78 : i32
    %mul3A_4 = arith.muli %mul3A_3, %add3A : i32
    %sub3A = arith.constant 28 : i32
    %sub3A_5 = arith.subi %add3A, %sub3A : i32
    %max3A = arith.constant 0 : i32
    %max3A_6 = arith.maxsi %sub3A_5, %max3A : i32
    %add3A_7 = arith.addi %mul3A_4, %max3A_6 : i32
    "tpu.region"() ({
      %run_scoped3A = tpu.sem_alloc : memref<!tpu.dma_semaphore, #tpu.memory_space<semaphore_mem>>
      %dma_start3A_31 = arith.constant 0 : i32
      %dma_start3A_32 = tpu.memref_slice %arg2[%add3A_7, %dma_start3A_31] : memref<5000x128xi32, #tpu.memory_space<hbm>> -> memref<79x128xi32, #tpu.memory_space<hbm>>
      %dma_start3A_33 = arith.constant 0 : i32
      %dma_start3A_34 = tpu.memref_slice %arg2[%add3A_7, %dma_start3A_33] : memref<5000x128xi32, #tpu.memory_space<hbm>> -> memref<79x128xi32, #tpu.memory_space<hbm>>
      tpu.enqueue_dma source(%dma_start3A_34 : memref<79x128xi32, #tpu.memory_space<hbm>>) target(%arg6 : memref<79x128xi32, #tpu.memory_space<vmem>>) target_semaphore(%run_scoped3A : memref<!tpu.dma_semaphore, #tpu.memory_space<semaphore_mem>>)
      %dma_wait3A = arith.constant 0 : i32
      %dma_wait3A_35 = tpu.memref_slice %arg2[%add3A_7, %dma_wait3A] : memref<5000x128xi32, #tpu.memory_space<hbm>> -> memref<79x128xi32, #tpu.memory_space<hbm>>
      %dma_wait3A_36 = arith.constant 0 : i32
      %dma_wait3A_37 = tpu.memref_slice %arg2[%add3A_7, %dma_wait3A_36] : memref<5000x128xi32, #tpu.memory_space<hbm>> -> memref<79x128xi32, #tpu.memory_space<hbm>>
      tpu.wait_dma2 semaphore(%run_scoped3A : memref<!tpu.dma_semaphore, #tpu.memory_space<semaphore_mem>>) src(%dma_wait3A_37 : memref<79x128xi32, #tpu.memory_space<hbm>>) dst(%arg6 : memref<79x128xi32, #tpu.memory_space<vmem>>)
      tpu.yield
    }) : () -> ()
    %add3A_8 = arith.constant 2500 : i32
    %add3A_9 = arith.addi %add3A_8, %add3A_7 : i32
    "tpu.region"() ({
      %run_scoped3A = tpu.sem_alloc : memref<!tpu.dma_semaphore, #tpu.memory_space<semaphore_mem>>
      %dma_start3A_31 = arith.constant 0 : i32
      %dma_start3A_32 = tpu.memref_slice %arg2[%add3A_9, %dma_start3A_31] : memref<5000x128xi32, #tpu.memory_space<hbm>> -> memref<79x128xi32, #tpu.memory_space<hbm>>
      %dma_start3A_33 = arith.constant 0 : i32
      %dma_start3A_34 = tpu.memref_slice %arg2[%add3A_9, %dma_start3A_33] : memref<5000x128xi32, #tpu.memory_space<hbm>> -> memref<79x128xi32, #tpu.memory_space<hbm>>
      tpu.enqueue_dma source(%dma_start3A_34 : memref<79x128xi32, #tpu.memory_space<hbm>>) target(%arg7 : memref<79x128xi32, #tpu.memory_space<vmem>>) target_semaphore(%run_scoped3A : memref<!tpu.dma_semaphore, #tpu.memory_space<semaphore_mem>>)
      %dma_wait3A = arith.constant 0 : i32
      %dma_wait3A_35 = tpu.memref_slice %arg2[%add3A_9, %dma_wait3A] : memref<5000x128xi32, #tpu.memory_space<hbm>> -> memref<79x128xi32, #tpu.memory_space<hbm>>
      %dma_wait3A_36 = arith.constant 0 : i32
      %dma_wait3A_37 = tpu.memref_slice %arg2[%add3A_9, %dma_wait3A_36] : memref<5000x128xi32, #tpu.memory_space<hbm>> -> memref<79x128xi32, #tpu.memory_space<hbm>>
      tpu.wait_dma2 semaphore(%run_scoped3A : memref<!tpu.dma_semaphore, #tpu.memory_space<semaphore_mem>>) src(%dma_wait3A_37 : memref<79x128xi32, #tpu.memory_space<hbm>>) dst(%arg7 : memref<79x128xi32, #tpu.memory_space<vmem>>)
      tpu.yield
    }) : () -> ()
    %mul3A_10 = arith.constant 640 : i32
    %mul3A_11 = arith.muli %arg1, %mul3A_10 : i32
    "tpu.region"() ({
      %run_scoped3A = tpu.sem_alloc : memref<!tpu.dma_semaphore, #tpu.memory_space<semaphore_mem>>
      %dma_start3A_31 = arith.constant 0 : i32
      %dma_start3A_32 = tpu.memref_slice %arg12[%mul3A_11, %dma_start3A_31] : memref<10240x16xf32, #tpu.memory_space<vmem_shared>> -> memref<640x16xf32, #tpu.memory_space<vmem_shared>>
      %dma_start3A_33 = arith.constant 0 : i32
      %dma_start3A_34 = tpu.memref_slice %arg4[%mul3A_11, %dma_start3A_33] : memref<10240x16xf32, #tpu.memory_space<hbm>> -> memref<640x16xf32, #tpu.memory_space<hbm>>
      tpu.enqueue_dma source(%dma_start3A_34 : memref<640x16xf32, #tpu.memory_space<hbm>>) target(%dma_start3A_32 : memref<640x16xf32, #tpu.memory_space<vmem_shared>>) target_semaphore(%run_scoped3A : memref<!tpu.dma_semaphore, #tpu.memory_space<semaphore_mem>>)
      %dma_wait3A = arith.constant 0 : i32
      %dma_wait3A_35 = tpu.memref_slice %arg12[%mul3A_11, %dma_wait3A] : memref<10240x16xf32, #tpu.memory_space<vmem_shared>> -> memref<640x16xf32, #tpu.memory_space<vmem_shared>>
      %dma_wait3A_36 = arith.constant 0 : i32
      %dma_wait3A_37 = tpu.memref_slice %arg4[%mul3A_11, %dma_wait3A_36] : memref<10240x16xf32, #tpu.memory_space<hbm>> -> memref<640x16xf32, #tpu.memory_space<hbm>>
      tpu.wait_dma2 semaphore(%run_scoped3A : memref<!tpu.dma_semaphore, #tpu.memory_space<semaphore_mem>>) src(%dma_wait3A_37 : memref<640x16xf32, #tpu.memory_space<hbm>>) dst(%dma_wait3A_35 : memref<640x16xf32, #tpu.memory_space<vmem_shared>>)
      tpu.yield
    }) : () -> ()
    "tpu.region"() ({
      %run_scoped3A = tpu.sem_alloc : memref<!tpu.dma_semaphore, #tpu.memory_space<semaphore_mem>>
      %dma_start3A_31 = arith.constant 0 : i32
      %dma_start3A_32 = tpu.memref_slice %arg13[%mul3A_11, %dma_start3A_31] : memref<10240x16xf32, #tpu.memory_space<vmem_shared>> -> memref<640x16xf32, #tpu.memory_space<vmem_shared>>
      %dma_start3A_33 = arith.constant 0 : i32
      %dma_start3A_34 = tpu.memref_slice %arg3[%mul3A_11, %dma_start3A_33] : memref<10240x16xf32, #tpu.memory_space<hbm>> -> memref<640x16xf32, #tpu.memory_space<hbm>>
      tpu.enqueue_dma source(%dma_start3A_34 : memref<640x16xf32, #tpu.memory_space<hbm>>) target(%dma_start3A_32 : memref<640x16xf32, #tpu.memory_space<vmem_shared>>) target_semaphore(%run_scoped3A : memref<!tpu.dma_semaphore, #tpu.memory_space<semaphore_mem>>)
      %dma_wait3A = arith.constant 0 : i32
      %dma_wait3A_35 = tpu.memref_slice %arg13[%mul3A_11, %dma_wait3A] : memref<10240x16xf32, #tpu.memory_space<vmem_shared>> -> memref<640x16xf32, #tpu.memory_space<vmem_shared>>
      %dma_wait3A_36 = arith.constant 0 : i32
      %dma_wait3A_37 = tpu.memref_slice %arg3[%mul3A_11, %dma_wait3A_36] : memref<10240x16xf32, #tpu.memory_space<hbm>> -> memref<640x16xf32, #tpu.memory_space<hbm>>
      tpu.wait_dma2 semaphore(%run_scoped3A : memref<!tpu.dma_semaphore, #tpu.memory_space<semaphore_mem>>) src(%dma_wait3A_37 : memref<640x16xf32, #tpu.memory_space<hbm>>) dst(%dma_wait3A_35 : memref<640x16xf32, #tpu.memory_space<vmem_shared>>)
      tpu.yield
    }) : () -> ()
    %barrier3A = arith.constant 0 : index
    tpu.barrier barrier_id(%barrier3A)
    %dma_start3A = arith.constant 0 : i32
    %dma_start3A_12 = arith.constant 0 : i32
    %dma_start3A_13 = tpu.memref_slice %arg6[%dma_start3A, %dma_start3A_12] : memref<79x128xi32, #tpu.memory_space<vmem>> -> memref<1x128xi32, #tpu.memory_space<vmem>>
    %dma_start3A_14 = tpu.memref_squeeze %dma_start3A_13 : memref<1x128xi32, #tpu.memory_space<vmem>> -> memref<128xi32, #tpu.memory_space<vmem>>
    %dma_start3A_15 = arith.constant 0 : i32
    %dma_start3A_16 = arith.constant 0 : i32
    %dma_start3A_17 = tpu.memref_slice %arg13[%dma_start3A_15, %dma_start3A_16] : memref<10240x16xf32, #tpu.memory_space<vmem_shared>> -> memref<10240x16xf32, #tpu.memory_space<vmem_shared>>
    tpu.enqueue_indirect_dma source(%dma_start3A_17 : memref<10240x16xf32, #tpu.memory_space<vmem_shared>>) target(%arg8 : memref<128x16xf32, #tpu.memory_space<vmem>>) offsets(%dma_start3A_14 : memref<128xi32, #tpu.memory_space<vmem>>) semaphore(%arg14 : memref<!tpu.dma_semaphore, #tpu.memory_space<semaphore_mem>>)
    %dma_start3A_18 = arith.constant 1 : i32
    %dma_start3A_19 = arith.constant 0 : i32
    %dma_start3A_20 = tpu.memref_slice %arg6[%dma_start3A_18, %dma_start3A_19] : memref<79x128xi32, #tpu.memory_space<vmem>> -> memref<1x128xi32, #tpu.memory_space<vmem>>
    %dma_start3A_21 = tpu.memref_squeeze %dma_start3A_20 : memref<1x128xi32, #tpu.memory_space<vmem>> -> memref<128xi32, #tpu.memory_space<vmem>>
    %dma_start3A_22 = arith.constant 0 : i32
    %dma_start3A_23 = arith.constant 0 : i32
    %dma_start3A_24 = tpu.memref_slice %arg13[%dma_start3A_22, %dma_start3A_23] : memref<10240x16xf32, #tpu.memory_space<vmem_shared>> -> memref<10240x16xf32, #tpu.memory_space<vmem_shared>>
    tpu.enqueue_indirect_dma source(%dma_start3A_24 : memref<10240x16xf32, #tpu.memory_space<vmem_shared>>) target(%arg9 : memref<128x16xf32, #tpu.memory_space<vmem>>) offsets(%dma_start3A_21 : memref<128xi32, #tpu.memory_space<vmem>>) semaphore(%arg15 : memref<!tpu.dma_semaphore, #tpu.memory_space<semaphore_mem>>)
    %scan3A = arith.constant 0 : i32
    %scan3A_25 = arith.constant 0 : i32
    %scan3A_26 = arith.constant 21 : i32
    %scan3A_27 = arith.addi %scan3A_25, %scan3A_26 : i32
    %scan3A_28 = arith.constant 1 : i32
    scf.for %scan3A_31 = %scan3A_25 to %scan3A_27 step %scan3A_28  : i32 {
      %mul3A_32 = arith.constant 4 : i32
      %mul3A_33 = arith.muli %mul3A_32, %scan3A_31 : i32
      %add3A_34 = arith.constant 0 : i32
      %add3A_35 = arith.addi %mul3A_33, %add3A_34 : i32
      %ge3A_36 = arith.constant 2 : i32
      %ge3A_37 = arith.cmpi sge, %add3A_35, %ge3A_36 : i32
      %sub3A_38 = arith.constant 2 : i32
      %sub3A_39 = arith.subi %add3A_35, %sub3A_38 : i32
      %lt3A = arith.cmpi slt, %sub3A_39, %select_n3A : i32
      %and3A = arith.andi %ge3A_37, %lt3A : i1
      %convert_element_type3A = arith.extui %and3A : i1 to i32
      %cond3A = arith.constant 0 : i32
      %cond3A_40 = arith.cmpi ne, %convert_element_type3A, %cond3A : i32
      scf.if %cond3A_40 {
        %sub3A_120 = arith.constant 2 : i32
        %sub3A_121 = arith.subi %add3A_35, %sub3A_120 : i32
        %dma_wait3A = arith.constant 0 : i32
        %dma_wait3A_122 = tpu.memref_slice %arg7[%sub3A_121, %dma_wait3A] : memref<79x128xi32, #tpu.memory_space<vmem>> -> memref<1x128xi32, #tpu.memory_space<vmem>>
        %dma_wait3A_123 = tpu.memref_squeeze %dma_wait3A_122 : memref<1x128xi32, #tpu.memory_space<vmem>> -> memref<128xi32, #tpu.memory_space<vmem>>
        %dma_wait3A_124 = arith.constant 0 : i32
        %dma_wait3A_125 = arith.constant 0 : i32
        %dma_wait3A_126 = tpu.memref_slice %arg12[%dma_wait3A_124, %dma_wait3A_125] : memref<10240x16xf32, #tpu.memory_space<vmem_shared>> -> memref<10240x16xf32, #tpu.memory_space<vmem_shared>>
        tpu.wait_indirect_dma semaphore(%arg20 : memref<!tpu.dma_semaphore, #tpu.memory_space<semaphore_mem>>) src(%arg10 : memref<128x16xf32, #tpu.memory_space<vmem>>) dst(%dma_wait3A_126 : memref<10240x16xf32, #tpu.memory_space<vmem_shared>>)
      } else {
      }
      %add3A_41 = arith.constant 2 : i32
      %add3A_42 = arith.addi %add3A_35, %add3A_41 : i32
      %lt3A_43 = arith.cmpi slt, %add3A_42, %select_n3A : i32
      %convert_element_type3A_44 = arith.extui %lt3A_43 : i1 to i32
      %cond3A_45 = arith.constant 0 : i32
      %cond3A_46 = arith.cmpi ne, %convert_element_type3A_44, %cond3A_45 : i32
      scf.if %cond3A_46 {
        %add3A_120 = arith.constant 2 : i32
        %add3A_121 = arith.addi %add3A_35, %add3A_120 : i32
        %dma_start3A_122 = arith.constant 0 : i32
        %dma_start3A_123 = tpu.memref_slice %arg6[%add3A_121, %dma_start3A_122] : memref<79x128xi32, #tpu.memory_space<vmem>> -> memref<1x128xi32, #tpu.memory_space<vmem>>
        %dma_start3A_124 = tpu.memref_squeeze %dma_start3A_123 : memref<1x128xi32, #tpu.memory_space<vmem>> -> memref<128xi32, #tpu.memory_space<vmem>>
        %dma_start3A_125 = arith.constant 0 : i32
        %dma_start3A_126 = arith.constant 0 : i32
        %dma_start3A_127 = tpu.memref_slice %arg13[%dma_start3A_125, %dma_start3A_126] : memref<10240x16xf32, #tpu.memory_space<vmem_shared>> -> memref<10240x16xf32, #tpu.memory_space<vmem_shared>>
        tpu.enqueue_indirect_dma source(%dma_start3A_127 : memref<10240x16xf32, #tpu.memory_space<vmem_shared>>) target(%arg10 : memref<128x16xf32, #tpu.memory_space<vmem>>) offsets(%dma_start3A_124 : memref<128xi32, #tpu.memory_space<vmem>>) semaphore(%arg16 : memref<!tpu.dma_semaphore, #tpu.memory_space<semaphore_mem>>)
      } else {
      }
      %lt3A_47 = arith.cmpi slt, %add3A_35, %select_n3A : i32
      %convert_element_type3A_48 = arith.extui %lt3A_47 : i1 to i32
      %cond3A_49 = arith.constant 0 : i32
      %cond3A_50 = arith.cmpi ne, %convert_element_type3A_48, %cond3A_49 : i32
      scf.if %cond3A_50 {
        %dma_wait3A = arith.constant 0 : i32
        %dma_wait3A_120 = tpu.memref_slice %arg6[%add3A_35, %dma_wait3A] : memref<79x128xi32, #tpu.memory_space<vmem>> -> memref<1x128xi32, #tpu.memory_space<vmem>>
        %dma_wait3A_121 = tpu.memref_squeeze %dma_wait3A_120 : memref<1x128xi32, #tpu.memory_space<vmem>> -> memref<128xi32, #tpu.memory_space<vmem>>
        %dma_wait3A_122 = arith.constant 0 : i32
        %dma_wait3A_123 = arith.constant 0 : i32
        %dma_wait3A_124 = tpu.memref_slice %arg13[%dma_wait3A_122, %dma_wait3A_123] : memref<10240x16xf32, #tpu.memory_space<vmem_shared>> -> memref<10240x16xf32, #tpu.memory_space<vmem_shared>>
        tpu.wait_indirect_dma semaphore(%arg14 : memref<!tpu.dma_semaphore, #tpu.memory_space<semaphore_mem>>) src(%dma_wait3A_124 : memref<10240x16xf32, #tpu.memory_space<vmem_shared>>) dst(%arg8 : memref<128x16xf32, #tpu.memory_space<vmem>>)
        %dma_start3A_125 = arith.constant 0 : i32
        %dma_start3A_126 = tpu.memref_slice %arg7[%add3A_35, %dma_start3A_125] : memref<79x128xi32, #tpu.memory_space<vmem>> -> memref<1x128xi32, #tpu.memory_space<vmem>>
        %dma_start3A_127 = tpu.memref_squeeze %dma_start3A_126 : memref<1x128xi32, #tpu.memory_space<vmem>> -> memref<128xi32, #tpu.memory_space<vmem>>
        %dma_start3A_128 = arith.constant 0 : i32
        %dma_start3A_129 = arith.constant 0 : i32
        %dma_start3A_130 = tpu.memref_slice %arg12[%dma_start3A_128, %dma_start3A_129] : memref<10240x16xf32, #tpu.memory_space<vmem_shared>> -> memref<10240x16xf32, #tpu.memory_space<vmem_shared>>
        tpu.enqueue_indirect_dma source(%arg8 : memref<128x16xf32, #tpu.memory_space<vmem>>) target(%dma_start3A_130 : memref<10240x16xf32, #tpu.memory_space<vmem_shared>>) offsets(%dma_start3A_127 : memref<128xi32, #tpu.memory_space<vmem>>) semaphore(%arg18 : memref<!tpu.dma_semaphore, #tpu.memory_space<semaphore_mem>>) {add = true}
      } else {
      }
      %mul3A_51 = arith.constant 4 : i32
      %mul3A_52 = arith.muli %mul3A_51, %scan3A_31 : i32
      %add3A_53 = arith.constant 1 : i32
      %add3A_54 = arith.addi %mul3A_52, %add3A_53 : i32
      %ge3A_55 = arith.constant 2 : i32
      %ge3A_56 = arith.cmpi sge, %add3A_54, %ge3A_55 : i32
      %sub3A_57 = arith.constant 2 : i32
      %sub3A_58 = arith.subi %add3A_54, %sub3A_57 : i32
      %lt3A_59 = arith.cmpi slt, %sub3A_58, %select_n3A : i32
      %and3A_60 = arith.andi %ge3A_56, %lt3A_59 : i1
      %convert_element_type3A_61 = arith.extui %and3A_60 : i1 to i32
      %cond3A_62 = arith.constant 0 : i32
      %cond3A_63 = arith.cmpi ne, %convert_element_type3A_61, %cond3A_62 : i32
      scf.if %cond3A_63 {
        %sub3A_120 = arith.constant 2 : i32
        %sub3A_121 = arith.subi %add3A_54, %sub3A_120 : i32
        %dma_wait3A = arith.constant 0 : i32
        %dma_wait3A_122 = tpu.memref_slice %arg7[%sub3A_121, %dma_wait3A] : memref<79x128xi32, #tpu.memory_space<vmem>> -> memref<1x128xi32, #tpu.memory_space<vmem>>
        %dma_wait3A_123 = tpu.memref_squeeze %dma_wait3A_122 : memref<1x128xi32, #tpu.memory_space<vmem>> -> memref<128xi32, #tpu.memory_space<vmem>>
        %dma_wait3A_124 = arith.constant 0 : i32
        %dma_wait3A_125 = arith.constant 0 : i32
        %dma_wait3A_126 = tpu.memref_slice %arg12[%dma_wait3A_124, %dma_wait3A_125] : memref<10240x16xf32, #tpu.memory_space<vmem_shared>> -> memref<10240x16xf32, #tpu.memory_space<vmem_shared>>
        tpu.wait_indirect_dma semaphore(%arg21 : memref<!tpu.dma_semaphore, #tpu.memory_space<semaphore_mem>>) src(%arg11 : memref<128x16xf32, #tpu.memory_space<vmem>>) dst(%dma_wait3A_126 : memref<10240x16xf32, #tpu.memory_space<vmem_shared>>)
      } else {
      }
      %add3A_64 = arith.constant 2 : i32
      %add3A_65 = arith.addi %add3A_54, %add3A_64 : i32
      %lt3A_66 = arith.cmpi slt, %add3A_65, %select_n3A : i32
      %convert_element_type3A_67 = arith.extui %lt3A_66 : i1 to i32
      %cond3A_68 = arith.constant 0 : i32
      %cond3A_69 = arith.cmpi ne, %convert_element_type3A_67, %cond3A_68 : i32
      scf.if %cond3A_69 {
        %add3A_120 = arith.constant 2 : i32
        %add3A_121 = arith.addi %add3A_54, %add3A_120 : i32
        %dma_start3A_122 = arith.constant 0 : i32
        %dma_start3A_123 = tpu.memref_slice %arg6[%add3A_121, %dma_start3A_122] : memref<79x128xi32, #tpu.memory_space<vmem>> -> memref<1x128xi32, #tpu.memory_space<vmem>>
        %dma_start3A_124 = tpu.memref_squeeze %dma_start3A_123 : memref<1x128xi32, #tpu.memory_space<vmem>> -> memref<128xi32, #tpu.memory_space<vmem>>
        %dma_start3A_125 = arith.constant 0 : i32
        %dma_start3A_126 = arith.constant 0 : i32
        %dma_start3A_127 = tpu.memref_slice %arg13[%dma_start3A_125, %dma_start3A_126] : memref<10240x16xf32, #tpu.memory_space<vmem_shared>> -> memref<10240x16xf32, #tpu.memory_space<vmem_shared>>
        tpu.enqueue_indirect_dma source(%dma_start3A_127 : memref<10240x16xf32, #tpu.memory_space<vmem_shared>>) target(%arg11 : memref<128x16xf32, #tpu.memory_space<vmem>>) offsets(%dma_start3A_124 : memref<128xi32, #tpu.memory_space<vmem>>) semaphore(%arg17 : memref<!tpu.dma_semaphore, #tpu.memory_space<semaphore_mem>>)
      } else {
      }
      %lt3A_70 = arith.cmpi slt, %add3A_54, %select_n3A : i32
      %convert_element_type3A_71 = arith.extui %lt3A_70 : i1 to i32
      %cond3A_72 = arith.constant 0 : i32
      %cond3A_73 = arith.cmpi ne, %convert_element_type3A_71, %cond3A_72 : i32
      scf.if %cond3A_73 {
        %dma_wait3A = arith.constant 0 : i32
        %dma_wait3A_120 = tpu.memref_slice %arg6[%add3A_54, %dma_wait3A] : memref<79x128xi32, #tpu.memory_space<vmem>> -> memref<1x128xi32, #tpu.memory_space<vmem>>
        %dma_wait3A_121 = tpu.memref_squeeze %dma_wait3A_120 : memref<1x128xi32, #tpu.memory_space<vmem>> -> memref<128xi32, #tpu.memory_space<vmem>>
        %dma_wait3A_122 = arith.constant 0 : i32
        %dma_wait3A_123 = arith.constant 0 : i32
        %dma_wait3A_124 = tpu.memref_slice %arg13[%dma_wait3A_122, %dma_wait3A_123] : memref<10240x16xf32, #tpu.memory_space<vmem_shared>> -> memref<10240x16xf32, #tpu.memory_space<vmem_shared>>
        tpu.wait_indirect_dma semaphore(%arg15 : memref<!tpu.dma_semaphore, #tpu.memory_space<semaphore_mem>>) src(%dma_wait3A_124 : memref<10240x16xf32, #tpu.memory_space<vmem_shared>>) dst(%arg9 : memref<128x16xf32, #tpu.memory_space<vmem>>)
        %dma_start3A_125 = arith.constant 0 : i32
        %dma_start3A_126 = tpu.memref_slice %arg7[%add3A_54, %dma_start3A_125] : memref<79x128xi32, #tpu.memory_space<vmem>> -> memref<1x128xi32, #tpu.memory_space<vmem>>
        %dma_start3A_127 = tpu.memref_squeeze %dma_start3A_126 : memref<1x128xi32, #tpu.memory_space<vmem>> -> memref<128xi32, #tpu.memory_space<vmem>>
        %dma_start3A_128 = arith.constant 0 : i32
        %dma_start3A_129 = arith.constant 0 : i32
        %dma_start3A_130 = tpu.memref_slice %arg12[%dma_start3A_128, %dma_start3A_129] : memref<10240x16xf32, #tpu.memory_space<vmem_shared>> -> memref<10240x16xf32, #tpu.memory_space<vmem_shared>>
        tpu.enqueue_indirect_dma source(%arg9 : memref<128x16xf32, #tpu.memory_space<vmem>>) target(%dma_start3A_130 : memref<10240x16xf32, #tpu.memory_space<vmem_shared>>) offsets(%dma_start3A_127 : memref<128xi32, #tpu.memory_space<vmem>>) semaphore(%arg19 : memref<!tpu.dma_semaphore, #tpu.memory_space<semaphore_mem>>) {add = true}
      } else {
      }
      %mul3A_74 = arith.constant 4 : i32
      %mul3A_75 = arith.muli %mul3A_74, %scan3A_31 : i32
      %add3A_76 = arith.constant 2 : i32
      %add3A_77 = arith.addi %mul3A_75, %add3A_76 : i32
      %ge3A_78 = arith.constant 2 : i32
      %ge3A_79 = arith.cmpi sge, %add3A_77, %ge3A_78 : i32
      %sub3A_80 = arith.constant 2 : i32
      %sub3A_81 = arith.subi %add3A_77, %sub3A_80 : i32
      %lt3A_82 = arith.cmpi slt, %sub3A_81, %select_n3A : i32
      %and3A_83 = arith.andi %ge3A_79, %lt3A_82 : i1
      %convert_element_type3A_84 = arith.extui %and3A_83 : i1 to i32
      %cond3A_85 = arith.constant 0 : i32
      %cond3A_86 = arith.cmpi ne, %convert_element_type3A_84, %cond3A_85 : i32
      scf.if %cond3A_86 {
        %sub3A_120 = arith.constant 2 : i32
        %sub3A_121 = arith.subi %add3A_77, %sub3A_120 : i32
        %dma_wait3A = arith.constant 0 : i32
        %dma_wait3A_122 = tpu.memref_slice %arg7[%sub3A_121, %dma_wait3A] : memref<79x128xi32, #tpu.memory_space<vmem>> -> memref<1x128xi32, #tpu.memory_space<vmem>>
        %dma_wait3A_123 = tpu.memref_squeeze %dma_wait3A_122 : memref<1x128xi32, #tpu.memory_space<vmem>> -> memref<128xi32, #tpu.memory_space<vmem>>
        %dma_wait3A_124 = arith.constant 0 : i32
        %dma_wait3A_125 = arith.constant 0 : i32
        %dma_wait3A_126 = tpu.memref_slice %arg12[%dma_wait3A_124, %dma_wait3A_125] : memref<10240x16xf32, #tpu.memory_space<vmem_shared>> -> memref<10240x16xf32, #tpu.memory_space<vmem_shared>>
        tpu.wait_indirect_dma semaphore(%arg18 : memref<!tpu.dma_semaphore, #tpu.memory_space<semaphore_mem>>) src(%arg8 : memref<128x16xf32, #tpu.memory_space<vmem>>) dst(%dma_wait3A_126 : memref<10240x16xf32, #tpu.memory_space<vmem_shared>>)
      } else {
      }
      %add3A_87 = arith.constant 2 : i32
      %add3A_88 = arith.addi %add3A_77, %add3A_87 : i32
      %lt3A_89 = arith.cmpi slt, %add3A_88, %select_n3A : i32
      %convert_element_type3A_90 = arith.extui %lt3A_89 : i1 to i32
      %cond3A_91 = arith.constant 0 : i32
      %cond3A_92 = arith.cmpi ne, %convert_element_type3A_90, %cond3A_91 : i32
      scf.if %cond3A_92 {
        %add3A_120 = arith.constant 2 : i32
        %add3A_121 = arith.addi %add3A_77, %add3A_120 : i32
        %dma_start3A_122 = arith.constant 0 : i32
        %dma_start3A_123 = tpu.memref_slice %arg6[%add3A_121, %dma_start3A_122] : memref<79x128xi32, #tpu.memory_space<vmem>> -> memref<1x128xi32, #tpu.memory_space<vmem>>
        %dma_start3A_124 = tpu.memref_squeeze %dma_start3A_123 : memref<1x128xi32, #tpu.memory_space<vmem>> -> memref<128xi32, #tpu.memory_space<vmem>>
        %dma_start3A_125 = arith.constant 0 : i32
        %dma_start3A_126 = arith.constant 0 : i32
        %dma_start3A_127 = tpu.memref_slice %arg13[%dma_start3A_125, %dma_start3A_126] : memref<10240x16xf32, #tpu.memory_space<vmem_shared>> -> memref<10240x16xf32, #tpu.memory_space<vmem_shared>>
        tpu.enqueue_indirect_dma source(%dma_start3A_127 : memref<10240x16xf32, #tpu.memory_space<vmem_shared>>) target(%arg8 : memref<128x16xf32, #tpu.memory_space<vmem>>) offsets(%dma_start3A_124 : memref<128xi32, #tpu.memory_space<vmem>>) semaphore(%arg14 : memref<!tpu.dma_semaphore, #tpu.memory_space<semaphore_mem>>)
      } else {
      }
      %lt3A_93 = arith.cmpi slt, %add3A_77, %select_n3A : i32
      %convert_element_type3A_94 = arith.extui %lt3A_93 : i1 to i32
      %cond3A_95 = arith.constant 0 : i32
      %cond3A_96 = arith.cmpi ne, %convert_element_type3A_94, %cond3A_95 : i32
      scf.if %cond3A_96 {
        %dma_wait3A = arith.constant 0 : i32
        %dma_wait3A_120 = tpu.memref_slice %arg6[%add3A_77, %dma_wait3A] : memref<79x128xi32, #tpu.memory_space<vmem>> -> memref<1x128xi32, #tpu.memory_space<vmem>>
        %dma_wait3A_121 = tpu.memref_squeeze %dma_wait3A_120 : memref<1x128xi32, #tpu.memory_space<vmem>> -> memref<128xi32, #tpu.memory_space<vmem>>
        %dma_wait3A_122 = arith.constant 0 : i32
        %dma_wait3A_123 = arith.constant 0 : i32
        %dma_wait3A_124 = tpu.memref_slice %arg13[%dma_wait3A_122, %dma_wait3A_123] : memref<10240x16xf32, #tpu.memory_space<vmem_shared>> -> memref<10240x16xf32, #tpu.memory_space<vmem_shared>>
        tpu.wait_indirect_dma semaphore(%arg16 : memref<!tpu.dma_semaphore, #tpu.memory_space<semaphore_mem>>) src(%dma_wait3A_124 : memref<10240x16xf32, #tpu.memory_space<vmem_shared>>) dst(%arg10 : memref<128x16xf32, #tpu.memory_space<vmem>>)
        %dma_start3A_125 = arith.constant 0 : i32
        %dma_start3A_126 = tpu.memref_slice %arg7[%add3A_77, %dma_start3A_125] : memref<79x128xi32, #tpu.memory_space<vmem>> -> memref<1x128xi32, #tpu.memory_space<vmem>>
        %dma_start3A_127 = tpu.memref_squeeze %dma_start3A_126 : memref<1x128xi32, #tpu.memory_space<vmem>> -> memref<128xi32, #tpu.memory_space<vmem>>
        %dma_start3A_128 = arith.constant 0 : i32
        %dma_start3A_129 = arith.constant 0 : i32
        %dma_start3A_130 = tpu.memref_slice %arg12[%dma_start3A_128, %dma_start3A_129] : memref<10240x16xf32, #tpu.memory_space<vmem_shared>> -> memref<10240x16xf32, #tpu.memory_space<vmem_shared>>
        tpu.enqueue_indirect_dma source(%arg10 : memref<128x16xf32, #tpu.memory_space<vmem>>) target(%dma_start3A_130 : memref<10240x16xf32, #tpu.memory_space<vmem_shared>>) offsets(%dma_start3A_127 : memref<128xi32, #tpu.memory_space<vmem>>) semaphore(%arg20 : memref<!tpu.dma_semaphore, #tpu.memory_space<semaphore_mem>>) {add = true}
      } else {
      }
      %mul3A_97 = arith.constant 4 : i32
      %mul3A_98 = arith.muli %mul3A_97, %scan3A_31 : i32
      %add3A_99 = arith.constant 3 : i32
      %add3A_100 = arith.addi %mul3A_98, %add3A_99 : i32
      %ge3A_101 = arith.constant 2 : i32
      %ge3A_102 = arith.cmpi sge, %add3A_100, %ge3A_101 : i32
      %sub3A_103 = arith.constant 2 : i32
      %sub3A_104 = arith.subi %add3A_100, %sub3A_103 : i32
      %lt3A_105 = arith.cmpi slt, %sub3A_104, %select_n3A : i32
      %and3A_106 = arith.andi %ge3A_102, %lt3A_105 : i1
      %convert_element_type3A_107 = arith.extui %and3A_106 : i1 to i32
      %cond3A_108 = arith.constant 0 : i32
      %cond3A_109 = arith.cmpi ne, %convert_element_type3A_107, %cond3A_108 : i32
      scf.if %cond3A_109 {
        %sub3A_120 = arith.constant 2 : i32
        %sub3A_121 = arith.subi %add3A_100, %sub3A_120 : i32
        %dma_wait3A = arith.constant 0 : i32
        %dma_wait3A_122 = tpu.memref_slice %arg7[%sub3A_121, %dma_wait3A] : memref<79x128xi32, #tpu.memory_space<vmem>> -> memref<1x128xi32, #tpu.memory_space<vmem>>
        %dma_wait3A_123 = tpu.memref_squeeze %dma_wait3A_122 : memref<1x128xi32, #tpu.memory_space<vmem>> -> memref<128xi32, #tpu.memory_space<vmem>>
        %dma_wait3A_124 = arith.constant 0 : i32
        %dma_wait3A_125 = arith.constant 0 : i32
        %dma_wait3A_126 = tpu.memref_slice %arg12[%dma_wait3A_124, %dma_wait3A_125] : memref<10240x16xf32, #tpu.memory_space<vmem_shared>> -> memref<10240x16xf32, #tpu.memory_space<vmem_shared>>
        tpu.wait_indirect_dma semaphore(%arg19 : memref<!tpu.dma_semaphore, #tpu.memory_space<semaphore_mem>>) src(%arg9 : memref<128x16xf32, #tpu.memory_space<vmem>>) dst(%dma_wait3A_126 : memref<10240x16xf32, #tpu.memory_space<vmem_shared>>)
      } else {
      }
      %add3A_110 = arith.constant 2 : i32
      %add3A_111 = arith.addi %add3A_100, %add3A_110 : i32
      %lt3A_112 = arith.cmpi slt, %add3A_111, %select_n3A : i32
      %convert_element_type3A_113 = arith.extui %lt3A_112 : i1 to i32
      %cond3A_114 = arith.constant 0 : i32
      %cond3A_115 = arith.cmpi ne, %convert_element_type3A_113, %cond3A_114 : i32
      scf.if %cond3A_115 {
        %add3A_120 = arith.constant 2 : i32
        %add3A_121 = arith.addi %add3A_100, %add3A_120 : i32
        %dma_start3A_122 = arith.constant 0 : i32
        %dma_start3A_123 = tpu.memref_slice %arg6[%add3A_121, %dma_start3A_122] : memref<79x128xi32, #tpu.memory_space<vmem>> -> memref<1x128xi32, #tpu.memory_space<vmem>>
        %dma_start3A_124 = tpu.memref_squeeze %dma_start3A_123 : memref<1x128xi32, #tpu.memory_space<vmem>> -> memref<128xi32, #tpu.memory_space<vmem>>
        %dma_start3A_125 = arith.constant 0 : i32
        %dma_start3A_126 = arith.constant 0 : i32
        %dma_start3A_127 = tpu.memref_slice %arg13[%dma_start3A_125, %dma_start3A_126] : memref<10240x16xf32, #tpu.memory_space<vmem_shared>> -> memref<10240x16xf32, #tpu.memory_space<vmem_shared>>
        tpu.enqueue_indirect_dma source(%dma_start3A_127 : memref<10240x16xf32, #tpu.memory_space<vmem_shared>>) target(%arg9 : memref<128x16xf32, #tpu.memory_space<vmem>>) offsets(%dma_start3A_124 : memref<128xi32, #tpu.memory_space<vmem>>) semaphore(%arg15 : memref<!tpu.dma_semaphore, #tpu.memory_space<semaphore_mem>>)
      } else {
      }
      %lt3A_116 = arith.cmpi slt, %add3A_100, %select_n3A : i32
      %convert_element_type3A_117 = arith.extui %lt3A_116 : i1 to i32
      %cond3A_118 = arith.constant 0 : i32
      %cond3A_119 = arith.cmpi ne, %convert_element_type3A_117, %cond3A_118 : i32
      scf.if %cond3A_119 {
        %dma_wait3A = arith.constant 0 : i32
        %dma_wait3A_120 = tpu.memref_slice %arg6[%add3A_100, %dma_wait3A] : memref<79x128xi32, #tpu.memory_space<vmem>> -> memref<1x128xi32, #tpu.memory_space<vmem>>
        %dma_wait3A_121 = tpu.memref_squeeze %dma_wait3A_120 : memref<1x128xi32, #tpu.memory_space<vmem>> -> memref<128xi32, #tpu.memory_space<vmem>>
        %dma_wait3A_122 = arith.constant 0 : i32
        %dma_wait3A_123 = arith.constant 0 : i32
        %dma_wait3A_124 = tpu.memref_slice %arg13[%dma_wait3A_122, %dma_wait3A_123] : memref<10240x16xf32, #tpu.memory_space<vmem_shared>> -> memref<10240x16xf32, #tpu.memory_space<vmem_shared>>
        tpu.wait_indirect_dma semaphore(%arg17 : memref<!tpu.dma_semaphore, #tpu.memory_space<semaphore_mem>>) src(%dma_wait3A_124 : memref<10240x16xf32, #tpu.memory_space<vmem_shared>>) dst(%arg11 : memref<128x16xf32, #tpu.memory_space<vmem>>)
        %dma_start3A_125 = arith.constant 0 : i32
        %dma_start3A_126 = tpu.memref_slice %arg7[%add3A_100, %dma_start3A_125] : memref<79x128xi32, #tpu.memory_space<vmem>> -> memref<1x128xi32, #tpu.memory_space<vmem>>
        %dma_start3A_127 = tpu.memref_squeeze %dma_start3A_126 : memref<1x128xi32, #tpu.memory_space<vmem>> -> memref<128xi32, #tpu.memory_space<vmem>>
        %dma_start3A_128 = arith.constant 0 : i32
        %dma_start3A_129 = arith.constant 0 : i32
        %dma_start3A_130 = tpu.memref_slice %arg12[%dma_start3A_128, %dma_start3A_129] : memref<10240x16xf32, #tpu.memory_space<vmem_shared>> -> memref<10240x16xf32, #tpu.memory_space<vmem_shared>>
        tpu.enqueue_indirect_dma source(%arg11 : memref<128x16xf32, #tpu.memory_space<vmem>>) target(%dma_start3A_130 : memref<10240x16xf32, #tpu.memory_space<vmem_shared>>) offsets(%dma_start3A_127 : memref<128xi32, #tpu.memory_space<vmem>>) semaphore(%arg21 : memref<!tpu.dma_semaphore, #tpu.memory_space<semaphore_mem>>) {add = true}
      } else {
      }
    }
    %scan3A_29 = arith.constant 21 : i32
    %barrier3A_30 = arith.constant 0 : index
    tpu.barrier barrier_id(%barrier3A_30)
    "tpu.region"() ({
      %run_scoped3A = tpu.sem_alloc : memref<!tpu.dma_semaphore, #tpu.memory_space<semaphore_mem>>
      %dma_start3A_31 = arith.constant 0 : i32
      %dma_start3A_32 = arith.constant 0 : i32
      %dma_start3A_33 = tpu.memref_slice %arg5[%arg0, %dma_start3A_31, %dma_start3A_32] : memref<2x10240x16xf32, #tpu.memory_space<hbm>> -> memref<1x10240x16xf32, #tpu.memory_space<hbm>>
      %dma_start3A_34 = tpu.memref_squeeze %dma_start3A_33 : memref<1x10240x16xf32, #tpu.memory_space<hbm>> -> memref<10240x16xf32, #tpu.memory_space<hbm>>
      %dma_start3A_35 = arith.constant 0 : i32
      %dma_start3A_36 = tpu.memref_slice %dma_start3A_34[%mul3A_11, %dma_start3A_35] : memref<10240x16xf32, #tpu.memory_space<hbm>> -> memref<640x16xf32, #tpu.memory_space<hbm>>
      %dma_start3A_37 = arith.constant 0 : i32
      %dma_start3A_38 = tpu.memref_slice %arg12[%mul3A_11, %dma_start3A_37] : memref<10240x16xf32, #tpu.memory_space<vmem_shared>> -> memref<640x16xf32, #tpu.memory_space<vmem_shared>>
      tpu.enqueue_dma source(%dma_start3A_38 : memref<640x16xf32, #tpu.memory_space<vmem_shared>>) target(%dma_start3A_36 : memref<640x16xf32, #tpu.memory_space<hbm>>) target_semaphore(%run_scoped3A : memref<!tpu.dma_semaphore, #tpu.memory_space<semaphore_mem>>)
      %dma_wait3A = arith.constant 0 : i32
      %dma_wait3A_39 = arith.constant 0 : i32
      %dma_wait3A_40 = tpu.memref_slice %arg5[%arg0, %dma_wait3A, %dma_wait3A_39] : memref<2x10240x16xf32, #tpu.memory_space<hbm>> -> memref<1x10240x16xf32, #tpu.memory_space<hbm>>
      %dma_wait3A_41 = tpu.memref_squeeze %dma_wait3A_40 : memref<1x10240x16xf32, #tpu.memory_space<hbm>> -> memref<10240x16xf32, #tpu.memory_space<hbm>>
      %dma_wait3A_42 = arith.constant 0 : i32
      %dma_wait3A_43 = tpu.memref_slice %dma_wait3A_41[%mul3A_11, %dma_wait3A_42] : memref<10240x16xf32, #tpu.memory_space<hbm>> -> memref<640x16xf32, #tpu.memory_space<hbm>>
      %dma_wait3A_44 = arith.constant 0 : i32
      %dma_wait3A_45 = tpu.memref_slice %arg12[%mul3A_11, %dma_wait3A_44] : memref<10240x16xf32, #tpu.memory_space<vmem_shared>> -> memref<640x16xf32, #tpu.memory_space<vmem_shared>>
      tpu.wait_dma2 semaphore(%run_scoped3A : memref<!tpu.dma_semaphore, #tpu.memory_space<semaphore_mem>>) src(%dma_wait3A_45 : memref<640x16xf32, #tpu.memory_space<vmem_shared>>) dst(%dma_wait3A_43 : memref<640x16xf32, #tpu.memory_space<hbm>>)
      tpu.yield
    }) : () -> ()
    return
  }
}

#map = affine_map<(d0, d1) -> (0, 0)>
#map1 = affine_map<(d0, d1) -> (0)>
module attributes {stable_mosaic.version = 14 : i64} {
  func.func @_deg_body(%arg0: i32, %arg1: i32, %arg2: memref<5000x128xi32, #tpu.memory_space<hbm>>, %arg3: memref<10240xf32, #tpu.memory_space<hbm>>, %arg4: memref<10240xf32, #tpu.memory_space<hbm>>, %arg5: memref<157x128xi32, #tpu.memory_space<vmem>>, %arg6: memref<128xf32, #tpu.memory_space<vmem>>, %arg7: memref<10240xf32, #tpu.memory_space<vmem_shared>>, %arg8: memref<!tpu.dma_semaphore, #tpu.memory_space<semaphore_mem>>, %arg9: memref<!tpu.dma_semaphore, #tpu.memory_space<semaphore_mem>>, %arg10: memref<!tpu.dma_semaphore, #tpu.memory_space<semaphore_mem>>, %arg11: memref<!tpu.dma_semaphore, #tpu.memory_space<semaphore_mem>>) attributes {dimension_semantics = [#tpu.dimension_semantics<core_parallel>, #tpu.dimension_semantics<subcore_parallel>], iteration_bounds = array<i64: 2, 16>, scalar_prefetch = 0 : i64, scratch_operands = 7 : i64, tpu.core_type = #tpu.core_type<sc_vector_subcore>, window_params = [{transform_indices = #map}, {transform_indices = #map1}, {transform_indices = #map1}]} {
    %ge3A = arith.constant 12 : i32
    %ge3A_0 = arith.cmpi sge, %arg1, %ge3A : i32
    %jit3A = arith.constant 157 : i32
    %jit3A_1 = arith.constant 156 : i32
    %select_n3A = arith.select %ge3A_0, %jit3A, %jit3A_1 : i32
    %mul3A = arith.constant 156 : i32
    %mul3A_2 = arith.muli %mul3A, %arg1 : i32
    %sub3A = arith.constant 12 : i32
    %sub3A_3 = arith.subi %arg1, %sub3A : i32
    %max3A = arith.constant 0 : i32
    %max3A_4 = arith.maxsi %sub3A_3, %max3A : i32
    %add3A = arith.addi %mul3A_2, %max3A_4 : i32
    %broadcast_in_dim3A = arith.constant 1.000000e+00 : f32
    %broadcast_in_dim3A_5 = vector.broadcast %broadcast_in_dim3A : f32 to vector<16xf32>
    %swap3A = arith.constant 0 : index
    %swap3A_6 = tpu.vector_load %arg6[%swap3A] {strides = array<i32>} : memref<128xf32, #tpu.memory_space<vmem>>, vector<16xf32>,
    %swap3A_7 = vector.shape_cast %swap3A_6 : vector<16xf32> to vector<16xf32>
    %swap3A_8 = vector.shape_cast %broadcast_in_dim3A_5 : vector<16xf32> to vector<16xf32>
    tpu.vector_store %arg6[%swap3A], %swap3A_8 {strides = array<i32>} : memref<128xf32, #tpu.memory_space<vmem>>, vector<16xf32>,
    %swap3A_9 = arith.constant 16 : index
    %swap3A_10 = tpu.vector_load %arg6[%swap3A_9] {strides = array<i32>} : memref<128xf32, #tpu.memory_space<vmem>>, vector<16xf32>,
    %swap3A_11 = vector.shape_cast %swap3A_10 : vector<16xf32> to vector<16xf32>
    %swap3A_12 = vector.shape_cast %broadcast_in_dim3A_5 : vector<16xf32> to vector<16xf32>
    tpu.vector_store %arg6[%swap3A_9], %swap3A_12 {strides = array<i32>} : memref<128xf32, #tpu.memory_space<vmem>>, vector<16xf32>,
    %swap3A_13 = arith.constant 32 : index
    %swap3A_14 = tpu.vector_load %arg6[%swap3A_13] {strides = array<i32>} : memref<128xf32, #tpu.memory_space<vmem>>, vector<16xf32>,
    %swap3A_15 = vector.shape_cast %swap3A_14 : vector<16xf32> to vector<16xf32>
    %swap3A_16 = vector.shape_cast %broadcast_in_dim3A_5 : vector<16xf32> to vector<16xf32>
    tpu.vector_store %arg6[%swap3A_13], %swap3A_16 {strides = array<i32>} : memref<128xf32, #tpu.memory_space<vmem>>, vector<16xf32>,
    %swap3A_17 = arith.constant 48 : index
    %swap3A_18 = tpu.vector_load %arg6[%swap3A_17] {strides = array<i32>} : memref<128xf32, #tpu.memory_space<vmem>>, vector<16xf32>,
    %swap3A_19 = vector.shape_cast %swap3A_18 : vector<16xf32> to vector<16xf32>
    %swap3A_20 = vector.shape_cast %broadcast_in_dim3A_5 : vector<16xf32> to vector<16xf32>
    tpu.vector_store %arg6[%swap3A_17], %swap3A_20 {strides = array<i32>} : memref<128xf32, #tpu.memory_space<vmem>>, vector<16xf32>,
    %swap3A_21 = arith.constant 64 : index
    %swap3A_22 = tpu.vector_load %arg6[%swap3A_21] {strides = array<i32>} : memref<128xf32, #tpu.memory_space<vmem>>, vector<16xf32>,
    %swap3A_23 = vector.shape_cast %swap3A_22 : vector<16xf32> to vector<16xf32>
    %swap3A_24 = vector.shape_cast %broadcast_in_dim3A_5 : vector<16xf32> to vector<16xf32>
    tpu.vector_store %arg6[%swap3A_21], %swap3A_24 {strides = array<i32>} : memref<128xf32, #tpu.memory_space<vmem>>, vector<16xf32>,
    %swap3A_25 = arith.constant 80 : index
    %swap3A_26 = tpu.vector_load %arg6[%swap3A_25] {strides = array<i32>} : memref<128xf32, #tpu.memory_space<vmem>>, vector<16xf32>,
    %swap3A_27 = vector.shape_cast %swap3A_26 : vector<16xf32> to vector<16xf32>
    %swap3A_28 = vector.shape_cast %broadcast_in_dim3A_5 : vector<16xf32> to vector<16xf32>
    tpu.vector_store %arg6[%swap3A_25], %swap3A_28 {strides = array<i32>} : memref<128xf32, #tpu.memory_space<vmem>>, vector<16xf32>,
    %swap3A_29 = arith.constant 96 : index
    %swap3A_30 = tpu.vector_load %arg6[%swap3A_29] {strides = array<i32>} : memref<128xf32, #tpu.memory_space<vmem>>, vector<16xf32>,
    %swap3A_31 = vector.shape_cast %swap3A_30 : vector<16xf32> to vector<16xf32>
    %swap3A_32 = vector.shape_cast %broadcast_in_dim3A_5 : vector<16xf32> to vector<16xf32>
    tpu.vector_store %arg6[%swap3A_29], %swap3A_32 {strides = array<i32>} : memref<128xf32, #tpu.memory_space<vmem>>, vector<16xf32>,
    %swap3A_33 = arith.constant 112 : index
    %swap3A_34 = tpu.vector_load %arg6[%swap3A_33] {strides = array<i32>} : memref<128xf32, #tpu.memory_space<vmem>>, vector<16xf32>,
    %swap3A_35 = vector.shape_cast %swap3A_34 : vector<16xf32> to vector<16xf32>
    %swap3A_36 = vector.shape_cast %broadcast_in_dim3A_5 : vector<16xf32> to vector<16xf32>
    tpu.vector_store %arg6[%swap3A_33], %swap3A_36 {strides = array<i32>} : memref<128xf32, #tpu.memory_space<vmem>>, vector<16xf32>,
    %add3A_37 = arith.constant 2500 : i32
    %add3A_38 = arith.addi %add3A_37, %add3A : i32
    "tpu.region"() ({
      %run_scoped3A = tpu.sem_alloc : memref<!tpu.dma_semaphore, #tpu.memory_space<semaphore_mem>>
      %dma_start3A = arith.constant 0 : i32
      %dma_start3A_49 = tpu.memref_slice %arg2[%add3A_38, %dma_start3A] : memref<5000x128xi32, #tpu.memory_space<hbm>> -> memref<157x128xi32, #tpu.memory_space<hbm>>
      %dma_start3A_50 = arith.constant 0 : i32
      %dma_start3A_51 = tpu.memref_slice %arg2[%add3A_38, %dma_start3A_50] : memref<5000x128xi32, #tpu.memory_space<hbm>> -> memref<157x128xi32, #tpu.memory_space<hbm>>
      tpu.enqueue_dma source(%dma_start3A_51 : memref<157x128xi32, #tpu.memory_space<hbm>>) target(%arg5 : memref<157x128xi32, #tpu.memory_space<vmem>>) target_semaphore(%run_scoped3A : memref<!tpu.dma_semaphore, #tpu.memory_space<semaphore_mem>>)
      %dma_wait3A = arith.constant 0 : i32
      %dma_wait3A_52 = tpu.memref_slice %arg2[%add3A_38, %dma_wait3A] : memref<5000x128xi32, #tpu.memory_space<hbm>> -> memref<157x128xi32, #tpu.memory_space<hbm>>
      %dma_wait3A_53 = arith.constant 0 : i32
      %dma_wait3A_54 = tpu.memref_slice %arg2[%add3A_38, %dma_wait3A_53] : memref<5000x128xi32, #tpu.memory_space<hbm>> -> memref<157x128xi32, #tpu.memory_space<hbm>>
      tpu.wait_dma2 semaphore(%run_scoped3A : memref<!tpu.dma_semaphore, #tpu.memory_space<semaphore_mem>>) src(%dma_wait3A_54 : memref<157x128xi32, #tpu.memory_space<hbm>>) dst(%arg5 : memref<157x128xi32, #tpu.memory_space<vmem>>)
      tpu.yield
    }) : () -> ()
    %mul3A_39 = arith.constant 640 : i32
    %mul3A_40 = arith.muli %arg1, %mul3A_39 : i32
    "tpu.region"() ({
      %run_scoped3A = tpu.sem_alloc : memref<!tpu.dma_semaphore, #tpu.memory_space<semaphore_mem>>
      %dma_start3A = tpu.memref_slice %arg7[%mul3A_40] : memref<10240xf32, #tpu.memory_space<vmem_shared>> -> memref<640xf32, #tpu.memory_space<vmem_shared>>
      %dma_start3A_49 = tpu.memref_slice %arg3[%mul3A_40] : memref<10240xf32, #tpu.memory_space<hbm>> -> memref<640xf32, #tpu.memory_space<hbm>>
      tpu.enqueue_dma source(%dma_start3A_49 : memref<640xf32, #tpu.memory_space<hbm>>) target(%dma_start3A : memref<640xf32, #tpu.memory_space<vmem_shared>>) target_semaphore(%run_scoped3A : memref<!tpu.dma_semaphore, #tpu.memory_space<semaphore_mem>>)
      %dma_wait3A = tpu.memref_slice %arg7[%mul3A_40] : memref<10240xf32, #tpu.memory_space<vmem_shared>> -> memref<640xf32, #tpu.memory_space<vmem_shared>>
      %dma_wait3A_50 = tpu.memref_slice %arg3[%mul3A_40] : memref<10240xf32, #tpu.memory_space<hbm>> -> memref<640xf32, #tpu.memory_space<hbm>>
      tpu.wait_dma2 semaphore(%run_scoped3A : memref<!tpu.dma_semaphore, #tpu.memory_space<semaphore_mem>>) src(%dma_wait3A_50 : memref<640xf32, #tpu.memory_space<hbm>>) dst(%dma_wait3A : memref<640xf32, #tpu.memory_space<vmem_shared>>)
      tpu.yield
    }) : () -> ()
    %barrier3A = arith.constant 0 : index
    tpu.barrier barrier_id(%barrier3A)
    %scan3A = arith.constant 0 : i32
    %scan3A_41 = arith.constant 0 : i32
    %scan3A_42 = arith.constant 41 : i32
    %scan3A_43 = arith.addi %scan3A_41, %scan3A_42 : i32
    %scan3A_44 = arith.constant 1 : i32
    scf.for %scan3A_49 = %scan3A_41 to %scan3A_43 step %scan3A_44  : i32 {
      %mul3A_50 = arith.constant 4 : i32
      %mul3A_51 = arith.muli %mul3A_50, %scan3A_49 : i32
      %add3A_52 = arith.constant 0 : i32
      %add3A_53 = arith.addi %mul3A_51, %add3A_52 : i32
      %ge3A_54 = arith.constant 4 : i32
      %ge3A_55 = arith.cmpi sge, %add3A_53, %ge3A_54 : i32
      %sub3A_56 = arith.constant 4 : i32
      %sub3A_57 = arith.subi %add3A_53, %sub3A_56 : i32
      %lt3A = arith.cmpi slt, %sub3A_57, %select_n3A : i32
      %and3A = arith.andi %ge3A_55, %lt3A : i1
      %convert_element_type3A_58 = arith.extui %and3A : i1 to i32
      %cond3A_59 = arith.constant 0 : i32
      %cond3A_60 = arith.cmpi ne, %convert_element_type3A_58, %cond3A_59 : i32
      scf.if %cond3A_60 {
        %sub3A_116 = arith.constant 4 : i32
        %sub3A_117 = arith.subi %add3A_53, %sub3A_116 : i32
        %dma_wait3A = arith.constant 0 : i32
        %dma_wait3A_118 = tpu.memref_slice %arg5[%sub3A_117, %dma_wait3A] : memref<157x128xi32, #tpu.memory_space<vmem>> -> memref<1x128xi32, #tpu.memory_space<vmem>>
        %dma_wait3A_119 = tpu.memref_squeeze %dma_wait3A_118 : memref<1x128xi32, #tpu.memory_space<vmem>> -> memref<128xi32, #tpu.memory_space<vmem>>
        %dma_wait3A_120 = arith.constant 0 : i32
        %dma_wait3A_121 = tpu.memref_slice %arg7[%dma_wait3A_120] : memref<10240xf32, #tpu.memory_space<vmem_shared>> -> memref<10240xf32, #tpu.memory_space<vmem_shared>>
        tpu.wait_indirect_dma semaphore(%arg8 : memref<!tpu.dma_semaphore, #tpu.memory_space<semaphore_mem>>) src(%arg6 : memref<128xf32, #tpu.memory_space<vmem>>) dst(%dma_wait3A_121 : memref<10240xf32, #tpu.memory_space<vmem_shared>>)
      } else {
      }
      %lt3A_61 = arith.cmpi slt, %add3A_53, %select_n3A : i32
      %convert_element_type3A_62 = arith.extui %lt3A_61 : i1 to i32
      %cond3A_63 = arith.constant 0 : i32
      %cond3A_64 = arith.cmpi ne, %convert_element_type3A_62, %cond3A_63 : i32
      scf.if %cond3A_64 {
        %dma_start3A = arith.constant 0 : i32
        %dma_start3A_116 = tpu.memref_slice %arg5[%add3A_53, %dma_start3A] : memref<157x128xi32, #tpu.memory_space<vmem>> -> memref<1x128xi32, #tpu.memory_space<vmem>>
        %dma_start3A_117 = tpu.memref_squeeze %dma_start3A_116 : memref<1x128xi32, #tpu.memory_space<vmem>> -> memref<128xi32, #tpu.memory_space<vmem>>
        %dma_start3A_118 = arith.constant 0 : i32
        %dma_start3A_119 = tpu.memref_slice %arg7[%dma_start3A_118] : memref<10240xf32, #tpu.memory_space<vmem_shared>> -> memref<10240xf32, #tpu.memory_space<vmem_shared>>
        tpu.enqueue_indirect_dma source(%arg6 : memref<128xf32, #tpu.memory_space<vmem>>) target(%dma_start3A_119 : memref<10240xf32, #tpu.memory_space<vmem_shared>>) offsets(%dma_start3A_117 : memref<128xi32, #tpu.memory_space<vmem>>) semaphore(%arg8 : memref<!tpu.dma_semaphore, #tpu.memory_space<semaphore_mem>>) {add = true}
      } else {
      }
      %mul3A_65 = arith.constant 4 : i32
      %mul3A_66 = arith.muli %mul3A_65, %scan3A_49 : i32
      %add3A_67 = arith.constant 1 : i32
      %add3A_68 = arith.addi %mul3A_66, %add3A_67 : i32
      %ge3A_69 = arith.constant 4 : i32
      %ge3A_70 = arith.cmpi sge, %add3A_68, %ge3A_69 : i32
      %sub3A_71 = arith.constant 4 : i32
      %sub3A_72 = arith.subi %add3A_68, %sub3A_71 : i32
      %lt3A_73 = arith.cmpi slt, %sub3A_72, %select_n3A : i32
      %and3A_74 = arith.andi %ge3A_70, %lt3A_73 : i1
      %convert_element_type3A_75 = arith.extui %and3A_74 : i1 to i32
      %cond3A_76 = arith.constant 0 : i32
      %cond3A_77 = arith.cmpi ne, %convert_element_type3A_75, %cond3A_76 : i32
      scf.if %cond3A_77 {
        %sub3A_116 = arith.constant 4 : i32
        %sub3A_117 = arith.subi %add3A_68, %sub3A_116 : i32
        %dma_wait3A = arith.constant 0 : i32
        %dma_wait3A_118 = tpu.memref_slice %arg5[%sub3A_117, %dma_wait3A] : memref<157x128xi32, #tpu.memory_space<vmem>> -> memref<1x128xi32, #tpu.memory_space<vmem>>
        %dma_wait3A_119 = tpu.memref_squeeze %dma_wait3A_118 : memref<1x128xi32, #tpu.memory_space<vmem>> -> memref<128xi32, #tpu.memory_space<vmem>>
        %dma_wait3A_120 = arith.constant 0 : i32
        %dma_wait3A_121 = tpu.memref_slice %arg7[%dma_wait3A_120] : memref<10240xf32, #tpu.memory_space<vmem_shared>> -> memref<10240xf32, #tpu.memory_space<vmem_shared>>
        tpu.wait_indirect_dma semaphore(%arg9 : memref<!tpu.dma_semaphore, #tpu.memory_space<semaphore_mem>>) src(%arg6 : memref<128xf32, #tpu.memory_space<vmem>>) dst(%dma_wait3A_121 : memref<10240xf32, #tpu.memory_space<vmem_shared>>)
      } else {
      }
      %lt3A_78 = arith.cmpi slt, %add3A_68, %select_n3A : i32
      %convert_element_type3A_79 = arith.extui %lt3A_78 : i1 to i32
      %cond3A_80 = arith.constant 0 : i32
      %cond3A_81 = arith.cmpi ne, %convert_element_type3A_79, %cond3A_80 : i32
      scf.if %cond3A_81 {
        %dma_start3A = arith.constant 0 : i32
        %dma_start3A_116 = tpu.memref_slice %arg5[%add3A_68, %dma_start3A] : memref<157x128xi32, #tpu.memory_space<vmem>> -> memref<1x128xi32, #tpu.memory_space<vmem>>
        %dma_start3A_117 = tpu.memref_squeeze %dma_start3A_116 : memref<1x128xi32, #tpu.memory_space<vmem>> -> memref<128xi32, #tpu.memory_space<vmem>>
        %dma_start3A_118 = arith.constant 0 : i32
        %dma_start3A_119 = tpu.memref_slice %arg7[%dma_start3A_118] : memref<10240xf32, #tpu.memory_space<vmem_shared>> -> memref<10240xf32, #tpu.memory_space<vmem_shared>>
        tpu.enqueue_indirect_dma source(%arg6 : memref<128xf32, #tpu.memory_space<vmem>>) target(%dma_start3A_119 : memref<10240xf32, #tpu.memory_space<vmem_shared>>) offsets(%dma_start3A_117 : memref<128xi32, #tpu.memory_space<vmem>>) semaphore(%arg9 : memref<!tpu.dma_semaphore, #tpu.memory_space<semaphore_mem>>) {add = true}
      } else {
      }
      %mul3A_82 = arith.constant 4 : i32
      %mul3A_83 = arith.muli %mul3A_82, %scan3A_49 : i32
      %add3A_84 = arith.constant 2 : i32
      %add3A_85 = arith.addi %mul3A_83, %add3A_84 : i32
      %ge3A_86 = arith.constant 4 : i32
      %ge3A_87 = arith.cmpi sge, %add3A_85, %ge3A_86 : i32
      %sub3A_88 = arith.constant 4 : i32
      %sub3A_89 = arith.subi %add3A_85, %sub3A_88 : i32
      %lt3A_90 = arith.cmpi slt, %sub3A_89, %select_n3A : i32
      %and3A_91 = arith.andi %ge3A_87, %lt3A_90 : i1
      %convert_element_type3A_92 = arith.extui %and3A_91 : i1 to i32
      %cond3A_93 = arith.constant 0 : i32
      %cond3A_94 = arith.cmpi ne, %convert_element_type3A_92, %cond3A_93 : i32
      scf.if %cond3A_94 {
        %sub3A_116 = arith.constant 4 : i32
        %sub3A_117 = arith.subi %add3A_85, %sub3A_116 : i32
        %dma_wait3A = arith.constant 0 : i32
        %dma_wait3A_118 = tpu.memref_slice %arg5[%sub3A_117, %dma_wait3A] : memref<157x128xi32, #tpu.memory_space<vmem>> -> memref<1x128xi32, #tpu.memory_space<vmem>>
        %dma_wait3A_119 = tpu.memref_squeeze %dma_wait3A_118 : memref<1x128xi32, #tpu.memory_space<vmem>> -> memref<128xi32, #tpu.memory_space<vmem>>
        %dma_wait3A_120 = arith.constant 0 : i32
        %dma_wait3A_121 = tpu.memref_slice %arg7[%dma_wait3A_120] : memref<10240xf32, #tpu.memory_space<vmem_shared>> -> memref<10240xf32, #tpu.memory_space<vmem_shared>>
        tpu.wait_indirect_dma semaphore(%arg10 : memref<!tpu.dma_semaphore, #tpu.memory_space<semaphore_mem>>) src(%arg6 : memref<128xf32, #tpu.memory_space<vmem>>) dst(%dma_wait3A_121 : memref<10240xf32, #tpu.memory_space<vmem_shared>>)
      } else {
      }
      %lt3A_95 = arith.cmpi slt, %add3A_85, %select_n3A : i32
      %convert_element_type3A_96 = arith.extui %lt3A_95 : i1 to i32
      %cond3A_97 = arith.constant 0 : i32
      %cond3A_98 = arith.cmpi ne, %convert_element_type3A_96, %cond3A_97 : i32
      scf.if %cond3A_98 {
        %dma_start3A = arith.constant 0 : i32
        %dma_start3A_116 = tpu.memref_slice %arg5[%add3A_85, %dma_start3A] : memref<157x128xi32, #tpu.memory_space<vmem>> -> memref<1x128xi32, #tpu.memory_space<vmem>>
        %dma_start3A_117 = tpu.memref_squeeze %dma_start3A_116 : memref<1x128xi32, #tpu.memory_space<vmem>> -> memref<128xi32, #tpu.memory_space<vmem>>
        %dma_start3A_118 = arith.constant 0 : i32
        %dma_start3A_119 = tpu.memref_slice %arg7[%dma_start3A_118] : memref<10240xf32, #tpu.memory_space<vmem_shared>> -> memref<10240xf32, #tpu.memory_space<vmem_shared>>
        tpu.enqueue_indirect_dma source(%arg6 : memref<128xf32, #tpu.memory_space<vmem>>) target(%dma_start3A_119 : memref<10240xf32, #tpu.memory_space<vmem_shared>>) offsets(%dma_start3A_117 : memref<128xi32, #tpu.memory_space<vmem>>) semaphore(%arg10 : memref<!tpu.dma_semaphore, #tpu.memory_space<semaphore_mem>>) {add = true}
      } else {
      }
      %mul3A_99 = arith.constant 4 : i32
      %mul3A_100 = arith.muli %mul3A_99, %scan3A_49 : i32
      %add3A_101 = arith.constant 3 : i32
      %add3A_102 = arith.addi %mul3A_100, %add3A_101 : i32
      %ge3A_103 = arith.constant 4 : i32
      %ge3A_104 = arith.cmpi sge, %add3A_102, %ge3A_103 : i32
      %sub3A_105 = arith.constant 4 : i32
      %sub3A_106 = arith.subi %add3A_102, %sub3A_105 : i32
      %lt3A_107 = arith.cmpi slt, %sub3A_106, %select_n3A : i32
      %and3A_108 = arith.andi %ge3A_104, %lt3A_107 : i1
      %convert_element_type3A_109 = arith.extui %and3A_108 : i1 to i32
      %cond3A_110 = arith.constant 0 : i32
      %cond3A_111 = arith.cmpi ne, %convert_element_type3A_109, %cond3A_110 : i32
      scf.if %cond3A_111 {
        %sub3A_116 = arith.constant 4 : i32
        %sub3A_117 = arith.subi %add3A_102, %sub3A_116 : i32
        %dma_wait3A = arith.constant 0 : i32
        %dma_wait3A_118 = tpu.memref_slice %arg5[%sub3A_117, %dma_wait3A] : memref<157x128xi32, #tpu.memory_space<vmem>> -> memref<1x128xi32, #tpu.memory_space<vmem>>
        %dma_wait3A_119 = tpu.memref_squeeze %dma_wait3A_118 : memref<1x128xi32, #tpu.memory_space<vmem>> -> memref<128xi32, #tpu.memory_space<vmem>>
        %dma_wait3A_120 = arith.constant 0 : i32
        %dma_wait3A_121 = tpu.memref_slice %arg7[%dma_wait3A_120] : memref<10240xf32, #tpu.memory_space<vmem_shared>> -> memref<10240xf32, #tpu.memory_space<vmem_shared>>
        tpu.wait_indirect_dma semaphore(%arg11 : memref<!tpu.dma_semaphore, #tpu.memory_space<semaphore_mem>>) src(%arg6 : memref<128xf32, #tpu.memory_space<vmem>>) dst(%dma_wait3A_121 : memref<10240xf32, #tpu.memory_space<vmem_shared>>)
      } else {
      }
      %lt3A_112 = arith.cmpi slt, %add3A_102, %select_n3A : i32
      %convert_element_type3A_113 = arith.extui %lt3A_112 : i1 to i32
      %cond3A_114 = arith.constant 0 : i32
      %cond3A_115 = arith.cmpi ne, %convert_element_type3A_113, %cond3A_114 : i32
      scf.if %cond3A_115 {
        %dma_start3A = arith.constant 0 : i32
        %dma_start3A_116 = tpu.memref_slice %arg5[%add3A_102, %dma_start3A] : memref<157x128xi32, #tpu.memory_space<vmem>> -> memref<1x128xi32, #tpu.memory_space<vmem>>
        %dma_start3A_117 = tpu.memref_squeeze %dma_start3A_116 : memref<1x128xi32, #tpu.memory_space<vmem>> -> memref<128xi32, #tpu.memory_space<vmem>>
        %dma_start3A_118 = arith.constant 0 : i32
        %dma_start3A_119 = tpu.memref_slice %arg7[%dma_start3A_118] : memref<10240xf32, #tpu.memory_space<vmem_shared>> -> memref<10240xf32, #tpu.memory_space<vmem_shared>>
        tpu.enqueue_indirect_dma source(%arg6 : memref<128xf32, #tpu.memory_space<vmem>>) target(%dma_start3A_119 : memref<10240xf32, #tpu.memory_space<vmem_shared>>) offsets(%dma_start3A_117 : memref<128xi32, #tpu.memory_space<vmem>>) semaphore(%arg11 : memref<!tpu.dma_semaphore, #tpu.memory_space<semaphore_mem>>) {add = true}
      } else {
      }
    }
    %scan3A_45 = arith.constant 41 : i32
    %barrier3A_46 = arith.constant 0 : index
    tpu.barrier barrier_id(%barrier3A_46)
    %eq3A = arith.constant 0 : i32
    %eq3A_47 = arith.cmpi eq, %arg0, %eq3A : i32
    %convert_element_type3A = arith.extui %eq3A_47 : i1 to i32
    %cond3A = arith.constant 0 : i32
    %cond3A_48 = arith.cmpi ne, %convert_element_type3A, %cond3A : i32
    scf.if %cond3A_48 {
      "tpu.region"() ({
        %run_scoped3A = tpu.sem_alloc : memref<!tpu.dma_semaphore, #tpu.memory_space<semaphore_mem>>
        %dma_start3A = tpu.memref_slice %arg4[%mul3A_40] : memref<10240xf32, #tpu.memory_space<hbm>> -> memref<640xf32, #tpu.memory_space<hbm>>
        %dma_start3A_49 = tpu.memref_slice %arg7[%mul3A_40] : memref<10240xf32, #tpu.memory_space<vmem_shared>> -> memref<640xf32, #tpu.memory_space<vmem_shared>>
        tpu.enqueue_dma source(%dma_start3A_49 : memref<640xf32, #tpu.memory_space<vmem_shared>>) target(%dma_start3A : memref<640xf32, #tpu.memory_space<hbm>>) target_semaphore(%run_scoped3A : memref<!tpu.dma_semaphore, #tpu.memory_space<semaphore_mem>>)
        %dma_wait3A = tpu.memref_slice %arg4[%mul3A_40] : memref<10240xf32, #tpu.memory_space<hbm>> -> memref<640xf32, #tpu.memory_space<hbm>>
        %dma_wait3A_50 = tpu.memref_slice %arg7[%mul3A_40] : memref<10240xf32, #tpu.memory_space<vmem_shared>> -> memref<640xf32, #tpu.memory_space<vmem_shared>>
        tpu.wait_dma2 semaphore(%run_scoped3A : memref<!tpu.dma_semaphore, #tpu.memory_space<semaphore_mem>>) src(%dma_wait3A_50 : memref<640xf32, #tpu.memory_space<vmem_shared>>) dst(%dma_wait3A : memref<640xf32, #tpu.memory_space<hbm>>)
        tpu.yield
      }) : () -> ()
    } else {
    }
    return
  }
}

#map = affine_map<(d0, d1) -> (0, 0)>
#map1 = affine_map<(d0, d1) -> (0, 0, 0)>
module attributes {stable_mosaic.version = 14 : i64} {
  func.func @agg(%arg0: i32, %arg1: i32, %arg2: memref<5000x128xi32, #tpu.memory_space<hbm>>, %arg3: memref<10240x32xf32, #tpu.memory_space<hbm>>, %arg4: memref<10240x32xf32, #tpu.memory_space<hbm>>, %arg5: memref<2x10240x32xf32, #tpu.memory_space<hbm>>, %arg6: memref<79x128xi32, #tpu.memory_space<vmem>>, %arg7: memref<79x128xi32, #tpu.memory_space<vmem>>, %arg8: memref<128x32xf32, #tpu.memory_space<vmem>>, %arg9: memref<128x32xf32, #tpu.memory_space<vmem>>, %arg10: memref<128x32xf32, #tpu.memory_space<vmem>>, %arg11: memref<128x32xf32, #tpu.memory_space<vmem>>, %arg12: memref<10240x32xf32, #tpu.memory_space<vmem_shared>>, %arg13: memref<10240x32xf32, #tpu.memory_space<vmem_shared>>, %arg14: memref<!tpu.dma_semaphore, #tpu.memory_space<semaphore_mem>>, %arg15: memref<!tpu.dma_semaphore, #tpu.memory_space<semaphore_mem>>, %arg16: memref<!tpu.dma_semaphore, #tpu.memory_space<semaphore_mem>>, %arg17: memref<!tpu.dma_semaphore, #tpu.memory_space<semaphore_mem>>, %arg18: memref<!tpu.dma_semaphore, #tpu.memory_space<semaphore_mem>>, %arg19: memref<!tpu.dma_semaphore, #tpu.memory_space<semaphore_mem>>, %arg20: memref<!tpu.dma_semaphore, #tpu.memory_space<semaphore_mem>>, %arg21: memref<!tpu.dma_semaphore, #tpu.memory_space<semaphore_mem>>) attributes {dimension_semantics = [#tpu.dimension_semantics<core_parallel>, #tpu.dimension_semantics<subcore_parallel>], iteration_bounds = array<i64: 2, 16>, scalar_prefetch = 0 : i64, scratch_operands = 16 : i64, tpu.core_type = #tpu.core_type<sc_vector_subcore>, window_params = [{transform_indices = #map}, {transform_indices = #map}, {transform_indices = #map}, {transform_indices = #map1}]} {
    %mul3A = arith.constant 16 : i32
    %mul3A_0 = arith.muli %arg0, %mul3A : i32
    %add3A = arith.addi %mul3A_0, %arg1 : i32
    %ge3A = arith.constant 28 : i32
    %ge3A_1 = arith.cmpi sge, %add3A, %ge3A : i32
    %jit3A = arith.constant 79 : i32
    %jit3A_2 = arith.constant 78 : i32
    %select_n3A = arith.select %ge3A_1, %jit3A, %jit3A_2 : i32
    %mul3A_3 = arith.constant 78 : i32
    %mul3A_4 = arith.muli %mul3A_3, %add3A : i32
    %sub3A = arith.constant 28 : i32
    %sub3A_5 = arith.subi %add3A, %sub3A : i32
    %max3A = arith.constant 0 : i32
    %max3A_6 = arith.maxsi %sub3A_5, %max3A : i32
    %add3A_7 = arith.addi %mul3A_4, %max3A_6 : i32
    "tpu.region"() ({
      %run_scoped3A = tpu.sem_alloc : memref<!tpu.dma_semaphore, #tpu.memory_space<semaphore_mem>>
      %dma_start3A_31 = arith.constant 0 : i32
      %dma_start3A_32 = tpu.memref_slice %arg2[%add3A_7, %dma_start3A_31] : memref<5000x128xi32, #tpu.memory_space<hbm>> -> memref<79x128xi32, #tpu.memory_space<hbm>>
      %dma_start3A_33 = arith.constant 0 : i32
      %dma_start3A_34 = tpu.memref_slice %arg2[%add3A_7, %dma_start3A_33] : memref<5000x128xi32, #tpu.memory_space<hbm>> -> memref<79x128xi32, #tpu.memory_space<hbm>>
      tpu.enqueue_dma source(%dma_start3A_34 : memref<79x128xi32, #tpu.memory_space<hbm>>) target(%arg6 : memref<79x128xi32, #tpu.memory_space<vmem>>) target_semaphore(%run_scoped3A : memref<!tpu.dma_semaphore, #tpu.memory_space<semaphore_mem>>)
      %dma_wait3A = arith.constant 0 : i32
      %dma_wait3A_35 = tpu.memref_slice %arg2[%add3A_7, %dma_wait3A] : memref<5000x128xi32, #tpu.memory_space<hbm>> -> memref<79x128xi32, #tpu.memory_space<hbm>>
      %dma_wait3A_36 = arith.constant 0 : i32
      %dma_wait3A_37 = tpu.memref_slice %arg2[%add3A_7, %dma_wait3A_36] : memref<5000x128xi32, #tpu.memory_space<hbm>> -> memref<79x128xi32, #tpu.memory_space<hbm>>
      tpu.wait_dma2 semaphore(%run_scoped3A : memref<!tpu.dma_semaphore, #tpu.memory_space<semaphore_mem>>) src(%dma_wait3A_37 : memref<79x128xi32, #tpu.memory_space<hbm>>) dst(%arg6 : memref<79x128xi32, #tpu.memory_space<vmem>>)
      tpu.yield
    }) : () -> ()
    %add3A_8 = arith.constant 2500 : i32
    %add3A_9 = arith.addi %add3A_8, %add3A_7 : i32
    "tpu.region"() ({
      %run_scoped3A = tpu.sem_alloc : memref<!tpu.dma_semaphore, #tpu.memory_space<semaphore_mem>>
      %dma_start3A_31 = arith.constant 0 : i32
      %dma_start3A_32 = tpu.memref_slice %arg2[%add3A_9, %dma_start3A_31] : memref<5000x128xi32, #tpu.memory_space<hbm>> -> memref<79x128xi32, #tpu.memory_space<hbm>>
      %dma_start3A_33 = arith.constant 0 : i32
      %dma_start3A_34 = tpu.memref_slice %arg2[%add3A_9, %dma_start3A_33] : memref<5000x128xi32, #tpu.memory_space<hbm>> -> memref<79x128xi32, #tpu.memory_space<hbm>>
      tpu.enqueue_dma source(%dma_start3A_34 : memref<79x128xi32, #tpu.memory_space<hbm>>) target(%arg7 : memref<79x128xi32, #tpu.memory_space<vmem>>) target_semaphore(%run_scoped3A : memref<!tpu.dma_semaphore, #tpu.memory_space<semaphore_mem>>)
      %dma_wait3A = arith.constant 0 : i32
      %dma_wait3A_35 = tpu.memref_slice %arg2[%add3A_9, %dma_wait3A] : memref<5000x128xi32, #tpu.memory_space<hbm>> -> memref<79x128xi32, #tpu.memory_space<hbm>>
      %dma_wait3A_36 = arith.constant 0 : i32
      %dma_wait3A_37 = tpu.memref_slice %arg2[%add3A_9, %dma_wait3A_36] : memref<5000x128xi32, #tpu.memory_space<hbm>> -> memref<79x128xi32, #tpu.memory_space<hbm>>
      tpu.wait_dma2 semaphore(%run_scoped3A : memref<!tpu.dma_semaphore, #tpu.memory_space<semaphore_mem>>) src(%dma_wait3A_37 : memref<79x128xi32, #tpu.memory_space<hbm>>) dst(%arg7 : memref<79x128xi32, #tpu.memory_space<vmem>>)
      tpu.yield
    }) : () -> ()
    %mul3A_10 = arith.constant 640 : i32
    %mul3A_11 = arith.muli %arg1, %mul3A_10 : i32
    "tpu.region"() ({
      %run_scoped3A = tpu.sem_alloc : memref<!tpu.dma_semaphore, #tpu.memory_space<semaphore_mem>>
      %dma_start3A_31 = arith.constant 0 : i32
      %dma_start3A_32 = tpu.memref_slice %arg12[%mul3A_11, %dma_start3A_31] : memref<10240x32xf32, #tpu.memory_space<vmem_shared>> -> memref<640x32xf32, #tpu.memory_space<vmem_shared>>
      %dma_start3A_33 = arith.constant 0 : i32
      %dma_start3A_34 = tpu.memref_slice %arg4[%mul3A_11, %dma_start3A_33] : memref<10240x32xf32, #tpu.memory_space<hbm>> -> memref<640x32xf32, #tpu.memory_space<hbm>>
      tpu.enqueue_dma source(%dma_start3A_34 : memref<640x32xf32, #tpu.memory_space<hbm>>) target(%dma_start3A_32 : memref<640x32xf32, #tpu.memory_space<vmem_shared>>) target_semaphore(%run_scoped3A : memref<!tpu.dma_semaphore, #tpu.memory_space<semaphore_mem>>)
      %dma_wait3A = arith.constant 0 : i32
      %dma_wait3A_35 = tpu.memref_slice %arg12[%mul3A_11, %dma_wait3A] : memref<10240x32xf32, #tpu.memory_space<vmem_shared>> -> memref<640x32xf32, #tpu.memory_space<vmem_shared>>
      %dma_wait3A_36 = arith.constant 0 : i32
      %dma_wait3A_37 = tpu.memref_slice %arg4[%mul3A_11, %dma_wait3A_36] : memref<10240x32xf32, #tpu.memory_space<hbm>> -> memref<640x32xf32, #tpu.memory_space<hbm>>
      tpu.wait_dma2 semaphore(%run_scoped3A : memref<!tpu.dma_semaphore, #tpu.memory_space<semaphore_mem>>) src(%dma_wait3A_37 : memref<640x32xf32, #tpu.memory_space<hbm>>) dst(%dma_wait3A_35 : memref<640x32xf32, #tpu.memory_space<vmem_shared>>)
      tpu.yield
    }) : () -> ()
    "tpu.region"() ({
      %run_scoped3A = tpu.sem_alloc : memref<!tpu.dma_semaphore, #tpu.memory_space<semaphore_mem>>
      %dma_start3A_31 = arith.constant 0 : i32
      %dma_start3A_32 = tpu.memref_slice %arg13[%mul3A_11, %dma_start3A_31] : memref<10240x32xf32, #tpu.memory_space<vmem_shared>> -> memref<640x32xf32, #tpu.memory_space<vmem_shared>>
      %dma_start3A_33 = arith.constant 0 : i32
      %dma_start3A_34 = tpu.memref_slice %arg3[%mul3A_11, %dma_start3A_33] : memref<10240x32xf32, #tpu.memory_space<hbm>> -> memref<640x32xf32, #tpu.memory_space<hbm>>
      tpu.enqueue_dma source(%dma_start3A_34 : memref<640x32xf32, #tpu.memory_space<hbm>>) target(%dma_start3A_32 : memref<640x32xf32, #tpu.memory_space<vmem_shared>>) target_semaphore(%run_scoped3A : memref<!tpu.dma_semaphore, #tpu.memory_space<semaphore_mem>>)
      %dma_wait3A = arith.constant 0 : i32
      %dma_wait3A_35 = tpu.memref_slice %arg13[%mul3A_11, %dma_wait3A] : memref<10240x32xf32, #tpu.memory_space<vmem_shared>> -> memref<640x32xf32, #tpu.memory_space<vmem_shared>>
      %dma_wait3A_36 = arith.constant 0 : i32
      %dma_wait3A_37 = tpu.memref_slice %arg3[%mul3A_11, %dma_wait3A_36] : memref<10240x32xf32, #tpu.memory_space<hbm>> -> memref<640x32xf32, #tpu.memory_space<hbm>>
      tpu.wait_dma2 semaphore(%run_scoped3A : memref<!tpu.dma_semaphore, #tpu.memory_space<semaphore_mem>>) src(%dma_wait3A_37 : memref<640x32xf32, #tpu.memory_space<hbm>>) dst(%dma_wait3A_35 : memref<640x32xf32, #tpu.memory_space<vmem_shared>>)
      tpu.yield
    }) : () -> ()
    %barrier3A = arith.constant 0 : index
    tpu.barrier barrier_id(%barrier3A)
    %dma_start3A = arith.constant 0 : i32
    %dma_start3A_12 = arith.constant 0 : i32
    %dma_start3A_13 = tpu.memref_slice %arg6[%dma_start3A, %dma_start3A_12] : memref<79x128xi32, #tpu.memory_space<vmem>> -> memref<1x128xi32, #tpu.memory_space<vmem>>
    %dma_start3A_14 = tpu.memref_squeeze %dma_start3A_13 : memref<1x128xi32, #tpu.memory_space<vmem>> -> memref<128xi32, #tpu.memory_space<vmem>>
    %dma_start3A_15 = arith.constant 0 : i32
    %dma_start3A_16 = arith.constant 0 : i32
    %dma_start3A_17 = tpu.memref_slice %arg13[%dma_start3A_15, %dma_start3A_16] : memref<10240x32xf32, #tpu.memory_space<vmem_shared>> -> memref<10240x32xf32, #tpu.memory_space<vmem_shared>>
    tpu.enqueue_indirect_dma source(%dma_start3A_17 : memref<10240x32xf32, #tpu.memory_space<vmem_shared>>) target(%arg8 : memref<128x32xf32, #tpu.memory_space<vmem>>) offsets(%dma_start3A_14 : memref<128xi32, #tpu.memory_space<vmem>>) semaphore(%arg14 : memref<!tpu.dma_semaphore, #tpu.memory_space<semaphore_mem>>)
    %dma_start3A_18 = arith.constant 1 : i32
    %dma_start3A_19 = arith.constant 0 : i32
    %dma_start3A_20 = tpu.memref_slice %arg6[%dma_start3A_18, %dma_start3A_19] : memref<79x128xi32, #tpu.memory_space<vmem>> -> memref<1x128xi32, #tpu.memory_space<vmem>>
    %dma_start3A_21 = tpu.memref_squeeze %dma_start3A_20 : memref<1x128xi32, #tpu.memory_space<vmem>> -> memref<128xi32, #tpu.memory_space<vmem>>
    %dma_start3A_22 = arith.constant 0 : i32
    %dma_start3A_23 = arith.constant 0 : i32
    %dma_start3A_24 = tpu.memref_slice %arg13[%dma_start3A_22, %dma_start3A_23] : memref<10240x32xf32, #tpu.memory_space<vmem_shared>> -> memref<10240x32xf32, #tpu.memory_space<vmem_shared>>
    tpu.enqueue_indirect_dma source(%dma_start3A_24 : memref<10240x32xf32, #tpu.memory_space<vmem_shared>>) target(%arg9 : memref<128x32xf32, #tpu.memory_space<vmem>>) offsets(%dma_start3A_21 : memref<128xi32, #tpu.memory_space<vmem>>) semaphore(%arg15 : memref<!tpu.dma_semaphore, #tpu.memory_space<semaphore_mem>>)
    %scan3A = arith.constant 0 : i32
    %scan3A_25 = arith.constant 0 : i32
    %scan3A_26 = arith.constant 21 : i32
    %scan3A_27 = arith.addi %scan3A_25, %scan3A_26 : i32
    %scan3A_28 = arith.constant 1 : i32
    scf.for %scan3A_31 = %scan3A_25 to %scan3A_27 step %scan3A_28  : i32 {
      %mul3A_32 = arith.constant 4 : i32
      %mul3A_33 = arith.muli %mul3A_32, %scan3A_31 : i32
      %add3A_34 = arith.constant 0 : i32
      %add3A_35 = arith.addi %mul3A_33, %add3A_34 : i32
      %ge3A_36 = arith.constant 2 : i32
      %ge3A_37 = arith.cmpi sge, %add3A_35, %ge3A_36 : i32
      %sub3A_38 = arith.constant 2 : i32
      %sub3A_39 = arith.subi %add3A_35, %sub3A_38 : i32
      %lt3A = arith.cmpi slt, %sub3A_39, %select_n3A : i32
      %and3A = arith.andi %ge3A_37, %lt3A : i1
      %convert_element_type3A = arith.extui %and3A : i1 to i32
      %cond3A = arith.constant 0 : i32
      %cond3A_40 = arith.cmpi ne, %convert_element_type3A, %cond3A : i32
      scf.if %cond3A_40 {
        %sub3A_120 = arith.constant 2 : i32
        %sub3A_121 = arith.subi %add3A_35, %sub3A_120 : i32
        %dma_wait3A = arith.constant 0 : i32
        %dma_wait3A_122 = tpu.memref_slice %arg7[%sub3A_121, %dma_wait3A] : memref<79x128xi32, #tpu.memory_space<vmem>> -> memref<1x128xi32, #tpu.memory_space<vmem>>
        %dma_wait3A_123 = tpu.memref_squeeze %dma_wait3A_122 : memref<1x128xi32, #tpu.memory_space<vmem>> -> memref<128xi32, #tpu.memory_space<vmem>>
        %dma_wait3A_124 = arith.constant 0 : i32
        %dma_wait3A_125 = arith.constant 0 : i32
        %dma_wait3A_126 = tpu.memref_slice %arg12[%dma_wait3A_124, %dma_wait3A_125] : memref<10240x32xf32, #tpu.memory_space<vmem_shared>> -> memref<10240x32xf32, #tpu.memory_space<vmem_shared>>
        tpu.wait_indirect_dma semaphore(%arg20 : memref<!tpu.dma_semaphore, #tpu.memory_space<semaphore_mem>>) src(%arg10 : memref<128x32xf32, #tpu.memory_space<vmem>>) dst(%dma_wait3A_126 : memref<10240x32xf32, #tpu.memory_space<vmem_shared>>)
      } else {
      }
      %add3A_41 = arith.constant 2 : i32
      %add3A_42 = arith.addi %add3A_35, %add3A_41 : i32
      %lt3A_43 = arith.cmpi slt, %add3A_42, %select_n3A : i32
      %convert_element_type3A_44 = arith.extui %lt3A_43 : i1 to i32
      %cond3A_45 = arith.constant 0 : i32
      %cond3A_46 = arith.cmpi ne, %convert_element_type3A_44, %cond3A_45 : i32
      scf.if %cond3A_46 {
        %add3A_120 = arith.constant 2 : i32
        %add3A_121 = arith.addi %add3A_35, %add3A_120 : i32
        %dma_start3A_122 = arith.constant 0 : i32
        %dma_start3A_123 = tpu.memref_slice %arg6[%add3A_121, %dma_start3A_122] : memref<79x128xi32, #tpu.memory_space<vmem>> -> memref<1x128xi32, #tpu.memory_space<vmem>>
        %dma_start3A_124 = tpu.memref_squeeze %dma_start3A_123 : memref<1x128xi32, #tpu.memory_space<vmem>> -> memref<128xi32, #tpu.memory_space<vmem>>
        %dma_start3A_125 = arith.constant 0 : i32
        %dma_start3A_126 = arith.constant 0 : i32
        %dma_start3A_127 = tpu.memref_slice %arg13[%dma_start3A_125, %dma_start3A_126] : memref<10240x32xf32, #tpu.memory_space<vmem_shared>> -> memref<10240x32xf32, #tpu.memory_space<vmem_shared>>
        tpu.enqueue_indirect_dma source(%dma_start3A_127 : memref<10240x32xf32, #tpu.memory_space<vmem_shared>>) target(%arg10 : memref<128x32xf32, #tpu.memory_space<vmem>>) offsets(%dma_start3A_124 : memref<128xi32, #tpu.memory_space<vmem>>) semaphore(%arg16 : memref<!tpu.dma_semaphore, #tpu.memory_space<semaphore_mem>>)
      } else {
      }
      %lt3A_47 = arith.cmpi slt, %add3A_35, %select_n3A : i32
      %convert_element_type3A_48 = arith.extui %lt3A_47 : i1 to i32
      %cond3A_49 = arith.constant 0 : i32
      %cond3A_50 = arith.cmpi ne, %convert_element_type3A_48, %cond3A_49 : i32
      scf.if %cond3A_50 {
        %dma_wait3A = arith.constant 0 : i32
        %dma_wait3A_120 = tpu.memref_slice %arg6[%add3A_35, %dma_wait3A] : memref<79x128xi32, #tpu.memory_space<vmem>> -> memref<1x128xi32, #tpu.memory_space<vmem>>
        %dma_wait3A_121 = tpu.memref_squeeze %dma_wait3A_120 : memref<1x128xi32, #tpu.memory_space<vmem>> -> memref<128xi32, #tpu.memory_space<vmem>>
        %dma_wait3A_122 = arith.constant 0 : i32
        %dma_wait3A_123 = arith.constant 0 : i32
        %dma_wait3A_124 = tpu.memref_slice %arg13[%dma_wait3A_122, %dma_wait3A_123] : memref<10240x32xf32, #tpu.memory_space<vmem_shared>> -> memref<10240x32xf32, #tpu.memory_space<vmem_shared>>
        tpu.wait_indirect_dma semaphore(%arg14 : memref<!tpu.dma_semaphore, #tpu.memory_space<semaphore_mem>>) src(%dma_wait3A_124 : memref<10240x32xf32, #tpu.memory_space<vmem_shared>>) dst(%arg8 : memref<128x32xf32, #tpu.memory_space<vmem>>)
        %dma_start3A_125 = arith.constant 0 : i32
        %dma_start3A_126 = tpu.memref_slice %arg7[%add3A_35, %dma_start3A_125] : memref<79x128xi32, #tpu.memory_space<vmem>> -> memref<1x128xi32, #tpu.memory_space<vmem>>
        %dma_start3A_127 = tpu.memref_squeeze %dma_start3A_126 : memref<1x128xi32, #tpu.memory_space<vmem>> -> memref<128xi32, #tpu.memory_space<vmem>>
        %dma_start3A_128 = arith.constant 0 : i32
        %dma_start3A_129 = arith.constant 0 : i32
        %dma_start3A_130 = tpu.memref_slice %arg12[%dma_start3A_128, %dma_start3A_129] : memref<10240x32xf32, #tpu.memory_space<vmem_shared>> -> memref<10240x32xf32, #tpu.memory_space<vmem_shared>>
        tpu.enqueue_indirect_dma source(%arg8 : memref<128x32xf32, #tpu.memory_space<vmem>>) target(%dma_start3A_130 : memref<10240x32xf32, #tpu.memory_space<vmem_shared>>) offsets(%dma_start3A_127 : memref<128xi32, #tpu.memory_space<vmem>>) semaphore(%arg18 : memref<!tpu.dma_semaphore, #tpu.memory_space<semaphore_mem>>) {add = true}
      } else {
      }
      %mul3A_51 = arith.constant 4 : i32
      %mul3A_52 = arith.muli %mul3A_51, %scan3A_31 : i32
      %add3A_53 = arith.constant 1 : i32
      %add3A_54 = arith.addi %mul3A_52, %add3A_53 : i32
      %ge3A_55 = arith.constant 2 : i32
      %ge3A_56 = arith.cmpi sge, %add3A_54, %ge3A_55 : i32
      %sub3A_57 = arith.constant 2 : i32
      %sub3A_58 = arith.subi %add3A_54, %sub3A_57 : i32
      %lt3A_59 = arith.cmpi slt, %sub3A_58, %select_n3A : i32
      %and3A_60 = arith.andi %ge3A_56, %lt3A_59 : i1
      %convert_element_type3A_61 = arith.extui %and3A_60 : i1 to i32
      %cond3A_62 = arith.constant 0 : i32
      %cond3A_63 = arith.cmpi ne, %convert_element_type3A_61, %cond3A_62 : i32
      scf.if %cond3A_63 {
        %sub3A_120 = arith.constant 2 : i32
        %sub3A_121 = arith.subi %add3A_54, %sub3A_120 : i32
        %dma_wait3A = arith.constant 0 : i32
        %dma_wait3A_122 = tpu.memref_slice %arg7[%sub3A_121, %dma_wait3A] : memref<79x128xi32, #tpu.memory_space<vmem>> -> memref<1x128xi32, #tpu.memory_space<vmem>>
        %dma_wait3A_123 = tpu.memref_squeeze %dma_wait3A_122 : memref<1x128xi32, #tpu.memory_space<vmem>> -> memref<128xi32, #tpu.memory_space<vmem>>
        %dma_wait3A_124 = arith.constant 0 : i32
        %dma_wait3A_125 = arith.constant 0 : i32
        %dma_wait3A_126 = tpu.memref_slice %arg12[%dma_wait3A_124, %dma_wait3A_125] : memref<10240x32xf32, #tpu.memory_space<vmem_shared>> -> memref<10240x32xf32, #tpu.memory_space<vmem_shared>>
        tpu.wait_indirect_dma semaphore(%arg21 : memref<!tpu.dma_semaphore, #tpu.memory_space<semaphore_mem>>) src(%arg11 : memref<128x32xf32, #tpu.memory_space<vmem>>) dst(%dma_wait3A_126 : memref<10240x32xf32, #tpu.memory_space<vmem_shared>>)
      } else {
      }
      %add3A_64 = arith.constant 2 : i32
      %add3A_65 = arith.addi %add3A_54, %add3A_64 : i32
      %lt3A_66 = arith.cmpi slt, %add3A_65, %select_n3A : i32
      %convert_element_type3A_67 = arith.extui %lt3A_66 : i1 to i32
      %cond3A_68 = arith.constant 0 : i32
      %cond3A_69 = arith.cmpi ne, %convert_element_type3A_67, %cond3A_68 : i32
      scf.if %cond3A_69 {
        %add3A_120 = arith.constant 2 : i32
        %add3A_121 = arith.addi %add3A_54, %add3A_120 : i32
        %dma_start3A_122 = arith.constant 0 : i32
        %dma_start3A_123 = tpu.memref_slice %arg6[%add3A_121, %dma_start3A_122] : memref<79x128xi32, #tpu.memory_space<vmem>> -> memref<1x128xi32, #tpu.memory_space<vmem>>
        %dma_start3A_124 = tpu.memref_squeeze %dma_start3A_123 : memref<1x128xi32, #tpu.memory_space<vmem>> -> memref<128xi32, #tpu.memory_space<vmem>>
        %dma_start3A_125 = arith.constant 0 : i32
        %dma_start3A_126 = arith.constant 0 : i32
        %dma_start3A_127 = tpu.memref_slice %arg13[%dma_start3A_125, %dma_start3A_126] : memref<10240x32xf32, #tpu.memory_space<vmem_shared>> -> memref<10240x32xf32, #tpu.memory_space<vmem_shared>>
        tpu.enqueue_indirect_dma source(%dma_start3A_127 : memref<10240x32xf32, #tpu.memory_space<vmem_shared>>) target(%arg11 : memref<128x32xf32, #tpu.memory_space<vmem>>) offsets(%dma_start3A_124 : memref<128xi32, #tpu.memory_space<vmem>>) semaphore(%arg17 : memref<!tpu.dma_semaphore, #tpu.memory_space<semaphore_mem>>)
      } else {
      }
      %lt3A_70 = arith.cmpi slt, %add3A_54, %select_n3A : i32
      %convert_element_type3A_71 = arith.extui %lt3A_70 : i1 to i32
      %cond3A_72 = arith.constant 0 : i32
      %cond3A_73 = arith.cmpi ne, %convert_element_type3A_71, %cond3A_72 : i32
      scf.if %cond3A_73 {
        %dma_wait3A = arith.constant 0 : i32
        %dma_wait3A_120 = tpu.memref_slice %arg6[%add3A_54, %dma_wait3A] : memref<79x128xi32, #tpu.memory_space<vmem>> -> memref<1x128xi32, #tpu.memory_space<vmem>>
        %dma_wait3A_121 = tpu.memref_squeeze %dma_wait3A_120 : memref<1x128xi32, #tpu.memory_space<vmem>> -> memref<128xi32, #tpu.memory_space<vmem>>
        %dma_wait3A_122 = arith.constant 0 : i32
        %dma_wait3A_123 = arith.constant 0 : i32
        %dma_wait3A_124 = tpu.memref_slice %arg13[%dma_wait3A_122, %dma_wait3A_123] : memref<10240x32xf32, #tpu.memory_space<vmem_shared>> -> memref<10240x32xf32, #tpu.memory_space<vmem_shared>>
        tpu.wait_indirect_dma semaphore(%arg15 : memref<!tpu.dma_semaphore, #tpu.memory_space<semaphore_mem>>) src(%dma_wait3A_124 : memref<10240x32xf32, #tpu.memory_space<vmem_shared>>) dst(%arg9 : memref<128x32xf32, #tpu.memory_space<vmem>>)
        %dma_start3A_125 = arith.constant 0 : i32
        %dma_start3A_126 = tpu.memref_slice %arg7[%add3A_54, %dma_start3A_125] : memref<79x128xi32, #tpu.memory_space<vmem>> -> memref<1x128xi32, #tpu.memory_space<vmem>>
        %dma_start3A_127 = tpu.memref_squeeze %dma_start3A_126 : memref<1x128xi32, #tpu.memory_space<vmem>> -> memref<128xi32, #tpu.memory_space<vmem>>
        %dma_start3A_128 = arith.constant 0 : i32
        %dma_start3A_129 = arith.constant 0 : i32
        %dma_start3A_130 = tpu.memref_slice %arg12[%dma_start3A_128, %dma_start3A_129] : memref<10240x32xf32, #tpu.memory_space<vmem_shared>> -> memref<10240x32xf32, #tpu.memory_space<vmem_shared>>
        tpu.enqueue_indirect_dma source(%arg9 : memref<128x32xf32, #tpu.memory_space<vmem>>) target(%dma_start3A_130 : memref<10240x32xf32, #tpu.memory_space<vmem_shared>>) offsets(%dma_start3A_127 : memref<128xi32, #tpu.memory_space<vmem>>) semaphore(%arg19 : memref<!tpu.dma_semaphore, #tpu.memory_space<semaphore_mem>>) {add = true}
      } else {
      }
      %mul3A_74 = arith.constant 4 : i32
      %mul3A_75 = arith.muli %mul3A_74, %scan3A_31 : i32
      %add3A_76 = arith.constant 2 : i32
      %add3A_77 = arith.addi %mul3A_75, %add3A_76 : i32
      %ge3A_78 = arith.constant 2 : i32
      %ge3A_79 = arith.cmpi sge, %add3A_77, %ge3A_78 : i32
      %sub3A_80 = arith.constant 2 : i32
      %sub3A_81 = arith.subi %add3A_77, %sub3A_80 : i32
      %lt3A_82 = arith.cmpi slt, %sub3A_81, %select_n3A : i32
      %and3A_83 = arith.andi %ge3A_79, %lt3A_82 : i1
      %convert_element_type3A_84 = arith.extui %and3A_83 : i1 to i32
      %cond3A_85 = arith.constant 0 : i32
      %cond3A_86 = arith.cmpi ne, %convert_element_type3A_84, %cond3A_85 : i32
      scf.if %cond3A_86 {
        %sub3A_120 = arith.constant 2 : i32
        %sub3A_121 = arith.subi %add3A_77, %sub3A_120 : i32
        %dma_wait3A = arith.constant 0 : i32
        %dma_wait3A_122 = tpu.memref_slice %arg7[%sub3A_121, %dma_wait3A] : memref<79x128xi32, #tpu.memory_space<vmem>> -> memref<1x128xi32, #tpu.memory_space<vmem>>
        %dma_wait3A_123 = tpu.memref_squeeze %dma_wait3A_122 : memref<1x128xi32, #tpu.memory_space<vmem>> -> memref<128xi32, #tpu.memory_space<vmem>>
        %dma_wait3A_124 = arith.constant 0 : i32
        %dma_wait3A_125 = arith.constant 0 : i32
        %dma_wait3A_126 = tpu.memref_slice %arg12[%dma_wait3A_124, %dma_wait3A_125] : memref<10240x32xf32, #tpu.memory_space<vmem_shared>> -> memref<10240x32xf32, #tpu.memory_space<vmem_shared>>
        tpu.wait_indirect_dma semaphore(%arg18 : memref<!tpu.dma_semaphore, #tpu.memory_space<semaphore_mem>>) src(%arg8 : memref<128x32xf32, #tpu.memory_space<vmem>>) dst(%dma_wait3A_126 : memref<10240x32xf32, #tpu.memory_space<vmem_shared>>)
      } else {
      }
      %add3A_87 = arith.constant 2 : i32
      %add3A_88 = arith.addi %add3A_77, %add3A_87 : i32
      %lt3A_89 = arith.cmpi slt, %add3A_88, %select_n3A : i32
      %convert_element_type3A_90 = arith.extui %lt3A_89 : i1 to i32
      %cond3A_91 = arith.constant 0 : i32
      %cond3A_92 = arith.cmpi ne, %convert_element_type3A_90, %cond3A_91 : i32
      scf.if %cond3A_92 {
        %add3A_120 = arith.constant 2 : i32
        %add3A_121 = arith.addi %add3A_77, %add3A_120 : i32
        %dma_start3A_122 = arith.constant 0 : i32
        %dma_start3A_123 = tpu.memref_slice %arg6[%add3A_121, %dma_start3A_122] : memref<79x128xi32, #tpu.memory_space<vmem>> -> memref<1x128xi32, #tpu.memory_space<vmem>>
        %dma_start3A_124 = tpu.memref_squeeze %dma_start3A_123 : memref<1x128xi32, #tpu.memory_space<vmem>> -> memref<128xi32, #tpu.memory_space<vmem>>
        %dma_start3A_125 = arith.constant 0 : i32
        %dma_start3A_126 = arith.constant 0 : i32
        %dma_start3A_127 = tpu.memref_slice %arg13[%dma_start3A_125, %dma_start3A_126] : memref<10240x32xf32, #tpu.memory_space<vmem_shared>> -> memref<10240x32xf32, #tpu.memory_space<vmem_shared>>
        tpu.enqueue_indirect_dma source(%dma_start3A_127 : memref<10240x32xf32, #tpu.memory_space<vmem_shared>>) target(%arg8 : memref<128x32xf32, #tpu.memory_space<vmem>>) offsets(%dma_start3A_124 : memref<128xi32, #tpu.memory_space<vmem>>) semaphore(%arg14 : memref<!tpu.dma_semaphore, #tpu.memory_space<semaphore_mem>>)
      } else {
      }
      %lt3A_93 = arith.cmpi slt, %add3A_77, %select_n3A : i32
      %convert_element_type3A_94 = arith.extui %lt3A_93 : i1 to i32
      %cond3A_95 = arith.constant 0 : i32
      %cond3A_96 = arith.cmpi ne, %convert_element_type3A_94, %cond3A_95 : i32
      scf.if %cond3A_96 {
        %dma_wait3A = arith.constant 0 : i32
        %dma_wait3A_120 = tpu.memref_slice %arg6[%add3A_77, %dma_wait3A] : memref<79x128xi32, #tpu.memory_space<vmem>> -> memref<1x128xi32, #tpu.memory_space<vmem>>
        %dma_wait3A_121 = tpu.memref_squeeze %dma_wait3A_120 : memref<1x128xi32, #tpu.memory_space<vmem>> -> memref<128xi32, #tpu.memory_space<vmem>>
        %dma_wait3A_122 = arith.constant 0 : i32
        %dma_wait3A_123 = arith.constant 0 : i32
        %dma_wait3A_124 = tpu.memref_slice %arg13[%dma_wait3A_122, %dma_wait3A_123] : memref<10240x32xf32, #tpu.memory_space<vmem_shared>> -> memref<10240x32xf32, #tpu.memory_space<vmem_shared>>
        tpu.wait_indirect_dma semaphore(%arg16 : memref<!tpu.dma_semaphore, #tpu.memory_space<semaphore_mem>>) src(%dma_wait3A_124 : memref<10240x32xf32, #tpu.memory_space<vmem_shared>>) dst(%arg10 : memref<128x32xf32, #tpu.memory_space<vmem>>)
        %dma_start3A_125 = arith.constant 0 : i32
        %dma_start3A_126 = tpu.memref_slice %arg7[%add3A_77, %dma_start3A_125] : memref<79x128xi32, #tpu.memory_space<vmem>> -> memref<1x128xi32, #tpu.memory_space<vmem>>
        %dma_start3A_127 = tpu.memref_squeeze %dma_start3A_126 : memref<1x128xi32, #tpu.memory_space<vmem>> -> memref<128xi32, #tpu.memory_space<vmem>>
        %dma_start3A_128 = arith.constant 0 : i32
        %dma_start3A_129 = arith.constant 0 : i32
        %dma_start3A_130 = tpu.memref_slice %arg12[%dma_start3A_128, %dma_start3A_129] : memref<10240x32xf32, #tpu.memory_space<vmem_shared>> -> memref<10240x32xf32, #tpu.memory_space<vmem_shared>>
        tpu.enqueue_indirect_dma source(%arg10 : memref<128x32xf32, #tpu.memory_space<vmem>>) target(%dma_start3A_130 : memref<10240x32xf32, #tpu.memory_space<vmem_shared>>) offsets(%dma_start3A_127 : memref<128xi32, #tpu.memory_space<vmem>>) semaphore(%arg20 : memref<!tpu.dma_semaphore, #tpu.memory_space<semaphore_mem>>) {add = true}
      } else {
      }
      %mul3A_97 = arith.constant 4 : i32
      %mul3A_98 = arith.muli %mul3A_97, %scan3A_31 : i32
      %add3A_99 = arith.constant 3 : i32
      %add3A_100 = arith.addi %mul3A_98, %add3A_99 : i32
      %ge3A_101 = arith.constant 2 : i32
      %ge3A_102 = arith.cmpi sge, %add3A_100, %ge3A_101 : i32
      %sub3A_103 = arith.constant 2 : i32
      %sub3A_104 = arith.subi %add3A_100, %sub3A_103 : i32
      %lt3A_105 = arith.cmpi slt, %sub3A_104, %select_n3A : i32
      %and3A_106 = arith.andi %ge3A_102, %lt3A_105 : i1
      %convert_element_type3A_107 = arith.extui %and3A_106 : i1 to i32
      %cond3A_108 = arith.constant 0 : i32
      %cond3A_109 = arith.cmpi ne, %convert_element_type3A_107, %cond3A_108 : i32
      scf.if %cond3A_109 {
        %sub3A_120 = arith.constant 2 : i32
        %sub3A_121 = arith.subi %add3A_100, %sub3A_120 : i32
        %dma_wait3A = arith.constant 0 : i32
        %dma_wait3A_122 = tpu.memref_slice %arg7[%sub3A_121, %dma_wait3A] : memref<79x128xi32, #tpu.memory_space<vmem>> -> memref<1x128xi32, #tpu.memory_space<vmem>>
        %dma_wait3A_123 = tpu.memref_squeeze %dma_wait3A_122 : memref<1x128xi32, #tpu.memory_space<vmem>> -> memref<128xi32, #tpu.memory_space<vmem>>
        %dma_wait3A_124 = arith.constant 0 : i32
        %dma_wait3A_125 = arith.constant 0 : i32
        %dma_wait3A_126 = tpu.memref_slice %arg12[%dma_wait3A_124, %dma_wait3A_125] : memref<10240x32xf32, #tpu.memory_space<vmem_shared>> -> memref<10240x32xf32, #tpu.memory_space<vmem_shared>>
        tpu.wait_indirect_dma semaphore(%arg19 : memref<!tpu.dma_semaphore, #tpu.memory_space<semaphore_mem>>) src(%arg9 : memref<128x32xf32, #tpu.memory_space<vmem>>) dst(%dma_wait3A_126 : memref<10240x32xf32, #tpu.memory_space<vmem_shared>>)
      } else {
      }
      %add3A_110 = arith.constant 2 : i32
      %add3A_111 = arith.addi %add3A_100, %add3A_110 : i32
      %lt3A_112 = arith.cmpi slt, %add3A_111, %select_n3A : i32
      %convert_element_type3A_113 = arith.extui %lt3A_112 : i1 to i32
      %cond3A_114 = arith.constant 0 : i32
      %cond3A_115 = arith.cmpi ne, %convert_element_type3A_113, %cond3A_114 : i32
      scf.if %cond3A_115 {
        %add3A_120 = arith.constant 2 : i32
        %add3A_121 = arith.addi %add3A_100, %add3A_120 : i32
        %dma_start3A_122 = arith.constant 0 : i32
        %dma_start3A_123 = tpu.memref_slice %arg6[%add3A_121, %dma_start3A_122] : memref<79x128xi32, #tpu.memory_space<vmem>> -> memref<1x128xi32, #tpu.memory_space<vmem>>
        %dma_start3A_124 = tpu.memref_squeeze %dma_start3A_123 : memref<1x128xi32, #tpu.memory_space<vmem>> -> memref<128xi32, #tpu.memory_space<vmem>>
        %dma_start3A_125 = arith.constant 0 : i32
        %dma_start3A_126 = arith.constant 0 : i32
        %dma_start3A_127 = tpu.memref_slice %arg13[%dma_start3A_125, %dma_start3A_126] : memref<10240x32xf32, #tpu.memory_space<vmem_shared>> -> memref<10240x32xf32, #tpu.memory_space<vmem_shared>>
        tpu.enqueue_indirect_dma source(%dma_start3A_127 : memref<10240x32xf32, #tpu.memory_space<vmem_shared>>) target(%arg9 : memref<128x32xf32, #tpu.memory_space<vmem>>) offsets(%dma_start3A_124 : memref<128xi32, #tpu.memory_space<vmem>>) semaphore(%arg15 : memref<!tpu.dma_semaphore, #tpu.memory_space<semaphore_mem>>)
      } else {
      }
      %lt3A_116 = arith.cmpi slt, %add3A_100, %select_n3A : i32
      %convert_element_type3A_117 = arith.extui %lt3A_116 : i1 to i32
      %cond3A_118 = arith.constant 0 : i32
      %cond3A_119 = arith.cmpi ne, %convert_element_type3A_117, %cond3A_118 : i32
      scf.if %cond3A_119 {
        %dma_wait3A = arith.constant 0 : i32
        %dma_wait3A_120 = tpu.memref_slice %arg6[%add3A_100, %dma_wait3A] : memref<79x128xi32, #tpu.memory_space<vmem>> -> memref<1x128xi32, #tpu.memory_space<vmem>>
        %dma_wait3A_121 = tpu.memref_squeeze %dma_wait3A_120 : memref<1x128xi32, #tpu.memory_space<vmem>> -> memref<128xi32, #tpu.memory_space<vmem>>
        %dma_wait3A_122 = arith.constant 0 : i32
        %dma_wait3A_123 = arith.constant 0 : i32
        %dma_wait3A_124 = tpu.memref_slice %arg13[%dma_wait3A_122, %dma_wait3A_123] : memref<10240x32xf32, #tpu.memory_space<vmem_shared>> -> memref<10240x32xf32, #tpu.memory_space<vmem_shared>>
        tpu.wait_indirect_dma semaphore(%arg17 : memref<!tpu.dma_semaphore, #tpu.memory_space<semaphore_mem>>) src(%dma_wait3A_124 : memref<10240x32xf32, #tpu.memory_space<vmem_shared>>) dst(%arg11 : memref<128x32xf32, #tpu.memory_space<vmem>>)
        %dma_start3A_125 = arith.constant 0 : i32
        %dma_start3A_126 = tpu.memref_slice %arg7[%add3A_100, %dma_start3A_125] : memref<79x128xi32, #tpu.memory_space<vmem>> -> memref<1x128xi32, #tpu.memory_space<vmem>>
        %dma_start3A_127 = tpu.memref_squeeze %dma_start3A_126 : memref<1x128xi32, #tpu.memory_space<vmem>> -> memref<128xi32, #tpu.memory_space<vmem>>
        %dma_start3A_128 = arith.constant 0 : i32
        %dma_start3A_129 = arith.constant 0 : i32
        %dma_start3A_130 = tpu.memref_slice %arg12[%dma_start3A_128, %dma_start3A_129] : memref<10240x32xf32, #tpu.memory_space<vmem_shared>> -> memref<10240x32xf32, #tpu.memory_space<vmem_shared>>
        tpu.enqueue_indirect_dma source(%arg11 : memref<128x32xf32, #tpu.memory_space<vmem>>) target(%dma_start3A_130 : memref<10240x32xf32, #tpu.memory_space<vmem_shared>>) offsets(%dma_start3A_127 : memref<128xi32, #tpu.memory_space<vmem>>) semaphore(%arg21 : memref<!tpu.dma_semaphore, #tpu.memory_space<semaphore_mem>>) {add = true}
      } else {
      }
    }
    %scan3A_29 = arith.constant 21 : i32
    %barrier3A_30 = arith.constant 0 : index
    tpu.barrier barrier_id(%barrier3A_30)
    "tpu.region"() ({
      %run_scoped3A = tpu.sem_alloc : memref<!tpu.dma_semaphore, #tpu.memory_space<semaphore_mem>>
      %dma_start3A_31 = arith.constant 0 : i32
      %dma_start3A_32 = arith.constant 0 : i32
      %dma_start3A_33 = tpu.memref_slice %arg5[%arg0, %dma_start3A_31, %dma_start3A_32] : memref<2x10240x32xf32, #tpu.memory_space<hbm>> -> memref<1x10240x32xf32, #tpu.memory_space<hbm>>
      %dma_start3A_34 = tpu.memref_squeeze %dma_start3A_33 : memref<1x10240x32xf32, #tpu.memory_space<hbm>> -> memref<10240x32xf32, #tpu.memory_space<hbm>>
      %dma_start3A_35 = arith.constant 0 : i32
      %dma_start3A_36 = tpu.memref_slice %dma_start3A_34[%mul3A_11, %dma_start3A_35] : memref<10240x32xf32, #tpu.memory_space<hbm>> -> memref<640x32xf32, #tpu.memory_space<hbm>>
      %dma_start3A_37 = arith.constant 0 : i32
      %dma_start3A_38 = tpu.memref_slice %arg12[%mul3A_11, %dma_start3A_37] : memref<10240x32xf32, #tpu.memory_space<vmem_shared>> -> memref<640x32xf32, #tpu.memory_space<vmem_shared>>
      tpu.enqueue_dma source(%dma_start3A_38 : memref<640x32xf32, #tpu.memory_space<vmem_shared>>) target(%dma_start3A_36 : memref<640x32xf32, #tpu.memory_space<hbm>>) target_semaphore(%run_scoped3A : memref<!tpu.dma_semaphore, #tpu.memory_space<semaphore_mem>>)
      %dma_wait3A = arith.constant 0 : i32
      %dma_wait3A_39 = arith.constant 0 : i32
      %dma_wait3A_40 = tpu.memref_slice %arg5[%arg0, %dma_wait3A, %dma_wait3A_39] : memref<2x10240x32xf32, #tpu.memory_space<hbm>> -> memref<1x10240x32xf32, #tpu.memory_space<hbm>>
      %dma_wait3A_41 = tpu.memref_squeeze %dma_wait3A_40 : memref<1x10240x32xf32, #tpu.memory_space<hbm>> -> memref<10240x32xf32, #tpu.memory_space<hbm>>
      %dma_wait3A_42 = arith.constant 0 : i32
      %dma_wait3A_43 = tpu.memref_slice %dma_wait3A_41[%mul3A_11, %dma_wait3A_42] : memref<10240x32xf32, #tpu.memory_space<hbm>> -> memref<640x32xf32, #tpu.memory_space<hbm>>
      %dma_wait3A_44 = arith.constant 0 : i32
      %dma_wait3A_45 = tpu.memref_slice %arg12[%mul3A_11, %dma_wait3A_44] : memref<10240x32xf32, #tpu.memory_space<vmem_shared>> -> memref<640x32xf32, #tpu.memory_space<vmem_shared>>
      tpu.wait_dma2 semaphore(%run_scoped3A : memref<!tpu.dma_semaphore, #tpu.memory_space<semaphore_mem>>) src(%dma_wait3A_45 : memref<640x32xf32, #tpu.memory_space<vmem_shared>>) dst(%dma_wait3A_43 : memref<640x32xf32, #tpu.memory_space<hbm>>)
      tpu.yield
    }) : () -> ()
    return
  }
}

module attributes {stable_mosaic.version = 14 : i64} {
  func.func @_stage1_body(%arg0: i32, %arg1: memref<2048x128xf32, #tpu.memory_space<vmem>>, %arg2: memref<128x16xf32, #tpu.memory_space<vmem>>, %arg3: memref<2048x1xf32, #tpu.memory_space<vmem>>, %arg4: memref<2048x16xf32, #tpu.memory_space<vmem>>) attributes {dimension_semantics = [#tpu.dimension_semantics<arbitrary>], iteration_bounds = array<i64: 5>, scalar_prefetch = 0 : i64, scratch_operands = 0 : i64, tpu.core_type = #tpu.core_type<tc>, window_params = [{transform_indices = @transform_0, window_bounds = array<i64: 2048, 128>}, {pipeline_mode = #tpu.pipeline_mode<synchronous>, transform_indices = @transform_1, window_bounds = array<i64: 128, 16>}, {transform_indices = @transform_2, window_bounds = array<i64: 2048, 1>}, {transform_indices = @transform_3, window_bounds = array<i64: 2048, 16>}]} {
    %get3A = arith.constant 0 : index
    %get3A_0 = arith.constant 0 : index
    %get3A_1 = vector.load %arg1[%get3A, %get3A_0] : memref<2048x128xf32, #tpu.memory_space<vmem>>, vector<2048x128xf32>
    %get3A_2 = arith.constant 0 : index
    %get3A_3 = arith.constant 0 : index
    %get3A_4 = vector.load %arg2[%get3A_2, %get3A_3] : memref<128x16xf32, #tpu.memory_space<vmem>>, vector<128x16xf32>
    %dot_general3A = arith.constant dense<0.000000e+00> : vector<2048x16xf32>
    %dot_general3A_5 = tpu.matmul %get3A_1, %get3A_4, %dot_general3A {dimension_numbers = #tpu.dot_dimension_numbers<[1], [0], [0], [1], [0, 0, 1, 1], [], []>, transpose_lhs_hint = false} : vector<2048x128xf32>, vector<128x16xf32>, vector<2048x16xf32> -> vector<2048x16xf32>
    %get3A_6 = arith.constant 0 : index
    %get3A_7 = arith.constant 0 : index
    %get3A_8 = vector.load %arg3[%get3A_6, %get3A_7] : memref<2048x1xf32, #tpu.memory_space<vmem>>, vector<2048x1xf32>
    %add3A = arith.constant 1.000000e+00 : f32
    %add3A_9 = vector.broadcast %add3A : f32 to vector<2048x1xf32>
    %add3A_10 = arith.addf %get3A_8, %add3A_9 : vector<2048x1xf32>
    %rsqrt3A = math.rsqrt %add3A_10 : vector<2048x1xf32>
    %mul3A = vector.broadcast %rsqrt3A : vector<2048x1xf32> to vector<2048x16xf32>
    %mul3A_11 = arith.mulf %dot_general3A_5, %mul3A : vector<2048x16xf32>
    %swap3A = arith.constant 0 : index
    %swap3A_12 = arith.constant 0 : index
    %swap3A_13 = vector.load %arg4[%swap3A, %swap3A_12] : memref<2048x16xf32, #tpu.memory_space<vmem>>, vector<2048x16xf32>
    tpu.vector_store %arg4[%swap3A, %swap3A_12], %mul3A_11 {strides = array<i32>} : memref<2048x16xf32, #tpu.memory_space<vmem>>, vector<2048x16xf32>,
    return
  }
  func.func @transform_0(%arg0: i32) -> (i32, i32) {
    %c0_i32 = arith.constant 0 : i32
    %c0_i32_0 = arith.constant 0 : i32
    return %arg0, %c0_i32 : i32, i32
  }
  func.func @transform_1(%arg0: i32) -> (i32, i32) {
    %c0_i32 = arith.constant 0 : i32
    %c0_i32_0 = arith.constant 0 : i32
    %c0_i32_1 = arith.constant 0 : i32
    return %c0_i32, %c0_i32_0 : i32, i32
  }
  func.func @transform_2(%arg0: i32) -> (i32, i32) {
    %c0_i32 = arith.constant 0 : i32
    %c0_i32_0 = arith.constant 0 : i32
    return %arg0, %c0_i32 : i32, i32
  }
  func.func @transform_3(%arg0: i32) -> (i32, i32) {
    %c0_i32 = arith.constant 0 : i32
    %c0_i32_0 = arith.constant 0 : i32
    return %arg0, %c0_i32 : i32, i32
  }
}

module attributes {stable_mosaic.version = 14 : i64} {
  func.func @_mid_body(%arg0: i32, %arg1: memref<2x2048x16xf32, #tpu.memory_space<vmem>>, %arg2: memref<2048x16xf32, #tpu.memory_space<vmem>>, %arg3: memref<2048x1xf32, #tpu.memory_space<vmem>>, %arg4: memref<1x16xf32, #tpu.memory_space<vmem>>, %arg5: memref<16x32xf32, #tpu.memory_space<vmem>>, %arg6: memref<2048x32xf32, #tpu.memory_space<vmem>>) attributes {dimension_semantics = [#tpu.dimension_semantics<arbitrary>], iteration_bounds = array<i64: 5>, scalar_prefetch = 0 : i64, scratch_operands = 0 : i64, tpu.core_type = #tpu.core_type<tc>, window_params = [{transform_indices = @transform_0, window_bounds = array<i64: 2, 2048, 16>}, {transform_indices = @transform_1, window_bounds = array<i64: 2048, 16>}, {transform_indices = @transform_2, window_bounds = array<i64: 2048, 1>}, {pipeline_mode = #tpu.pipeline_mode<synchronous>, transform_indices = @transform_3, window_bounds = array<i64: 1, 16>}, {pipeline_mode = #tpu.pipeline_mode<synchronous>, transform_indices = @transform_4, window_bounds = array<i64: 16, 32>}, {transform_indices = @transform_5, window_bounds = array<i64: 2048, 32>}]} {
    %get3A = arith.constant 0 : index
    %get3A_0 = arith.constant 0 : index
    %get3A_1 = vector.load %arg3[%get3A, %get3A_0] : memref<2048x1xf32, #tpu.memory_space<vmem>>, vector<2048x1xf32>
    %add3A = arith.constant 1.000000e+00 : f32
    %add3A_2 = vector.broadcast %add3A : f32 to vector<2048x1xf32>
    %add3A_3 = arith.addf %get3A_1, %add3A_2 : vector<2048x1xf32>
    %rsqrt3A = math.rsqrt %add3A_3 : vector<2048x1xf32>
    %get3A_4 = arith.constant 0 : index
    %get3A_5 = arith.constant 0 : index
    %get3A_6 = arith.constant 0 : index
    %get3A_7 = vector.load %arg1[%get3A_4, %get3A_5, %get3A_6] : memref<2x2048x16xf32, #tpu.memory_space<vmem>>, vector<1x2048x16xf32>
    %get3A_8 = vector.shape_cast %get3A_7 : vector<1x2048x16xf32> to vector<2048x16xf32>
    %get3A_9 = arith.constant 1 : index
    %get3A_10 = arith.constant 0 : index
    %get3A_11 = arith.constant 0 : index
    %get3A_12 = vector.load %arg1[%get3A_9, %get3A_10, %get3A_11] : memref<2x2048x16xf32, #tpu.memory_space<vmem>>, vector<1x2048x16xf32>
    %get3A_13 = vector.shape_cast %get3A_12 : vector<1x2048x16xf32> to vector<2048x16xf32>
    %add3A_14 = arith.addf %get3A_8, %get3A_13 : vector<2048x16xf32>
    %get3A_15 = arith.constant 0 : index
    %get3A_16 = arith.constant 0 : index
    %get3A_17 = vector.load %arg2[%get3A_15, %get3A_16] : memref<2048x16xf32, #tpu.memory_space<vmem>>, vector<2048x16xf32>
    %add3A_18 = arith.addf %add3A_14, %get3A_17 : vector<2048x16xf32>
    %mul3A = vector.broadcast %rsqrt3A : vector<2048x1xf32> to vector<2048x16xf32>
    %mul3A_19 = arith.mulf %add3A_18, %mul3A : vector<2048x16xf32>
    %get3A_20 = arith.constant 0 : index
    %get3A_21 = arith.constant 0 : index
    %get3A_22 = vector.load %arg4[%get3A_20, %get3A_21] : memref<1x16xf32, #tpu.memory_space<vmem>>, vector<1x16xf32>
    %add3A_23 = vector.broadcast %get3A_22 : vector<1x16xf32> to vector<2048x16xf32>
    %add3A_24 = arith.addf %mul3A_19, %add3A_23 : vector<2048x16xf32>
    %max3A = arith.constant 0.000000e+00 : f32
    %max3A_25 = vector.broadcast %max3A : f32 to vector<2048x16xf32>
    %max3A_26 = arith.maximumf %add3A_24, %max3A_25 : vector<2048x16xf32>
    %get3A_27 = arith.constant 0 : index
    %get3A_28 = arith.constant 0 : index
    %get3A_29 = vector.load %arg5[%get3A_27, %get3A_28] : memref<16x32xf32, #tpu.memory_space<vmem>>, vector<16x32xf32>
    %dot_general3A = arith.constant dense<0.000000e+00> : vector<2048x32xf32>
    %dot_general3A_30 = tpu.matmul %max3A_26, %get3A_29, %dot_general3A {dimension_numbers = #tpu.dot_dimension_numbers<[1], [0], [0], [1], [0, 0, 1, 1], [], []>, transpose_lhs_hint = false} : vector<2048x16xf32>, vector<16x32xf32>, vector<2048x32xf32> -> vector<2048x32xf32>
    %mul3A_31 = vector.broadcast %rsqrt3A : vector<2048x1xf32> to vector<2048x32xf32>
    %mul3A_32 = arith.mulf %dot_general3A_30, %mul3A_31 : vector<2048x32xf32>
    %swap3A = arith.constant 0 : index
    %swap3A_33 = arith.constant 0 : index
    %swap3A_34 = vector.load %arg6[%swap3A, %swap3A_33] : memref<2048x32xf32, #tpu.memory_space<vmem>>, vector<2048x32xf32>
    tpu.vector_store %arg6[%swap3A, %swap3A_33], %mul3A_32 {strides = array<i32>} : memref<2048x32xf32, #tpu.memory_space<vmem>>, vector<2048x32xf32>,
    return
  }
  func.func @transform_0(%arg0: i32) -> (i32, i32, i32) {
    %c0_i32 = arith.constant 0 : i32
    %c0_i32_0 = arith.constant 0 : i32
    %c0_i32_1 = arith.constant 0 : i32
    return %c0_i32, %arg0, %c0_i32_0 : i32, i32, i32
  }
  func.func @transform_1(%arg0: i32) -> (i32, i32) {
    %c0_i32 = arith.constant 0 : i32
    %c0_i32_0 = arith.constant 0 : i32
    return %arg0, %c0_i32 : i32, i32
  }
  func.func @transform_2(%arg0: i32) -> (i32, i32) {
    %c0_i32 = arith.constant 0 : i32
    %c0_i32_0 = arith.constant 0 : i32
    return %arg0, %c0_i32 : i32, i32
  }
  func.func @transform_3(%arg0: i32) -> (i32, i32) {
    %c0_i32 = arith.constant 0 : i32
    %c0_i32_0 = arith.constant 0 : i32
    %c0_i32_1 = arith.constant 0 : i32
    return %c0_i32, %c0_i32_0 : i32, i32
  }
  func.func @transform_4(%arg0: i32) -> (i32, i32) {
    %c0_i32 = arith.constant 0 : i32
    %c0_i32_0 = arith.constant 0 : i32
    %c0_i32_1 = arith.constant 0 : i32
    return %c0_i32, %c0_i32_0 : i32, i32
  }
  func.func @transform_5(%arg0: i32) -> (i32, i32) {
    %c0_i32 = arith.constant 0 : i32
    %c0_i32_0 = arith.constant 0 : i32
    return %arg0, %c0_i32 : i32, i32
  }
}

module attributes {stable_mosaic.version = 14 : i64} {
  func.func @_mid_body(%arg0: i32, %arg1: memref<2x2048x32xf32, #tpu.memory_space<vmem>>, %arg2: memref<2048x32xf32, #tpu.memory_space<vmem>>, %arg3: memref<2048x1xf32, #tpu.memory_space<vmem>>, %arg4: memref<1x32xf32, #tpu.memory_space<vmem>>, %arg5: memref<32x8xf32, #tpu.memory_space<vmem>>, %arg6: memref<2048x8xf32, #tpu.memory_space<vmem>>) attributes {dimension_semantics = [#tpu.dimension_semantics<arbitrary>], iteration_bounds = array<i64: 5>, scalar_prefetch = 0 : i64, scratch_operands = 0 : i64, tpu.core_type = #tpu.core_type<tc>, window_params = [{transform_indices = @transform_0, window_bounds = array<i64: 2, 2048, 32>}, {transform_indices = @transform_1, window_bounds = array<i64: 2048, 32>}, {transform_indices = @transform_2, window_bounds = array<i64: 2048, 1>}, {pipeline_mode = #tpu.pipeline_mode<synchronous>, transform_indices = @transform_3, window_bounds = array<i64: 1, 32>}, {pipeline_mode = #tpu.pipeline_mode<synchronous>, transform_indices = @transform_4, window_bounds = array<i64: 32, 8>}, {transform_indices = @transform_5, window_bounds = array<i64: 2048, 8>}]} {
    %get3A = arith.constant 0 : index
    %get3A_0 = arith.constant 0 : index
    %get3A_1 = vector.load %arg3[%get3A, %get3A_0] : memref<2048x1xf32, #tpu.memory_space<vmem>>, vector<2048x1xf32>
    %add3A = arith.constant 1.000000e+00 : f32
    %add3A_2 = vector.broadcast %add3A : f32 to vector<2048x1xf32>
    %add3A_3 = arith.addf %get3A_1, %add3A_2 : vector<2048x1xf32>
    %rsqrt3A = math.rsqrt %add3A_3 : vector<2048x1xf32>
    %get3A_4 = arith.constant 0 : index
    %get3A_5 = arith.constant 0 : index
    %get3A_6 = arith.constant 0 : index
    %get3A_7 = vector.load %arg1[%get3A_4, %get3A_5, %get3A_6] : memref<2x2048x32xf32, #tpu.memory_space<vmem>>, vector<1x2048x32xf32>
    %get3A_8 = vector.shape_cast %get3A_7 : vector<1x2048x32xf32> to vector<2048x32xf32>
    %get3A_9 = arith.constant 1 : index
    %get3A_10 = arith.constant 0 : index
    %get3A_11 = arith.constant 0 : index
    %get3A_12 = vector.load %arg1[%get3A_9, %get3A_10, %get3A_11] : memref<2x2048x32xf32, #tpu.memory_space<vmem>>, vector<1x2048x32xf32>
    %get3A_13 = vector.shape_cast %get3A_12 : vector<1x2048x32xf32> to vector<2048x32xf32>
    %add3A_14 = arith.addf %get3A_8, %get3A_13 : vector<2048x32xf32>
    %get3A_15 = arith.constant 0 : index
    %get3A_16 = arith.constant 0 : index
    %get3A_17 = vector.load %arg2[%get3A_15, %get3A_16] : memref<2048x32xf32, #tpu.memory_space<vmem>>, vector<2048x32xf32>
    %add3A_18 = arith.addf %add3A_14, %get3A_17 : vector<2048x32xf32>
    %mul3A = vector.broadcast %rsqrt3A : vector<2048x1xf32> to vector<2048x32xf32>
    %mul3A_19 = arith.mulf %add3A_18, %mul3A : vector<2048x32xf32>
    %get3A_20 = arith.constant 0 : index
    %get3A_21 = arith.constant 0 : index
    %get3A_22 = vector.load %arg4[%get3A_20, %get3A_21] : memref<1x32xf32, #tpu.memory_space<vmem>>, vector<1x32xf32>
    %add3A_23 = vector.broadcast %get3A_22 : vector<1x32xf32> to vector<2048x32xf32>
    %add3A_24 = arith.addf %mul3A_19, %add3A_23 : vector<2048x32xf32>
    %max3A = arith.constant 0.000000e+00 : f32
    %max3A_25 = vector.broadcast %max3A : f32 to vector<2048x32xf32>
    %max3A_26 = arith.maximumf %add3A_24, %max3A_25 : vector<2048x32xf32>
    %get3A_27 = arith.constant 0 : index
    %get3A_28 = arith.constant 0 : index
    %get3A_29 = vector.load %arg5[%get3A_27, %get3A_28] : memref<32x8xf32, #tpu.memory_space<vmem>>, vector<32x8xf32>
    %dot_general3A = arith.constant dense<0.000000e+00> : vector<2048x8xf32>
    %dot_general3A_30 = tpu.matmul %max3A_26, %get3A_29, %dot_general3A {dimension_numbers = #tpu.dot_dimension_numbers<[1], [0], [0], [1], [0, 0, 1, 1], [], []>, transpose_lhs_hint = false} : vector<2048x32xf32>, vector<32x8xf32>, vector<2048x8xf32> -> vector<2048x8xf32>
    %mul3A_31 = vector.broadcast %rsqrt3A : vector<2048x1xf32> to vector<2048x8xf32>
    %mul3A_32 = arith.mulf %dot_general3A_30, %mul3A_31 : vector<2048x8xf32>
    %swap3A = arith.constant 0 : index
    %swap3A_33 = arith.constant 0 : index
    %swap3A_34 = vector.load %arg6[%swap3A, %swap3A_33] : memref<2048x8xf32, #tpu.memory_space<vmem>>, vector<2048x8xf32>
    tpu.vector_store %arg6[%swap3A, %swap3A_33], %mul3A_32 {strides = array<i32>} : memref<2048x8xf32, #tpu.memory_space<vmem>>, vector<2048x8xf32>,
    return
  }
  func.func @transform_0(%arg0: i32) -> (i32, i32, i32) {
    %c0_i32 = arith.constant 0 : i32
    %c0_i32_0 = arith.constant 0 : i32
    %c0_i32_1 = arith.constant 0 : i32
    return %c0_i32, %arg0, %c0_i32_0 : i32, i32, i32
  }
  func.func @transform_1(%arg0: i32) -> (i32, i32) {
    %c0_i32 = arith.constant 0 : i32
    %c0_i32_0 = arith.constant 0 : i32
    return %arg0, %c0_i32 : i32, i32
  }
  func.func @transform_2(%arg0: i32) -> (i32, i32) {
    %c0_i32 = arith.constant 0 : i32
    %c0_i32_0 = arith.constant 0 : i32
    return %arg0, %c0_i32 : i32, i32
  }
  func.func @transform_3(%arg0: i32) -> (i32, i32) {
    %c0_i32 = arith.constant 0 : i32
    %c0_i32_0 = arith.constant 0 : i32
    %c0_i32_1 = arith.constant 0 : i32
    return %c0_i32, %c0_i32_0 : i32, i32
  }
  func.func @transform_4(%arg0: i32) -> (i32, i32) {
    %c0_i32 = arith.constant 0 : i32
    %c0_i32_0 = arith.constant 0 : i32
    %c0_i32_1 = arith.constant 0 : i32
    return %c0_i32, %c0_i32_0 : i32, i32
  }
  func.func @transform_5(%arg0: i32) -> (i32, i32) {
    %c0_i32 = arith.constant 0 : i32
    %c0_i32_0 = arith.constant 0 : i32
    return %arg0, %c0_i32 : i32, i32
  }
}

module attributes {stable_mosaic.version = 14 : i64} {
  func.func @_final_body(%arg0: i32, %arg1: memref<2x2048x8xf32, #tpu.memory_space<vmem>>, %arg2: memref<2048x8xf32, #tpu.memory_space<vmem>>, %arg3: memref<2048x1xf32, #tpu.memory_space<vmem>>, %arg4: memref<1x8xf32, #tpu.memory_space<vmem>>, %arg5: memref<2048x2xf32, #tpu.memory_space<vmem>>) attributes {dimension_semantics = [#tpu.dimension_semantics<arbitrary>], iteration_bounds = array<i64: 5>, scalar_prefetch = 0 : i64, scratch_operands = 0 : i64, tpu.core_type = #tpu.core_type<tc>, window_params = [{transform_indices = @transform_0, window_bounds = array<i64: 2, 2048, 8>}, {transform_indices = @transform_1, window_bounds = array<i64: 2048, 8>}, {transform_indices = @transform_2, window_bounds = array<i64: 2048, 1>}, {pipeline_mode = #tpu.pipeline_mode<synchronous>, transform_indices = @transform_3, window_bounds = array<i64: 1, 8>}, {transform_indices = @transform_4, window_bounds = array<i64: 2048, 2>}]} {
    %get3A = arith.constant 0 : index
    %get3A_0 = arith.constant 0 : index
    %get3A_1 = vector.load %arg3[%get3A, %get3A_0] : memref<2048x1xf32, #tpu.memory_space<vmem>>, vector<2048x1xf32>
    %add3A = arith.constant 1.000000e+00 : f32
    %add3A_2 = vector.broadcast %add3A : f32 to vector<2048x1xf32>
    %add3A_3 = arith.addf %get3A_1, %add3A_2 : vector<2048x1xf32>
    %rsqrt3A = math.rsqrt %add3A_3 : vector<2048x1xf32>
    %get3A_4 = arith.constant 0 : index
    %get3A_5 = arith.constant 0 : index
    %get3A_6 = arith.constant 0 : index
    %get3A_7 = vector.load %arg1[%get3A_4, %get3A_5, %get3A_6] : memref<2x2048x8xf32, #tpu.memory_space<vmem>>, vector<1x2048x8xf32>
    %get3A_8 = vector.shape_cast %get3A_7 : vector<1x2048x8xf32> to vector<2048x8xf32>
    %get3A_9 = arith.constant 1 : index
    %get3A_10 = arith.constant 0 : index
    %get3A_11 = arith.constant 0 : index
    %get3A_12 = vector.load %arg1[%get3A_9, %get3A_10, %get3A_11] : memref<2x2048x8xf32, #tpu.memory_space<vmem>>, vector<1x2048x8xf32>
    %get3A_13 = vector.shape_cast %get3A_12 : vector<1x2048x8xf32> to vector<2048x8xf32>
    %add3A_14 = arith.addf %get3A_8, %get3A_13 : vector<2048x8xf32>
    %get3A_15 = arith.constant 0 : index
    %get3A_16 = arith.constant 0 : index
    %get3A_17 = vector.load %arg2[%get3A_15, %get3A_16] : memref<2048x8xf32, #tpu.memory_space<vmem>>, vector<2048x8xf32>
    %add3A_18 = arith.addf %add3A_14, %get3A_17 : vector<2048x8xf32>
    %mul3A = vector.broadcast %rsqrt3A : vector<2048x1xf32> to vector<2048x8xf32>
    %mul3A_19 = arith.mulf %add3A_18, %mul3A : vector<2048x8xf32>
    %get3A_20 = arith.constant 0 : index
    %get3A_21 = arith.constant 0 : index
    %get3A_22 = vector.load %arg4[%get3A_20, %get3A_21] : memref<1x8xf32, #tpu.memory_space<vmem>>, vector<1x8xf32>
    %add3A_23 = vector.broadcast %get3A_22 : vector<1x8xf32> to vector<2048x8xf32>
    %add3A_24 = arith.addf %mul3A_19, %add3A_23 : vector<2048x8xf32>
    %slice3A = vector.extract_strided_slice %add3A_24 {offsets = [0, 0], sizes = [2048, 2], strides = [1, 1]} : vector<2048x8xf32> to vector<2048x2xf32>
    %reduce_max3A = arith.constant dense<0xFF800000> : vector<2048xf32>
    %reduce_max3A_25 = vector.multi_reduction <maximumf>, %slice3A, %reduce_max3A [1] : vector<2048x2xf32> to vector<2048xf32>
    %broadcast_in_dim3A = vector.shape_cast %reduce_max3A_25 : vector<2048xf32> to vector<2048x1xf32>
    %sub3A = vector.broadcast %broadcast_in_dim3A : vector<2048x1xf32> to vector<2048x2xf32>
    %sub3A_26 = arith.subf %slice3A, %sub3A : vector<2048x2xf32>
    %exp3A = math.exp %sub3A_26 : vector<2048x2xf32>
    %slice3A_27 = vector.extract_strided_slice %exp3A {offsets = [0, 0], sizes = [2048, 1], strides = [1, 1]} : vector<2048x2xf32> to vector<2048x1xf32>
    %slice3A_28 = vector.extract_strided_slice %exp3A {offsets = [0, 1], sizes = [2048, 1], strides = [1, 1]} : vector<2048x2xf32> to vector<2048x1xf32>
    %add3A_29 = arith.addf %slice3A_27, %slice3A_28 : vector<2048x1xf32>
    %log3A = math.log %add3A_29 : vector<2048x1xf32>
    %add3A_30 = arith.addf %log3A, %broadcast_in_dim3A : vector<2048x1xf32>
    %sub3A_31 = vector.broadcast %add3A_30 : vector<2048x1xf32> to vector<2048x2xf32>
    %sub3A_32 = arith.subf %slice3A, %sub3A_31 : vector<2048x2xf32>
    %swap3A = arith.constant 0 : index
    %swap3A_33 = arith.constant 0 : index
    %swap3A_34 = vector.load %arg5[%swap3A, %swap3A_33] : memref<2048x2xf32, #tpu.memory_space<vmem>>, vector<2048x2xf32>
    tpu.vector_store %arg5[%swap3A, %swap3A_33], %sub3A_32 {strides = array<i32>} : memref<2048x2xf32, #tpu.memory_space<vmem>>, vector<2048x2xf32>,
    return
  }
  func.func @transform_0(%arg0: i32) -> (i32, i32, i32) {
    %c0_i32 = arith.constant 0 : i32
    %c0_i32_0 = arith.constant 0 : i32
    %c0_i32_1 = arith.constant 0 : i32
    return %c0_i32, %arg0, %c0_i32_0 : i32, i32, i32
  }
  func.func @transform_1(%arg0: i32) -> (i32, i32) {
    %c0_i32 = arith.constant 0 : i32
    %c0_i32_0 = arith.constant 0 : i32
    return %arg0, %c0_i32 : i32, i32
  }
  func.func @transform_2(%arg0: i32) -> (i32, i32) {
    %c0_i32 = arith.constant 0 : i32
    %c0_i32_0 = arith.constant 0 : i32
    return %arg0, %c0_i32 : i32, i32
  }
  func.func @transform_3(%arg0: i32) -> (i32, i32) {
    %c0_i32 = arith.constant 0 : i32
    %c0_i32_0 = arith.constant 0 : i32
    %c0_i32_1 = arith.constant 0 : i32
    return %c0_i32, %c0_i32_0 : i32, i32
  }
  func.func @transform_4(%arg0: i32) -> (i32, i32) {
    %c0_i32 = arith.constant 0 : i32
    %c0_i32_0 = arith.constant 0 : i32
    return %arg0, %c0_i32 : i32, i32
  }
}

</mosaic_0001>

<sc_bundles>
// kernel: kernel.10.cloned.1.call-start
scs
__scs_entry_jumppad:
0x0: {  	(pc) =	sbr.rel $0x88, $3  }
0x1: {  	(tag) =	ssettag $0x0;
	lr =	simm.s32 $0x1  }
0x2: {  	[smem:$0x3F99] =	sst lr;
	_ =	strace $0xD0000000  }
0x3: {  	_ = 	snop  }
0x4: {  	_ = 	snop  }
0x5: {  	_ = 	snop  }
0x6: {  	_ = 	snop  }
0x7: {  	_ = 	snop  }
__scs_overlays_trampoline_lowered:
0x8: {  	[smem:$0x3FA8] =	sst s0  }
0x9: {  	[smem:$0x3FA9] =	sst s1  }
0xa: {  	[smem:$0x3FAA] =	sst s2  }
0xb: {  	[smem:$0x3FAB] =	sst s3  }
0xc: {  	[smem:$0x3FAC] =	sst s4  }
0xd: {  	[smem:$0x3FAD] =	sst s5  }
0xe: {  	[smem:$0x3FAE] =	sst s6  }
0xf: {  	[smem:$0x3FAF] =	sst s7  }
0x10: {  	[smem:$0x3FB0] =	sst s8  }
0x11: {  	[smem:$0x3FB1] =	sst s9;
	s0 =	simm.s32 @!p0 $0x0  }
0x12: {  	s1 =	sld [smem:$0x3F97];
	s0 =	simm.s32 @p0 $0x1  }
0x13: {  	[smem:$0x3FB2] =	sst s0;
	s0 =	simm.s32 @!p1 $0x0  }
0x14: {  	s2 =	sld [smem:$0x3F96];
	s0 =	simm.s32 @p1 $0x1  }
0x15: {  	[smem:$0x3FB3] =	sst s0;
	s0 =	simm.s32 @!p2 $0x0  }
0x16: {  	s3 =	sld [smem:$0x3FDB];
	s0 =	simm.s32 @p2 $0x1  }
0x17: {  	s4 =	simm.s32 $0x1BF5;
	[smem:$0x3FB5] =	sst s0  }
0x18: {  	s0 =	sld [smem:$0x3F98];
	_ =	swait.ge [sflag:s4], $0x0  }
0x19: {  	s7 =	sld [smem:$0x3F99]  }
0x1a: {  	s8 =	sadd.s32 $0xFFFFE003, lr  }
0x1b: {  	s9 =	sadd.s32 $0xFFFFFEF7, lr;
	s5 =	simm.s32 $0xFFFFFFFF;
	p2 =	slt.u32 s8, $0xFFFFF086  }
0x1c: {  	p1 =	slt.u32 s9, $0xF7A;
	s5 =	simm.s32 @!p2 $0x0  }
0x1d: {  	s5 =	simm.s32 @p1 $0x1;
	p0 =	seq.s32 s7, s2  }
0x1e: {  	s7 =	smul.u32 @!p0 $0xF7A, s2;
	p2 =	seq.s32 @!p0 s5, $0x0  }
0x1f: {  	s9 =	smul.u32 $0xF7A, s1;
	s8 =	simm.s32 @!p0 $0x1BF5;
	p2 =	por !p2, p0  }
0x20: {  	[sflag:s8] =	ssyncset.s32 @!p0 $0xFFFFF086;
	s6 =	sadd.s32 @!p0 s3, s7;
	s7 =	simm.s32 @!p0 $0x108  }
0x21: {  	s3 =	sadd.s32 s3, s9;
	s6 =	sadd.s32 @!p0 $0x88, s6;
	s7 =	simm.s32 @p2 $0x1082  }
0x22: {  	[simem:s7], [sflag:s8] =	dma.local @!p0 [hbm:s6], $0xF7A  }
0x23: {  	s9 =	sor.u32 $0xD0000000, s2;
	s6 =	simm.s32 $0x108;
	_ =	swait.ge @!p0 [sflag:s8], $0x0  }
0x24: {  	s3 =	sadd.s32 $0x88, s3;
	s6 =	simm.s32 @!p1 $0x1082;
	[sflag:s4] =	ssyncset.s32 $0xFFFFF086  }
0x25: {  	[simem:s6], [sflag:s4] =	dma.local [hbm:s3], $0xF7A  }
0x26: {  	[smem:$0x3F99] =	sst s1;
	(tag) =	ssettag s2;
	_ =	strace s9  }
0x27: {  	s1 =	sld [smem:$0x3FA9]  }
0x28: {  	s2 =	sld [smem:$0x3FAA]  }
0x29: {  	s4 =	sld [smem:$0x3FAC]  }
0x2a: {  	p0 =	seq.s32 s5, $0x0;
	s5 =	sld [smem:$0x3FAD]  }
0x2b: {  	s6 =	sld [smem:$0x3FAE]  }
0x2c: {  	s7 =	sld [smem:$0x3FAF]  }
0x2d: {  	s3 =	simm.s32 $0x108;
	s8 =	sld [smem:$0x3FB0]  }
0x2e: {  	s3 =	simm.s32 @!p0 $0x1082;
	s9 =	sld [smem:$0x3FB1]  }
0x2f: {  	lr =	sadd.s32 s0, s3;
	s0 =	sld [smem:$0x3FA8]  }
0x30: {  	s3 =	sld [smem:$0x3FAB]  }
0x31: {  	[smem:$0x3FB4] =	sst s10  }
0x32: {  	s10 =	sld [smem:$0x3FB2];
	_ =	sdelay $0x3  }
0x33: {  	p0 =	seq.s32 s10, $0x1;
	s10 =	sld [smem:$0x3FB4];
	_ =	sdelay $0x3  }
0x34: {  	[smem:$0x3FB4] =	sst s10  }
0x35: {  	s10 =	sld [smem:$0x3FB3];
	_ =	sdelay $0x3  }
0x36: {  	p1 =	seq.s32 s10, $0x1;
	s10 =	sld [smem:$0x3FB4];
	_ =	sdelay $0x3  }
0x37: {  	[smem:$0x3FB4] =	sst s10  }
0x38: {  	s10 =	sld [smem:$0x3FB5]  }
0x39: {  	_ = 	snop;
	(pc) =	sbr.ind lr, $3  }
0x3a: {  	_ = 	snop  }
0x3b: {  	_ = 	snop  }
0x3c: {  	p2 =	seq.s32 s10, $0x1;
	s10 =	sld [smem:$0x3FB4]  }
0x3d: {  	_ =	shalt  }
0x3e: {  	_ =	shalt  }
0x3f: {  	_ =	shalt  }
0x40: {  	_ =	shalt  }
0x41: {  	_ =	shalt  }
0x42: {  	_ =	shalt  }
0x43: {  	_ =	shalt  }
0x44: {  	_ =	shalt  }
0x45: {  	_ =	shalt  }
0x46: {  	_ =	shalt  }
0x47: {  	_ =	shalt  }
0x48: {  	_ =	shalt  }
0x49: {  	_ =	shalt  }
0x4a: {  	_ =	shalt  }
0x4b: {  	_ =	shalt  }
0x4c: {  	_ =	shalt  }
0x4d: {  	_ =	shalt  }
0x4e: {  	_ =	shalt  }
0x4f: {  	_ =	shalt  }
0x50: {  	_ =	shalt  }
0x51: {  	_ =	shalt  }
0x52: {  	_ =	shalt  }
0x53: {  	_ =	shalt  }
0x54: {  	_ =	shalt  }
0x55: {  	_ =	shalt  }
0x56: {  	_ =	shalt  }
0x57: {  	_ =	shalt  }
0x58: {  	_ =	shalt  }
0x59: {  	_ =	shalt  }
0x5a: {  	_ =	shalt  }
0x5b: {  	_ =	shalt  }
0x5c: {  	_ =	shalt  }
0x5d: {  	_ =	shalt  }
0x5e: {  	_ =	shalt  }
0x5f: {  	_ =	shalt  }
0x60: {  	_ =	shalt  }
0x61: {  	_ =	shalt  }
0x62: {  	_ =	shalt  }
0x63: {  	_ =	shalt  }
0x64: {  	_ =	shalt  }
0x65: {  	_ =	shalt  }
0x66: {  	_ =	shalt  }
0x67: {  	_ =	shalt  }
0x68: {  	_ =	shalt  }
0x69: {  	_ =	shalt  }
0x6a: {  	_ =	shalt  }
0x6b: {  	_ =	shalt  }
0x6c: {  	_ =	shalt  }
0x6d: {  	_ =	shalt  }
0x6e: {  	_ =	shalt  }
0x6f: {  	_ =	shalt  }
0x70: {  	_ =	shalt  }
0x71: {  	_ =	shalt  }
0x72: {  	_ =	shalt  }
0x73: {  	_ =	shalt  }
0x74: {  	_ =	shalt  }
0x75: {  	_ =	shalt  }
0x76: {  	_ =	shalt  }
0x77: {  	_ =	shalt  }
0x78: {  	_ =	shalt  }
0x79: {  	_ =	shalt  }
0x7a: {  	_ =	shalt  }
0x7b: {  	_ =	shalt  }
0x7c: {  	_ =	shalt  }
0x7d: {  	_ =	shalt  }
0x7e: {  	_ =	shalt  }
0x7f: {  	_ =	shalt  }
0x80: {  	_ =	shalt  }
0x81: {  	_ =	shalt  }
0x82: {  	_ =	shalt  }
0x83: {  	_ =	shalt  }
0x84: {  	_ =	shalt  }
0x85: {  	_ =	shalt  }
0x86: {  	_ =	shalt  }
0x87: {  	_ =	shalt  }
.Lfunc_end0:
.L_simem_size_0:
called_computation_lowered:
.L_overlay_start_0:
0x88: {  	s2 =	sld [smem:$0x3FD9]  }
0x89: {  	s3 =	sld [smem:$0x3FFE];
	_ =	sdelay $0x1  }
0x8a: {  	s1 =	srdreg.scid  }
0x8b: {  	s0 =	sand.u32 $0x1, s1  }
0x8c: {  	s17 =	sshll.u32 s0, $0xA;
	s2 =	sadd.s32 s3, s2  }
0x8d: {  	s2 =	sadd.s32 s2, s17  }
0x8e: {  	[smem:$0x3FC0] =	sst s2  }
0x8f: {  	_ = 	snop  }
0x90: {  	s2 =	sld [smem:$0x3FD0];
	(tm) =	ssettm $0x1  }
0x91: {  	s18 =	sld [smem:$0x3FFB];
	_ =	sdelay $0x3  }
0x92: {  	_ =	strace s18  }
0x93: {  	s3 =	sld [smem:$0x3FFC];
	_ =	sdelay $0x3  }
0x94: {  	_ =	strace s3  }
0x95: {  	s3 =	sld [smem:$0x3FFD];
	_ =	sdelay $0x3  }
0x96: {  	_ =	strace s3  }
0x97: {  	_ =	strace $0x8FFFFFFF  }
0x98: {  	s19 =	sld [smem:$0x3FDB];
	_ =	sdelay $0x1  }
0x99: {  	s4 =	simm.s32 $_scs_section_size  }
0x9a: {  	s5 =	simm.s32 $_size__tile_overlayer_lowered;
	s6 =	simm.s32 $_tile_overlayer_lowered  }
0x9b: {  	s22 =	simm.s32 $0x1BFF;
	s21 =	sshll.u32 s6, $0x1;
	s3 =	sadd.s32 s4, s19  }
0x9c: {  	s7 =	simm.s32 $0x0;
	s20 =	sshll.u32 s5, $0x1;
	s5 =	sadd.s32 s21, s3  }
0x9d: {  	[timem:s7], [sflag:s22] =	dma.local [hbm:s5], s20  }
0x9e: {  	_ =	swait.ge [sflag:s22], s20  }
0x9f: {  	s4 =	ssub.s32 $0x0, s20;
	[sflag:s22] =	ssyncset.done $0x0  }
0xa0: {  	[sflag:s22] =	ssyncadd.s32 s4;
	_ =	sdelay $0x1  }
0xa1: {  	s23 =	simm.s32 $0x1B8B  }
0xa2: {  	_ =	swait.ge [sflag:s23], $0x1  }
0xa3: {  	[sflag:s23] =	ssyncset.done $0x0  }
0xa4: {  	s25 =	simm.s32 $0x1B8E;
	s24 =	sld [smem:$0x3FFE];
	[sflag:s23] =	ssyncadd.s32 $0xFFFFFFFF  }
0xa5: {  	s26 =	simm.s32 $execute0_lowered;
	[smem:$0x3FD2] =	sst s25  }
0xa6: {  	s5 =	sshll.u32 s26, $0x1;
	_ =	strace $0x80000046;
	[dreg:$0x1] =	wrdreg $0xFFFFFFFF  }
0xa7: {  	s28 =	simm.s32 $_size_execute0_lowered;
	s3 =	sadd.s32 s3, s5;
	[dreg:$0x0] =	wrdreg $0x0  }
0xa8: {  	s5 =	sshll.u32 s28, $0x1;
	[dreg:$0x2] =	wrdreg s3  }
0xa9: {  	[dreg:$0x3] =	wrdreg s5  }
0xaa: {  	[dreg:$0x4] =	wrdreg $0xC0  }
0xab: {  	_ =	task [dreg:s7], $0x5FFFF  }
0xac: {  	[dreg:$0x1] =	wrdreg $0xFFFFFFFF  }
0xad: {  	[dreg:$0x0] =	wrdreg $0x60  }
0xae: {  	[dreg:$0x2] =	wrdreg s24  }
0xaf: {  	[dreg:$0x3] =	wrdreg s2  }
0xb0: {  	[dreg:$0x4] =	wrdreg $0x4F000  }
0xb1: {  	[dreg:$0x5] =	wrdreg $0x9  }
0xb2: {  	_ =	task.clear_ibuf [dreg:s7], $0x6FFFF;
	_ =	strace $0x90000046  }
0xb3: {  	s29 =	simm.s32 $0x9;
	_ =	strace $0x80000048  }
0xb4: {  	_ =	swait.ge [sflag:s29], $0x1  }
0xb5: {  	[sflag:s29] =	ssyncadd.s32 $0xFFFFFFFF  }
0xb6: {  	_ =	strace $0x90000048  }
0xb7: {  	_ =	sfence  }
0xb8: {  	s30 =	sld [smem:$0x0];
	_ =	sdelay $0x2  }
0xb9: {  	s31 =	sshll.u32 s1, $0xD;
	s1 =	sshrl.u32 s1, $0x2  }
0xba: {  	s3 =	sand.u32 $0x4000, s31;
	s1 =	sadd.s32 s1, s30  }
0xbb: {  	s0 =	sor.u32 s3, s0;
	s1 =	sshll.u32 s1, $0x11  }
0xbc: {  	s0 =	sor.u32 s1, s0  }
0xbd: {  	s0 =	sadd.s32 $0x8F2B, s0  }
0xbe: {  	[sflag:s0] =	ssyncadd.remote.s32 $0x1  }
0xbf: {  	_ =	sfence.sel $0xFFFF  }
0xc0: {  	[dreg:$0x0] =	wrdreg $0xFFFFFFFF;
	(pc) =	sbr.abs _section_cstart, $3  }
0xc1: {  	[dreg:$0x1] =	wrdreg $0xFFFFFFFF  }
0xc2: {  	_ =	task.clear_ibuf [dreg:s7], $0x2FFFF;
	_ =	strace $0x9FFFFFFF  }
0xc3: {  	(tm) =	ssettm $0x7FFFFFFF  }
tec
execute0_lowered:
.L_overlay_start_1:
0x0: {  	(tag) =	ssettag $0x1  }
0x1: {  	s5 =	rddreg [dreg:$0x0]  }
0x2: {  	s6 =	rddreg [dreg:$0x1]  }
0x3: {  	s2 =	rddreg [dreg:$0x2]  }
0x4: {  	s0 =	rddreg [dreg:$0x3];
	s1 =	stileid.u32  }
0x5: {  	s3 =	simm.s32 $0x0;
	s4 =	srdreg.scid;
	s12 =	simm.s32 $0x80  }
0x6: {  	s13 =	simm.s32 $0x4E80;
	s14 =	simm.s32 $0x100;
	s15 =	simm.s32 $0x180  }
0x7: {  	s16 =	simm.s32 $0x1;
	s17 =	simm.s32 $0x2;
	s18 =	simm.s32 $0x3  }
0x8: {  	s21 =	simm.s32 $0x0;
	s7 =	smul.u32 $0x280, s1;
	[smem:$0x7FF] =	sst s3  }
0x9: {  	s19 =	sand.u32 $0x1, s4;
	s28 =	smul.u32 $0x9C, s1;
	s9 =	smax.u32 s1, $0xC  }
0xa: {  	p0 =	slt.u32 s1, $0xC;
	s31 =	sshll.u32 s1, $0x6;
	_ =	strace $0x80000047  }
0xb: {  	s8 =	ssub.s32 $0x2, s19;
	p1 =	sne.s32 s19, $0x0;
	s19 =	simm.s32 $0x4  }
0xc: {  	s10 =	sshrl.u32 s7, $0x3;
	s11 =	sshrl.u32 s8, $0x1;
	s4 =	sadd.s32 s28, s9  }
0xd: {  	s20 =	sadd.s32 s7, s2;
	s9 =	simm.s32 $0x5;
	s29 =	sadd.s32 s10, s5  }
0xe: {  	s8 =	ssub.s32 s8, s11;
	s30 =	sshll.u32 s4, $0x4;
	s4 =	simm.s32 $0x9C  }
0xf: {  	s6 =	sadd.s32 s6, s10;
	s10 =	sor.u32 $0x1C05, s31;
	s11 =	sshrl.u32 s20, $0x3  }
0x10: {  	s20 =	sshrl.u32 @!p1 s20, $0x3;
	s5 =	sadd.s32 s5, s30;
	s4 =	simm.s32 @!p0 $0x9D  }
0x11: {  	v0 =	vimm.f32 $1.000000000e+00;
	s7 =	sadd.s32 $0x15E00, s29;
	s8 =	smax.u32 s8, $0x1;
	s5 =	sadd.s32 $0xBF80, s5  }
.LBB2_1:
0x12: {  	[tilespmem:$0x4E80] =	vst v0  }
0x13: {  	[tilespmem:$0x4E90] =	vst v0  }
0x14: {  	[tilespmem:$0x4EA0] =	vst v0  }
0x15: {  	[tilespmem:$0x4EB0] =	vst v0  }
0x16: {  	[tilespmem:$0x4EC0] =	vst v0  }
0x17: {  	[tilespmem:$0x4ED0] =	vst v0  }
0x18: {  	[tilespmem:$0x4EE0] =	vst v0  }
0x19: {  	[tilespmem:$0x4EF0] =	vst v0  }
0x1a: {  	[tilespmem:s3], [sflag:$0x5] =	stream.linear.gather [hbm4b:s5+s3], $0x4E80, $0x38;
	[tilespmem:$0x5180] =	vst v63  }
0x1b: {  	_ =	swait.ge [sflag:s9], $0x4E80  }
0x1c: {  	[sflag:s9] =	ssyncset.done $0x0  }
0x1d: {  	[sflag:s9] =	ssyncadd.s32 $0xFFFFB180  }
0x1e: {  	[spmem:s11], [sflag:s10] =	dma.local [hbm:s6], $0x50  }
0x1f: {  	_ =	swait.ge [sflag:s9], $0x50  }
0x20: {  	[sflag:s9] =	ssyncset.done $0x0  }
0x21: {  	[sflag:s9] =	ssyncadd.s32 $0xFFFFFFB0  }
0x22: {  	[bflag:$0x0] =	sbarrier.arrive $0xFFFF  }
0x23: {  	[spmem:s2] =	stream.indirect.scatter.add.f32 [tilespmem:s13], [sflag:$0x1], $0x1, s3, s12, $0xb8;
	[tilespmem:$0x5180] =	vst v63  }
0x24: {  	_ = 	snop  }
0x25: {  	[spmem:s2] =	stream.indirect.scatter.add.f32 [tilespmem:s13], [sflag:$0x2], $0x1, s12, s12, $0xb8;
	[tilespmem:$0x5180] =	vst v63  }
0x26: {  	_ = 	snop  }
0x27: {  	[spmem:s2] =	stream.indirect.scatter.add.f32 [tilespmem:s13], [sflag:$0x3], $0x1, s14, s12, $0xb8;
	[tilespmem:$0x5180] =	vst v63  }
0x28: {  	_ = 	snop  }
0x29: {  	[spmem:s2] =	stream.indirect.scatter.add.f32 [tilespmem:s13], [sflag:$0x4], $0x1, s15, s12, $0xb8;
	[tilespmem:$0x5180] =	vst v63  }
0x2a: {  	_ =	swait.ge [sflag:s16], $0x80  }
0x2b: {  	s22 =	simm.s32 $0x200;
	p2 =	sle.u32 s4, $0x4;
	[sflag:s16] =	ssyncset.done $0x0  }
0x2c: {  	s23 =	simm.s32 @!p2 $0x80;
	s24 =	simm.s32 @!p2 $0x4E80;
	[sflag:s16] =	ssyncadd.s32 $0xFFFFFF80  }
0x2d: {  	[spmem:s2] =	stream.indirect.scatter.add.f32 @!p2 [tilespmem:s24], [sflag:$0x1], $0x1, s22, s23, $0xb8;
	[tilespmem:$0x5180] =	vst v63  }
0x2e: {  	p2 =	sle.u32 s4, $0x5;
	_ =	swait.ge [sflag:s17], $0x80  }
0x2f: {  	s22 =	simm.s32 @!p2 $0x280;
	[sflag:s17] =	ssyncset.done $0x0  }
0x30: {  	s23 =	simm.s32 @!p2 $0x80;
	s24 =	simm.s32 @!p2 $0x4E80;
	[sflag:s17] =	ssyncadd.s32 $0xFFFFFF80  }
0x31: {  	[spmem:s2] =	stream.indirect.scatter.add.f32 @!p2 [tilespmem:s24], [sflag:$0x2], $0x1, s22, s23, $0xb8;
	[tilespmem:$0x5180] =	vst v63  }
0x32: {  	p2 =	sle.u32 s4, $0x6;
	_ =	swait.ge [sflag:s18], $0x80  }
0x33: {  	p3 =	sle.u32 s4, $0x7;
	s23 =	simm.s32 @!p2 $0x300;
	[sflag:s18] =	ssyncset.done $0x0  }
0x34: {  	s24 =	simm.s32 @!p2 $0x4E80;
	s25 =	simm.s32 @!p2 $0x80;
	[sflag:s18] =	ssyncadd.s32 $0xFFFFFF80  }
0x35: {  	[spmem:s2] =	stream.indirect.scatter.add.f32 @!p2 [tilespmem:s24], [sflag:$0x3], $0x1, s23, s25, $0xb8;
	[tilespmem:$0x5180] =	vst v63  }
0x36: {  	s22 =	simm.s32 $0xB;
	s23 =	simm.s32 $0x400;
	_ =	swait.ge [sflag:s19], $0x80  }
0x37: {  	s24 =	simm.s32 @!p3 $0x380;
	s25 =	simm.s32 @!p3 $0x4E80;
	[sflag:s19] =	ssyncset.done $0x0  }
.LBB2_2:
0x38: {  	[sflag:s19] =	ssyncadd.s32 $0xFFFFFF80;
	s26 =	simm.s32 @!p3 $0x80  }
0x39: {  	s28 =	smov.u32 s22;
	s22 =	sadd.s32 $0x4, s22;
	s29 =	smov.u32 s23  }
0x3a: {  	[spmem:s2] =	stream.indirect.scatter.add.f32 @!p3 [tilespmem:s25], [sflag:$0x4], $0x1, s24, s26, $0xb8;
	[tilespmem:$0x5180] =	vst v63  }
0x3b: {  	s24 =	sadd.s32 $0xFFFFFFFD, s28;
	p2 =	sne.s32 s22, $0xA3;
	_ =	swait.ge [sflag:s16], $0x80  }
0x3c: {  	p3 =	sge.u32 s24, s4;
	[sflag:s16] =	ssyncset.done $0x0  }
0x3d: {  	s24 =	simm.s32 @!p3 $0x80;
	s25 =	simm.s32 @!p3 $0x4E80;
	[sflag:s16] =	ssyncadd.s32 $0xFFFFFF80  }
0x3e: {  	[spmem:s2] =	stream.indirect.scatter.add.f32 @!p3 [tilespmem:s25], [sflag:$0x1], $0x1, s23, s24, $0xb8;
	[tilespmem:$0x5180] =	vst v63  }
0x3f: {  	s24 =	sadd.s32 $0xFFFFFFFE, s28;
	_ =	swait.ge [sflag:s17], $0x80  }
0x40: {  	p3 =	sge.u32 s24, s4;
	[sflag:s17] =	ssyncset.done $0x0  }
0x41: {  	s24 =	sadd.s32 @!p3 $0x80, s23;
	s25 =	simm.s32 @!p3 $0x80;
	[sflag:s17] =	ssyncadd.s32 $0xFFFFFF80  }
0x42: {  	s30 =	sadd.s32 $0xFFFFFFFF, s28;
	s26 =	simm.s32 @!p3 $0x4E80  }
0x43: {  	[spmem:s2] =	stream.indirect.scatter.add.f32 @!p3 [tilespmem:s26], [sflag:$0x2], $0x1, s24, s25, $0xb8;
	[tilespmem:$0x5180] =	vst v63  }
0x44: {  	p3 =	sge.u32 s30, s4  }
0x45: {  	_ =	swait.ge [sflag:s18], $0x80;
	s24 =	sadd.s32 @!p3 $0x100, s23  }
.Ltmp0:
0x46: {  	s25 =	simm.s32 @!p3 $0x4E80;
	[sflag:s18] =	ssyncset.done $0x0;
	(pc) =	sbr.rel @p2 .LBB2_2-.Ltmp0, $4  }
0x47: {  	s26 =	simm.s32 @!p3 $0x80;
	[sflag:s18] =	ssyncadd.s32 $0xFFFFFF80  }
0x48: {  	[spmem:s2] =	stream.indirect.scatter.add.f32 @!p3 [tilespmem:s25], [sflag:$0x3], $0x1, s24, s26, $0xb8;
	[tilespmem:$0x5180] =	vst v63  }
0x49: {  	s23 =	sadd.s32 $0x200, s23;
	p3 =	sge.u32 s28, s4;
	_ =	swait.ge [sflag:s19], $0x80  }
0x4a: {  	s24 =	sadd.s32 @!p3 $0x180, s29;
	s25 =	simm.s32 @!p3 $0x4E80;
	[sflag:s19] =	ssyncset.done $0x0  }
0x4b: {  	[sflag:s19] =	ssyncadd.s32 $0xFFFFFF80;
	s22 =	simm.s32 @!p3 $0x80  }
0x4c: {  	[spmem:s2] =	stream.indirect.scatter.add.f32 @!p3 [tilespmem:s25], [sflag:$0x4], $0x1, s24, s22, $0xb8;
	[tilespmem:$0x5180] =	vst v63  }
0x4d: {  	s22 =	simm.s32 @!p0 $0x1  }
0x4e: {  	_ =	swait.ge @!p0 [sflag:s22], $0x80  }
0x4f: {  	s21 =	sadd.s32 $0x1, s21;
	[sflag:s22] =	ssyncset.done @!p0 $0x0  }
0x50: {  	p2 =	sne.s32 s21, s8;
	[sflag:s22] =	ssyncadd.s32 @!p0 $0xFFFFFF80  }
.Ltmp1:
0x51: {  	s22 =	simm.s32 @!p1 $0x5;
	[bflag:$0x0] =	sbarrier.arrive $0xFFFF;
	(pc) =	sbr.rel @p2 .LBB2_1-.Ltmp1, $4  }
0x52: {  	[hbm:s7], [sflag:s10] =	dma.local @!p1 [spmem:s20], $0x50  }
0x53: {  	_ =	swait.ge @!p1 [sflag:s22], $0x50  }
0x54: {  	[sflag:s22] =	ssyncset.done @!p1 $0x0  }
0x55: {  	[sflag:s22] =	ssyncadd.s32 @!p1 $0xFFFFFFB0  }
0x56: {  	_ =	sfence.sel $0x180000  }
0x57: {  	[bflag:$0x0] =	sbarrier.arrive $0xFFFF  }
0x58: {  	p0 =	sne.s32 s1, $0x0;
	_ =	strace $0x90000047  }
0x59: {  	s0 =	sadd.s32 @!p0 $0x100000, s0;
	[bflag:$0x2] =	sbarrier.arrive $0xFFFF  }
0x5a: {  	[sflag:s0] =	ssyncadd.tile.s32 @!p0 $0x1;
	_ =	shalt  }
.Lfunc_end2:
_tile_overlayer_lowered:
.L_overlay_start_2:
0x5b: {  	(tag) =	ssettag $0x2  }
0x5c: {  	s0 =	rddreg [dreg:$0x0];
	s2 =	stileid.u32  }
0x5d: {  	s1 =	rddreg [dreg:$0x1];
	p0 =	sne.s32 s2, $0x0  }
0x5e: {  	s3 =	rddreg [dreg:$0x2];
	[bflag:$0x3] =	sbarrier.arrive $0xFFFF;
	s2 =	simm.s32 @!p0 $0x1C05  }
0x5f: {  	[timem:s3], [sflag:s2] =	dma.local @!p0 [hbm:s0], s1  }
0x60: {  	s0 =	simm.s32 @!p0 $0x5  }
0x61: {  	_ =	swait.ge @!p0 [sflag:s0], s1  }
0x62: {  	s1 =	ssub.s32 @!p0 $0x0, s1;
	[sflag:s0] =	ssyncset.done @!p0 $0x0  }
0x63: {  	[sflag:s0] =	ssyncadd.s32 @!p0 s1  }
0x64: {  	[bflag:$0x3] =	sbarrier.arrive $0xFFFF  }
0x65: {  	_ =	shalt  }

// kernel: kernel.13.cloned.1.call-start
scs
__scs_entry_jumppad:
0x0: {  	(pc) =	sbr.rel $0x88, $3  }
0x1: {  	(tag) =	ssettag $0x0;
	lr =	simm.s32 $0x1  }
0x2: {  	[smem:$0x3F99] =	sst lr;
	_ =	strace $0xD0000000  }
0x3: {  	_ = 	snop  }
0x4: {  	_ = 	snop  }
0x5: {  	_ = 	snop  }
0x6: {  	_ = 	snop  }
0x7: {  	_ = 	snop  }
__scs_overlays_trampoline_lowered:
0x8: {  	[smem:$0x3FA8] =	sst s0  }
0x9: {  	[smem:$0x3FA9] =	sst s1  }
0xa: {  	[smem:$0x3FAA] =	sst s2  }
0xb: {  	[smem:$0x3FAB] =	sst s3  }
0xc: {  	[smem:$0x3FAC] =	sst s4  }
0xd: {  	[smem:$0x3FAD] =	sst s5  }
0xe: {  	[smem:$0x3FAE] =	sst s6  }
0xf: {  	[smem:$0x3FAF] =	sst s7  }
0x10: {  	[smem:$0x3FB0] =	sst s8  }
0x11: {  	[smem:$0x3FB1] =	sst s9;
	s0 =	simm.s32 @!p0 $0x0  }
0x12: {  	s1 =	sld [smem:$0x3F97];
	s0 =	simm.s32 @p0 $0x1  }
0x13: {  	[smem:$0x3FB2] =	sst s0;
	s0 =	simm.s32 @!p1 $0x0  }
0x14: {  	s2 =	sld [smem:$0x3F96];
	s0 =	simm.s32 @p1 $0x1  }
0x15: {  	[smem:$0x3FB3] =	sst s0;
	s0 =	simm.s32 @!p2 $0x0  }
0x16: {  	s3 =	sld [smem:$0x3FDB];
	s0 =	simm.s32 @p2 $0x1  }
0x17: {  	s4 =	simm.s32 $0x1BF5;
	[smem:$0x3FB5] =	sst s0  }
0x18: {  	s0 =	sld [smem:$0x3F98];
	_ =	swait.ge [sflag:s4], $0x0  }
0x19: {  	s7 =	sld [smem:$0x3F99]  }
0x1a: {  	s8 =	sadd.s32 $0xFFFFE003, lr  }
0x1b: {  	s9 =	sadd.s32 $0xFFFFFEF7, lr;
	s5 =	simm.s32 $0xFFFFFFFF;
	p2 =	slt.u32 s8, $0xFFFFF086  }
0x1c: {  	p1 =	slt.u32 s9, $0xF7A;
	s5 =	simm.s32 @!p2 $0x0  }
0x1d: {  	s5 =	simm.s32 @p1 $0x1;
	p0 =	seq.s32 s7, s2  }
0x1e: {  	s7 =	smul.u32 @!p0 $0xF7A, s2;
	p2 =	seq.s32 @!p0 s5, $0x0  }
0x1f: {  	s9 =	smul.u32 $0xF7A, s1;
	s8 =	simm.s32 @!p0 $0x1BF5;
	p2 =	por !p2, p0  }
0x20: {  	[sflag:s8] =	ssyncset.s32 @!p0 $0xFFFFF086;
	s6 =	sadd.s32 @!p0 s3, s7;
	s7 =	simm.s32 @!p0 $0x108  }
0x21: {  	s3 =	sadd.s32 s3, s9;
	s6 =	sadd.s32 @!p0 $0x88, s6;
	s7 =	simm.s32 @p2 $0x1082  }
0x22: {  	[simem:s7], [sflag:s8] =	dma.local @!p0 [hbm:s6], $0xF7A  }
0x23: {  	s9 =	sor.u32 $0xD0000000, s2;
	s6 =	simm.s32 $0x108;
	_ =	swait.ge @!p0 [sflag:s8], $0x0  }
0x24: {  	s3 =	sadd.s32 $0x88, s3;
	s6 =	simm.s32 @!p1 $0x1082;
	[sflag:s4] =	ssyncset.s32 $0xFFFFF086  }
0x25: {  	[simem:s6], [sflag:s4] =	dma.local [hbm:s3], $0xF7A  }
0x26: {  	[smem:$0x3F99] =	sst s1;
	(tag) =	ssettag s2;
	_ =	strace s9  }
0x27: {  	s1 =	sld [smem:$0x3FA9]  }
0x28: {  	s2 =	sld [smem:$0x3FAA]  }
0x29: {  	s4 =	sld [smem:$0x3FAC]  }
0x2a: {  	p0 =	seq.s32 s5, $0x0;
	s5 =	sld [smem:$0x3FAD]  }
0x2b: {  	s6 =	sld [smem:$0x3FAE]  }
0x2c: {  	s7 =	sld [smem:$0x3FAF]  }
0x2d: {  	s3 =	simm.s32 $0x108;
	s8 =	sld [smem:$0x3FB0]  }
0x2e: {  	s3 =	simm.s32 @!p0 $0x1082;
	s9 =	sld [smem:$0x3FB1]  }
0x2f: {  	lr =	sadd.s32 s0, s3;
	s0 =	sld [smem:$0x3FA8]  }
0x30: {  	s3 =	sld [smem:$0x3FAB]  }
0x31: {  	[smem:$0x3FB4] =	sst s10  }
0x32: {  	s10 =	sld [smem:$0x3FB2];
	_ =	sdelay $0x3  }
0x33: {  	p0 =	seq.s32 s10, $0x1;
	s10 =	sld [smem:$0x3FB4];
	_ =	sdelay $0x3  }
0x34: {  	[smem:$0x3FB4] =	sst s10  }
0x35: {  	s10 =	sld [smem:$0x3FB3];
	_ =	sdelay $0x3  }
0x36: {  	p1 =	seq.s32 s10, $0x1;
	s10 =	sld [smem:$0x3FB4];
	_ =	sdelay $0x3  }
0x37: {  	[smem:$0x3FB4] =	sst s10  }
0x38: {  	s10 =	sld [smem:$0x3FB5]  }
0x39: {  	_ = 	snop;
	(pc) =	sbr.ind lr, $3  }
0x3a: {  	_ = 	snop  }
0x3b: {  	_ = 	snop  }
0x3c: {  	p2 =	seq.s32 s10, $0x1;
	s10 =	sld [smem:$0x3FB4]  }
0x3d: {  	_ =	shalt  }
0x3e: {  	_ =	shalt  }
0x3f: {  	_ =	shalt  }
0x40: {  	_ =	shalt  }
0x41: {  	_ =	shalt  }
0x42: {  	_ =	shalt  }
0x43: {  	_ =	shalt  }
0x44: {  	_ =	shalt  }
0x45: {  	_ =	shalt  }
0x46: {  	_ =	shalt  }
0x47: {  	_ =	shalt  }
0x48: {  	_ =	shalt  }
0x49: {  	_ =	shalt  }
0x4a: {  	_ =	shalt  }
0x4b: {  	_ =	shalt  }
0x4c: {  	_ =	shalt  }
0x4d: {  	_ =	shalt  }
0x4e: {  	_ =	shalt  }
0x4f: {  	_ =	shalt  }
0x50: {  	_ =	shalt  }
0x51: {  	_ =	shalt  }
0x52: {  	_ =	shalt  }
0x53: {  	_ =	shalt  }
0x54: {  	_ =	shalt  }
0x55: {  	_ =	shalt  }
0x56: {  	_ =	shalt  }
0x57: {  	_ =	shalt  }
0x58: {  	_ =	shalt  }
0x59: {  	_ =	shalt  }
0x5a: {  	_ =	shalt  }
0x5b: {  	_ =	shalt  }
0x5c: {  	_ =	shalt  }
0x5d: {  	_ =	shalt  }
0x5e: {  	_ =	shalt  }
0x5f: {  	_ =	shalt  }
0x60: {  	_ =	shalt  }
0x61: {  	_ =	shalt  }
0x62: {  	_ =	shalt  }
0x63: {  	_ =	shalt  }
0x64: {  	_ =	shalt  }
0x65: {  	_ =	shalt  }
0x66: {  	_ =	shalt  }
0x67: {  	_ =	shalt  }
0x68: {  	_ =	shalt  }
0x69: {  	_ =	shalt  }
0x6a: {  	_ =	shalt  }
0x6b: {  	_ =	shalt  }
0x6c: {  	_ =	shalt  }
0x6d: {  	_ =	shalt  }
0x6e: {  	_ =	shalt  }
0x6f: {  	_ =	shalt  }
0x70: {  	_ =	shalt  }
0x71: {  	_ =	shalt  }
0x72: {  	_ =	shalt  }
0x73: {  	_ =	shalt  }
0x74: {  	_ =	shalt  }
0x75: {  	_ =	shalt  }
0x76: {  	_ =	shalt  }
0x77: {  	_ =	shalt  }
0x78: {  	_ =	shalt  }
0x79: {  	_ =	shalt  }
0x7a: {  	_ =	shalt  }
0x7b: {  	_ =	shalt  }
0x7c: {  	_ =	shalt  }
0x7d: {  	_ =	shalt  }
0x7e: {  	_ =	shalt  }
0x7f: {  	_ =	shalt  }
0x80: {  	_ =	shalt  }
0x81: {  	_ =	shalt  }
0x82: {  	_ =	shalt  }
0x83: {  	_ =	shalt  }
0x84: {  	_ =	shalt  }
0x85: {  	_ =	shalt  }
0x86: {  	_ =	shalt  }
0x87: {  	_ =	shalt  }
.Lfunc_end0:
.L_simem_size_0:
called_computation.1_lowered:
.L_overlay_start_0:
0x88: {  	s2 =	sld [smem:$0x3FD9]  }
0x89: {  	s3 =	sld [smem:$0x3FFE];
	_ =	sdelay $0x1  }
0x8a: {  	s1 =	srdreg.scid  }
0x8b: {  	s0 =	sand.u32 $0x1, s1  }
0x8c: {  	s16 =	sshll.u32 s0, $0xA;
	s2 =	sadd.s32 s3, s2  }
0x8d: {  	s2 =	sadd.s32 s2, s16  }
0x8e: {  	[smem:$0x3FC0] =	sst s2  }
0x8f: {  	_ = 	snop  }
0x90: {  	(tm) =	ssettm $0x1  }
0x91: {  	s17 =	sld [smem:$0x3FFB];
	_ =	sdelay $0x3  }
0x92: {  	_ =	strace s17  }
0x93: {  	s2 =	sld [smem:$0x3FFC];
	_ =	sdelay $0x3  }
0x94: {  	_ =	strace s2  }
0x95: {  	s2 =	sld [smem:$0x3FFD];
	_ =	sdelay $0x3  }
0x96: {  	_ =	strace s2  }
0x97: {  	_ =	strace $0x8FFFFFFF  }
0x98: {  	s18 =	sld [smem:$0x3FDB];
	_ =	sdelay $0x1  }
0x99: {  	s19 =	simm.s32 $_scs_section_size  }
0x9a: {  	s4 =	simm.s32 $_size__tile_overlayer_lowered;
	s5 =	simm.s32 $_tile_overlayer_lowered  }
0x9b: {  	s22 =	simm.s32 $0x1BFF;
	s21 =	sshll.u32 s5, $0x1;
	s2 =	sadd.s32 s19, s18  }
0x9c: {  	s6 =	simm.s32 $0x0;
	s20 =	sshll.u32 s4, $0x1;
	s4 =	sadd.s32 s21, s2  }
0x9d: {  	[timem:s6], [sflag:s22] =	dma.local [hbm:s4], s20  }
0x9e: {  	_ =	swait.ge [sflag:s22], s20  }
0x9f: {  	s3 =	ssub.s32 $0x0, s20;
	[sflag:s22] =	ssyncset.done $0x0  }
0xa0: {  	[sflag:s22] =	ssyncadd.s32 s3;
	_ =	sdelay $0x1  }
0xa1: {  	s23 =	simm.s32 $0x1B8B  }
0xa2: {  	_ =	swait.ge [sflag:s23], $0x1  }
0xa3: {  	[sflag:s23] =	ssyncset.done $0x0  }
0xa4: {  	s25 =	simm.s32 $0x1B8E;
	s24 =	sld [smem:$0x3FFE];
	[sflag:s23] =	ssyncadd.s32 $0xFFFFFFFF  }
0xa5: {  	s26 =	simm.s32 $execute0_lowered;
	[smem:$0x3FD2] =	sst s25  }
0xa6: {  	s4 =	sshll.u32 s26, $0x1;
	_ =	strace $0x80000049;
	[dreg:$0x1] =	wrdreg $0xFFFFFFFF  }
0xa7: {  	s28 =	simm.s32 $_size_execute0_lowered;
	s2 =	sadd.s32 s2, s4;
	[dreg:$0x0] =	wrdreg $0x0  }
0xa8: {  	s4 =	sshll.u32 s28, $0x1;
	[dreg:$0x2] =	wrdreg s2  }
0xa9: {  	[dreg:$0x3] =	wrdreg s4  }
0xaa: {  	[dreg:$0x4] =	wrdreg $0xC0  }
0xab: {  	_ =	task [dreg:s6], $0x5FFFF  }
0xac: {  	[dreg:$0x1] =	wrdreg $0xFFFFFFFF  }
0xad: {  	[dreg:$0x0] =	wrdreg $0x60  }
0xae: {  	[dreg:$0x2] =	wrdreg s24  }
0xaf: {  	[dreg:$0x3] =	wrdreg $0x6F000  }
0xb0: {  	[dreg:$0x4] =	wrdreg $0x97000  }
0xb1: {  	[dreg:$0x5] =	wrdreg $0x9  }
0xb2: {  	_ =	task.clear_ibuf [dreg:s6], $0x6FFFF;
	_ =	strace $0x90000049  }
0xb3: {  	s29 =	simm.s32 $0x9;
	_ =	strace $0x8000004B  }
0xb4: {  	_ =	swait.ge [sflag:s29], $0x1  }
0xb5: {  	[sflag:s29] =	ssyncadd.s32 $0xFFFFFFFF  }
0xb6: {  	_ =	strace $0x9000004B  }
0xb7: {  	_ =	sfence  }
0xb8: {  	s30 =	sld [smem:$0x0];
	_ =	sdelay $0x2  }
0xb9: {  	s31 =	sshll.u32 s1, $0xD;
	s1 =	sshrl.u32 s1, $0x2  }
0xba: {  	s3 =	sand.u32 $0x4000, s31;
	s1 =	sadd.s32 s1, s30  }
0xbb: {  	s0 =	sor.u32 s3, s0;
	s1 =	sshll.u32 s1, $0x11  }
0xbc: {  	s0 =	sor.u32 s1, s0  }
0xbd: {  	s0 =	sadd.s32 $0x8F2B, s0  }
0xbe: {  	[sflag:s0] =	ssyncadd.remote.s32 $0x1  }
0xbf: {  	_ =	sfence.sel $0xFFFF  }
0xc0: {  	[dreg:$0x0] =	wrdreg $0xFFFFFFFF;
	(pc) =	sbr.abs _section_cstart, $3  }
0xc1: {  	[dreg:$0x1] =	wrdreg $0xFFFFFFFF  }
0xc2: {  	_ =	task.clear_ibuf [dreg:s6], $0x2FFFF;
	_ =	strace $0x9FFFFFFF  }
0xc3: {  	(tm) =	ssettm $0x7FFFFFFF  }
tec
execute0_lowered:
.L_overlay_start_1:
0x0: {  	(tag) =	ssettag $0x1  }
0x1: {  	s0 =	rddreg [dreg:$0x0]  }
0x2: {  	s2 =	rddreg [dreg:$0x1]  }
0x3: {  	s3 =	rddreg [dreg:$0x2]  }
0x4: {  	s4 =	srdreg.scid;
	s1 =	stileid.u32  }
0x5: {  	s16 =	simm.s32 $0x80;
	s5 =	sand.u32 $0x1, s4;
	s4 =	simm.s32 $0x0  }
0x6: {  	s9 =	smul.u32 $0x2800, s1;
	s31 =	sshll.u32 s1, $0x6;
	s6 =	sshll.u32 s5, $0x4  }
0x7: {  	[smem:$0x7FF] =	sst s4;
	s7 =	smul.u32 $0x5000, s5;
	s11 =	ssub.s32 $0x2, s5  }
0x8: {  	s5 =	simm.s32 $0x4F;
	s6 =	sor.u32 s1, s6;
	_ =	strace $0x8000004A  }
0x9: {  	s19 =	sshrl.u32 s9, $0x3;
	s28 =	sshrl.u32 s11, $0x1;
	s30 =	sadd.s32 s9, s2  }
0xa: {  	s15 =	sadd.s32 s9, s3;
	s8 =	smul.u32 $0x4E, s6;
	s10 =	sadd.s32 s19, s0  }
0xb: {  	s26 =	smax.u32 s6, $0x1C;
	s12 =	sadd.s32 s7, s0;
	p0 =	sgt.u32 s6, $0x1B  }
0xc: {  	s11 =	ssub.s32 s11, s28;
	s14 =	sshrl.u32 s30, $0x3;
	s15 =	sshrl.u32 s15, $0x3  }
0xd: {  	s5 =	simm.s32 @!p0 $0x4E;
	s9 =	sadd.s32 $0x15E00, s10;
	s8 =	sadd.s32 s8, s26  }
0xe: {  	s20 =	sadd.s32 $0x1FE00, s12;
	s13 =	sadd.s32 $0x2, s5;
	s29 =	sshll.u32 s8, $0x4  }
0xf: {  	s19 =	sadd.s32 s19, s20;
	s20 =	simm.s32 $0x0;
	s0 =	sadd.s32 s0, s29  }
0x10: {  	s8 =	sadd.s32 $0x1AE00, s10;
	[dreg:$0x4] =	wrdreg s13;
	s6 =	sadd.s32 $0x2240, s0  }
0x11: {  	s10 =	smax.u32 s11, $0x1;
	s0 =	sadd.s32 $0xBE80, s0;
	[dreg:$0x5] =	wrdreg s6  }
0x12: {  	s11 =	simm.s32 $0x9;
	s13 =	sor.u32 $0x1C09, s31;
	[dreg:$0x6] =	wrdreg s0  }
.LBB2_1:
0x13: {  	s0 =	rddreg [dreg:$0x5]  }
0x14: {  	[tilespmem:s4], [sflag:$0x9] =	stream.linear.gather [hbm4b:s0+s4], $0x2780, $0x38;
	[tilespmem:$0xBF00] =	vst v63  }
0x15: {  	_ =	swait.ge [sflag:s11], $0x2780  }
0x16: {  	[sflag:s11] =	ssyncset.done $0x0  }
0x17: {  	s1 =	simm.s32 $0x2780;
	s26 =	rddreg [dreg:$0x6];
	[sflag:s11] =	ssyncadd.s32 $0xFFFFD880  }
0x18: {  	[tilespmem:s1], [sflag:$0x9] =	stream.linear.gather [hbm4b:s26+s4], $0x2780, $0x38;
	[tilespmem:$0xBF00] =	vst v63  }
0x19: {  	_ =	swait.ge [sflag:s11], $0x2780  }
0x1a: {  	[sflag:s11] =	ssyncset.done $0x0  }
0x1b: {  	[sflag:s11] =	ssyncadd.s32 $0xFFFFD880  }
0x1c: {  	[spmem:s14], [sflag:s13] =	dma.local [hbm:s8], $0x500  }
0x1d: {  	_ =	swait.ge [sflag:s11], $0x500  }
0x1e: {  	[sflag:s11] =	ssyncset.done $0x0  }
0x1f: {  	[sflag:s11] =	ssyncadd.s32 $0xFFFFFB00  }
0x20: {  	[spmem:s15], [sflag:s13] =	dma.local [hbm:s9], $0x500  }
0x21: {  	_ =	swait.ge [sflag:s11], $0x500  }
0x22: {  	[sflag:s11] =	ssyncset.done $0x0  }
0x23: {  	[sflag:s11] =	ssyncadd.s32 $0xFFFFFB00  }
0x24: {  	s29 =	simm.s32 $0x4F00;
	[bflag:$0x0] =	sbarrier.arrive $0xFFFF  }
0x25: {  	[tilespmem:s29], [sflag:$0x1] =	stream.indirect.gather [spmem:s3], $0x10, s4, s16, $0xb8;
	[tilespmem:$0xBF00] =	vst v63  }
0x26: {  	p0 =	por $0x1, $0x1;
	s0 =	rddreg [dreg:$0x4]  }
0x27: {  	s31 =	simm.s32 $0x5700;
	p1 =	sle.u32 @!p0 s0, $0x0  }
0x28: {  	[tilespmem:s31], [sflag:$0x2] =	stream.indirect.gather [spmem:s3], $0x10, s16, s16, $0xb8;
	[tilespmem:$0xBF00] =	vst v63  }
0x29: {  	p3 =	por p1, p0  }
0x2a: {  	s0 =	simm.s32 @!p3 $0x7  }
0x2b: {  	p2 =	sle.u32 s5, $0x0;
	p1 =	sle.u32 s5, $0x2;
	_ =	swait.ge @!p3 [sflag:s0], $0x800  }
0x2c: {  	s21 =	simm.s32 @!p1 $0x80;
	s22 =	simm.s32 @!p1 $0x100;
	[sflag:s0] =	ssyncset.done @!p3 $0x0  }
0x2d: {  	s23 =	simm.s32 @!p1 $0x5F00;
	[sflag:s0] =	ssyncadd.s32 @!p3 $0xFFFFF800;
	s0 =	simm.s32 @!p2 $0x1  }
0x2e: {  	[tilespmem:s23], [sflag:$0x3] =	stream.indirect.gather @!p1 [spmem:s3], $0x10, s22, s21, $0xb8;
	[tilespmem:$0xBF00] =	vst v63  }
0x2f: {  	s24 =	simm.s32 @!p2 $0x4F00;
	p3 =	slt.u32 @!p0 s5, $0x0;
	_ =	swait.ge @!p2 [sflag:s0], $0x800  }
0x30: {  	s22 =	simm.s32 @!p2 $0x2780;
	p3 =	por p3, p0;
	[sflag:s0] =	ssyncset.done @!p2 $0x0  }
0x31: {  	s26 =	simm.s32 @!p3 $0x8;
	[sflag:s0] =	ssyncadd.s32 @!p2 $0xFFFFF800;
	s0 =	simm.s32 @!p2 $0x80  }
0x32: {  	[spmem:s2] =	stream.indirect.scatter.add.f32 @!p2 [tilespmem:s24], [sflag:$0x5], $0x10, s22, s0, $0xb8;
	[tilespmem:$0xBF00] =	vst v63  }
0x33: {  	_ =	swait.ge @!p3 [sflag:s26], $0x800  }
0x34: {  	p0 =	sle.u32 s5, $0x3;
	[sflag:s26] =	ssyncset.done @!p3 $0x0  }
0x35: {  	s25 =	simm.s32 @!p0 $0x6700;
	[sflag:s26] =	ssyncadd.s32 @!p3 $0xFFFFF800;
	p3 =	sle.u32 s5, $0x1  }
0x36: {  	s28 =	simm.s32 @!p0 $0x80;
	s0 =	simm.s32 @!p0 $0x180;
	s22 =	simm.s32 @!p3 $0x2  }
0x37: {  	[tilespmem:s25], [sflag:$0x4] =	stream.indirect.gather @!p0 [spmem:s3], $0x10, s0, s28, $0xb8;
	[tilespmem:$0xBF00] =	vst v63  }
0x38: {  	_ =	swait.ge @!p3 [sflag:s22], $0x800  }
0x39: {  	s29 =	simm.s32 @!p2 $0x5;
	s0 =	simm.s32 @!p3 $0x2800;
	[sflag:s22] =	ssyncset.done @!p3 $0x0  }
0x3a: {  	s24 =	simm.s32 @!p3 $0x5700;
	s26 =	simm.s32 @!p3 $0x80;
	[sflag:s22] =	ssyncadd.s32 @!p3 $0xFFFFF800  }
0x3b: {  	[spmem:s2] =	stream.indirect.scatter.add.f32 @!p3 [tilespmem:s24], [sflag:$0x6], $0x10, s0, s26, $0xb8;
	[tilespmem:$0xBF00] =	vst v63  }
0x3c: {  	p4 =	sle.u32 s5, $0x4;
	_ =	swait.ge @!p2 [sflag:s29], $0x800  }
0x3d: {  	s22 =	simm.s32 @!p4 $0x200;
	s0 =	simm.s32 @!p4 $0x80;
	[sflag:s29] =	ssyncset.done @!p2 $0x0  }
0x3e: {  	s24 =	simm.s32 @!p1 $0x3;
	s26 =	simm.s32 @!p4 $0x4F00;
	[sflag:s29] =	ssyncadd.s32 @!p2 $0xFFFFF800  }
0x3f: {  	[tilespmem:s26], [sflag:$0x1] =	stream.indirect.gather @!p4 [spmem:s3], $0x10, s22, s0, $0xb8;
	[tilespmem:$0xBF00] =	vst v63  }
0x40: {  	_ =	swait.ge @!p1 [sflag:s24], $0x800  }
0x41: {  	[sflag:s24] =	ssyncset.done @!p1 $0x0  }
0x42: {  	s0 =	simm.s32 @!p1 $0x2880;
	s22 =	simm.s32 @!p3 $0x6;
	[sflag:s24] =	ssyncadd.s32 @!p1 $0xFFFFF800  }
0x43: {  	[spmem:s2] =	stream.indirect.scatter.add.f32 @!p1 [tilespmem:s23], [sflag:$0x7], $0x10, s0, s21, $0xb8;
	[tilespmem:$0xBF00] =	vst v63  }
0x44: {  	s30 =	simm.s32 @!p0 $0x4;
	p1 =	sle.u32 s5, $0x5;
	_ =	swait.ge @!p3 [sflag:s22], $0x800  }
0x45: {  	s26 =	simm.s32 $0x4;
	s0 =	simm.s32 @!p1 $0x80;
	[sflag:s22] =	ssyncset.done @!p3 $0x0  }
0x46: {  	s23 =	simm.s32 @!p1 $0x280;
	[sflag:s22] =	ssyncadd.s32 @!p3 $0xFFFFF800;
	s22 =	simm.s32 @!p1 $0x5700  }
0x47: {  	[tilespmem:s22], [sflag:$0x2] =	stream.indirect.gather @!p1 [spmem:s3], $0x10, s23, s0, $0xb8;
	[tilespmem:$0xBF00] =	vst v63  }
0x48: {  	s24 =	simm.s32 $0x1000;
	s21 =	simm.s32 $0x800;
	s0 =	simm.s32 @!p0 $0x2900  }
0x49: {  	s22 =	simm.s32 $0x9;
	s23 =	simm.s32 $0x4;
	_ =	swait.ge @!p0 [sflag:s30], $0x800  }
.LBB2_2:
0x4a: {  	p4 =	seq.s32 s21, $0x0  }
0x4b: {  	s31 =	rddreg [dreg:$0x4];
	[sflag:s30] =	ssyncset.done @!p0 $0x0;
	s29 =	smov.u32 s24  }
0x4c: {  	s23 =	sadd.s32 $0x4, s23;
	[sflag:s30] =	ssyncadd.s32 @!p0 $0xFFFFF800;
	p1 =	sge.u32 @!p4 s26, s31  }
0x4d: {  	[spmem:s2] =	stream.indirect.scatter.add.f32 @!p0 [tilespmem:s25], [sflag:$0x8], $0x10, s0, s28, $0xb8;
	[tilespmem:$0xBF00] =	vst v63  }
0x4e: {  	s18 =	sadd.s32 $0x2, s26;
	p3 =	sge.u32 s26, s5;
	p5 =	por p1, p4  }
0x4f: {  	s1 =	sshra.s32 @!p3 s21, $0x2;
	p1 =	sge.u32 s18, s5;
	s25 =	simm.s32 @!p5 $0x7  }
0x50: {  	p0 =	sgt.u32 @!p4 s26, s5;
	s0 =	sshra.s32 @!p1 s21, $0x2;
	_ =	swait.ge @!p5 [sflag:s25], $0x800  }
0x51: {  	s30 =	simm.s32 @!p1 $0x80;
	s31 =	simm.s32 @!p1 $0x5F00;
	[sflag:s25] =	ssyncset.done @!p5 $0x0  }
0x52: {  	s28 =	sadd.s32 @!p1 $0x100, s0;
	[sflag:s25] =	ssyncadd.s32 @!p5 $0xFFFFF800;
	s25 =	simm.s32 @!p3 $0x1  }
0x53: {  	[tilespmem:s31], [sflag:$0x3] =	stream.indirect.gather @!p1 [spmem:s3], $0x10, s28, s30, $0xb8;
	[tilespmem:$0xBF00] =	vst v63  }
0x54: {  	s12 =	simm.s32 @!p3 $0x4F00;
	p4 =	por p0, p4;
	_ =	swait.ge @!p3 [sflag:s25], $0x800  }
0x55: {  	s1 =	sadd.s32 @!p3 $0x2780, s1;
	s17 =	simm.s32 @!p4 $0x8;
	[sflag:s25] =	ssyncset.done @!p3 $0x0  }
0x56: {  	s28 =	sadd.s32 $0x3, s26;
	[sflag:s25] =	ssyncadd.s32 @!p3 $0xFFFFF800;
	s25 =	simm.s32 @!p3 $0x80  }
0x57: {  	[spmem:s2] =	stream.indirect.scatter.add.f32 @!p3 [tilespmem:s12], [sflag:$0x5], $0x10, s1, s25, $0xb8;
	[tilespmem:$0xBF00] =	vst v63  }
0x58: {  	p2 =	sge.u32 s23, s5;
	p0 =	sge.u32 s28, s5;
	_ =	swait.ge @!p4 [sflag:s17], $0x800  }
0x59: {  	s26 =	sadd.s32 $0x1, s26;
	s28 =	simm.s32 @!p0 $0x80;
	[sflag:s17] =	ssyncset.done @!p4 $0x0  }
0x5a: {  	s12 =	sshra.s32 @!p0 s21, $0x2;
	[sflag:s17] =	ssyncadd.s32 @!p4 $0xFFFFF800;
	p4 =	sge.u32 s26, s5  }
0x5b: {  	s25 =	simm.s32 @!p0 $0x6700;
	s17 =	sadd.s32 @!p0 $0x180, s12;
	s1 =	simm.s32 @!p4 $0x2  }
0x5c: {  	[tilespmem:s25], [sflag:$0x4] =	stream.indirect.gather @!p0 [spmem:s3], $0x10, s17, s28, $0xb8;
	[tilespmem:$0xBF00] =	vst v63  }
0x5d: {  	s6 =	simm.s32 @!p3 $0x5;
	s26 =	sshra.s32 @!p4 s21, $0x2;
	_ =	swait.ge @!p4 [sflag:s1], $0x800  }
0x5e: {  	s18 =	simm.s32 @!p4 $0x80;
	s17 =	sadd.s32 @!p4 $0x2800, s26;
	[sflag:s1] =	ssyncset.done @!p4 $0x0  }
0x5f: {  	s26 =	simm.s32 @!p4 $0x5700;
	[sflag:s1] =	ssyncadd.s32 @!p4 $0xFFFFF800;
	s1 =	sadd.s32 @!p1 $0x2880, s0  }
0x60: {  	[spmem:s2] =	stream.indirect.scatter.add.f32 @!p4 [tilespmem:s26], [sflag:$0x6], $0x10, s17, s18, $0xb8;
	[tilespmem:$0xBF00] =	vst v63  }
0x61: {  	s0 =	sadd.s32 @!p0 $0x2900, s12;
	s12 =	sshra.s32 @!p2 s21, $0x2;
	_ =	swait.ge @!p3 [sflag:s6], $0x800  }
0x62: {  	s17 =	simm.s32 @!p2 $0x80;
	s12 =	sadd.s32 @!p2 $0x200, s12;
	[sflag:s6] =	ssyncset.done @!p3 $0x0  }
0x63: {  	s18 =	simm.s32 @!p1 $0x3;
	[sflag:s6] =	ssyncadd.s32 @!p3 $0xFFFFF800;
	s6 =	simm.s32 @!p2 $0x4F00  }
0x64: {  	[tilespmem:s6], [sflag:$0x1] =	stream.indirect.gather @!p2 [spmem:s3], $0x10, s12, s17, $0xb8;
	[tilespmem:$0xBF00] =	vst v63  }
0x65: {  	s24 =	sadd.s32 $0x800, s24;
	s7 =	sadd.s32 $0x5, s23;
	_ =	swait.ge @!p1 [sflag:s18], $0x800  }
0x66: {  	s26 =	smov.u32 s23;
	p3 =	sge.u32 s22, s5;
	[sflag:s18] =	ssyncset.done @!p1 $0x0  }
0x67: {  	p2 =	sne.s32 s24, $0xA800;
	s6 =	simm.s32 @!p4 $0x6;
	[sflag:s18] =	ssyncadd.s32 @!p1 $0xFFFFF800  }
0x68: {  	[spmem:s2] =	stream.indirect.scatter.add.f32 @!p1 [tilespmem:s31], [sflag:$0x7], $0x10, s1, s30, $0xb8;
	[tilespmem:$0xBF00] =	vst v63  }
.Ltmp0:
0x69: {  	s12 =	simm.s32 @!p3 $0x80;
	_ =	swait.ge @!p4 [sflag:s6], $0x800;
	(pc) =	sbr.rel @p2 .LBB2_2-.Ltmp0, $4  }
0x6a: {  	s1 =	sshra.s32 @!p3 s21, $0x2;
	s30 =	simm.s32 @!p0 $0x4;
	[sflag:s6] =	ssyncset.done @!p4 $0x0  }
0x6b: {  	s1 =	sadd.s32 @!p3 $0x280, s1;
	[sflag:s6] =	ssyncadd.s32 @!p4 $0xFFFFF800;
	s6 =	simm.s32 @!p3 $0x5700  }
0x6c: {  	[tilespmem:s6], [sflag:$0x2] =	stream.indirect.gather @!p3 [spmem:s3], $0x10, s1, s12, $0xb8;
	[tilespmem:$0xBF00] =	vst v63  }
0x6d: {  	s22 =	smov.u32 s7;
	s21 =	smov.u32 s29;
	_ =	swait.ge @!p0 [sflag:s30], $0x800  }
0x6e: {  	[sflag:s30] =	ssyncset.done @!p0 $0x0  }
0x6f: {  	s1 =	rddreg [dreg:$0x4];
	p2 =	seq.s32 s21, $0x0;
	[sflag:s30] =	ssyncadd.s32 @!p0 $0xFFFFF800  }
0x70: {  	[spmem:s2] =	stream.indirect.scatter.add.f32 @!p0 [tilespmem:s25], [sflag:$0x8], $0x10, s0, s28, $0xb8;
	[tilespmem:$0xBF00] =	vst v63  }
0x71: {  	p0 =	sge.u32 @!p2 s26, s1  }
0x72: {  	p1 =	sge.u32 s26, s5;
	s28 =	sadd.s32 $0x2, s26;
	p4 =	por p0, p2  }
0x73: {  	s29 =	sadd.s32 $0x3, s26;
	p0 =	sge.u32 s28, s5;
	s1 =	simm.s32 @!p4 $0x7  }
0x74: {  	p3 =	sgt.u32 @!p2 s26, s5;
	s0 =	sshra.s32 @!p0 s21, $0x2;
	_ =	swait.ge @!p4 [sflag:s1], $0x800  }
0x75: {  	s6 =	simm.s32 @!p0 $0x80;
	s12 =	simm.s32 @!p0 $0x5F00;
	[sflag:s1] =	ssyncset.done @!p4 $0x0  }
0x76: {  	s7 =	sadd.s32 @!p0 $0x100, s0;
	[sflag:s1] =	ssyncadd.s32 @!p4 $0xFFFFF800;
	s1 =	simm.s32 @!p1 $0x1  }
0x77: {  	[tilespmem:s12], [sflag:$0x3] =	stream.indirect.gather @!p0 [spmem:s3], $0x10, s7, s6, $0xb8;
	[tilespmem:$0xBF00] =	vst v63  }
0x78: {  	s17 =	sshra.s32 @!p1 s21, $0x2;
	p3 =	por p3, p2;
	_ =	swait.ge @!p1 [sflag:s1], $0x800  }
0x79: {  	s18 =	simm.s32 @!p1 $0x4F00;
	s24 =	simm.s32 @!p3 $0x8;
	[sflag:s1] =	ssyncset.done @!p1 $0x0  }
0x7a: {  	s7 =	sadd.s32 @!p1 $0x2780, s17;
	[sflag:s1] =	ssyncadd.s32 @!p1 $0xFFFFF800;
	s1 =	simm.s32 @!p1 $0x80  }
0x7b: {  	[spmem:s2] =	stream.indirect.scatter.add.f32 @!p1 [tilespmem:s18], [sflag:$0x5], $0x10, s7, s1, $0xb8;
	[tilespmem:$0xBF00] =	vst v63  }
0x7c: {  	s31 =	sadd.s32 $0x1, s26;
	p2 =	sge.u32 s29, s5;
	_ =	swait.ge @!p3 [sflag:s24], $0x800  }
0x7d: {  	s30 =	sadd.s32 $0x4, s23;
	s23 =	simm.s32 @!p2 $0x80;
	[sflag:s24] =	ssyncset.done @!p3 $0x0  }
0x7e: {  	s17 =	sshra.s32 @!p2 s21, $0x2;
	[sflag:s24] =	ssyncadd.s32 @!p3 $0xFFFFF800;
	p3 =	sge.u32 s31, s5  }
0x7f: {  	s18 =	simm.s32 @!p2 $0x6700;
	s7 =	sadd.s32 @!p2 $0x180, s17;
	s24 =	simm.s32 @!p3 $0x2  }
0x80: {  	[tilespmem:s18], [sflag:$0x4] =	stream.indirect.gather @!p2 [spmem:s3], $0x10, s7, s23, $0xb8;
	[tilespmem:$0xBF00] =	vst v63  }
0x81: {  	s26 =	simm.s32 @!p1 $0x5;
	_ =	swait.ge @!p3 [sflag:s24], $0x800  }
0x82: {  	s1 =	sshra.s32 @!p3 s21, $0x2;
	s7 =	simm.s32 @!p3 $0x5700;
	[sflag:s24] =	ssyncset.done @!p3 $0x0  }
0x83: {  	s25 =	simm.s32 @!p3 $0x80;
	s1 =	sadd.s32 @!p3 $0x2800, s1;
	[sflag:s24] =	ssyncadd.s32 @!p3 $0xFFFFF800  }
0x84: {  	[spmem:s2] =	stream.indirect.scatter.add.f32 @!p3 [tilespmem:s7], [sflag:$0x6], $0x10, s1, s25, $0xb8;
	[tilespmem:$0xBF00] =	vst v63  }
0x85: {  	p4 =	sge.u32 s30, s5;
	s24 =	simm.s32 @!p0 $0x3;
	_ =	swait.ge @!p1 [sflag:s26], $0x800  }
0x86: {  	s1 =	sshra.s32 @!p4 s21, $0x2;
	s7 =	simm.s32 @!p4 $0x80;
	[sflag:s26] =	ssyncset.done @!p1 $0x0  }
0x87: {  	s25 =	simm.s32 @!p4 $0x4F00;
	s1 =	sadd.s32 @!p4 $0x200, s1;
	[sflag:s26] =	ssyncadd.s32 @!p1 $0xFFFFF800  }
0x88: {  	[tilespmem:s25], [sflag:$0x1] =	stream.indirect.gather @!p4 [spmem:s3], $0x10, s1, s7, $0xb8;
	[tilespmem:$0xBF00] =	vst v63  }
0x89: {  	_ =	swait.ge @!p0 [sflag:s24], $0x800  }
0x8a: {  	[sflag:s24] =	ssyncset.done @!p0 $0x0  }
0x8b: {  	s0 =	sadd.s32 @!p0 $0x2880, s0;
	s1 =	simm.s32 @!p3 $0x6;
	[sflag:s24] =	ssyncadd.s32 @!p0 $0xFFFFF800  }
0x8c: {  	[spmem:s2] =	stream.indirect.scatter.add.f32 @!p0 [tilespmem:s12], [sflag:$0x7], $0x10, s0, s6, $0xb8;
	[tilespmem:$0xBF00] =	vst v63  }
0x8d: {  	p1 =	sge.u32 s22, s5;
	s7 =	simm.s32 @!p2 $0x4;
	_ =	swait.ge @!p3 [sflag:s1], $0x800  }
0x8e: {  	s0 =	sshra.s32 @!p1 s21, $0x2;
	s6 =	simm.s32 @!p1 $0x80;
	[sflag:s1] =	ssyncset.done @!p3 $0x0  }
0x8f: {  	s0 =	sadd.s32 @!p1 $0x280, s0;
	[sflag:s1] =	ssyncadd.s32 @!p3 $0xFFFFF800;
	s1 =	simm.s32 @!p1 $0x5700  }
0x90: {  	[tilespmem:s1], [sflag:$0x2] =	stream.indirect.gather @!p1 [spmem:s3], $0x10, s0, s6, $0xb8;
	[tilespmem:$0xBF00] =	vst v63  }
0x91: {  	_ =	swait.ge @!p2 [sflag:s7], $0x800  }
0x92: {  	s20 =	sadd.s32 $0x1, s20;
	[sflag:s7] =	ssyncset.done @!p2 $0x0  }
0x93: {  	p0 =	sne.s32 s20, s10;
	s0 =	sadd.s32 @!p2 $0x2900, s17;
	[sflag:s7] =	ssyncadd.s32 @!p2 $0xFFFFF800  }
0x94: {  	[spmem:s2] =	stream.indirect.scatter.add.f32 @!p2 [tilespmem:s18], [sflag:$0x8], $0x10, s0, s23, $0xb8;
	[tilespmem:$0xBF00] =	vst v63  }
.Ltmp1:
0x95: {  	[bflag:$0x0] =	sbarrier.arrive $0xFFFF;
	(pc) =	sbr.rel @p0 .LBB2_1-.Ltmp1, $4  }
0x96: {  	[hbm:s19], [sflag:s13] =	dma.local [spmem:s14], $0x500  }
0x97: {  	_ =	swait.ge [sflag:s11], $0x500  }
0x98: {  	[sflag:s11] =	ssyncset.done $0x0  }
0x99: {  	[sflag:s11] =	ssyncadd.s32 $0xFFFFFB00  }
0x9a: {  	_ =	sfence.sel $0x180000  }
0x9b: {  	[bflag:$0x0] =	sbarrier.arrive $0xFFFF  }
0x9c: {  	_ =	strace $0x9000004A  }
0x9d: {  	s0 =	stileid.u32;
	[bflag:$0x2] =	sbarrier.arrive $0xFFFF  }
0x9e: {  	p0 =	sne.s32 s0, $0x0;
	s0 =	rddreg [dreg:$0x3]  }
0x9f: {  	s0 =	sadd.s32 @!p0 $0x100000, s0  }
0xa0: {  	[sflag:s0] =	ssyncadd.tile.s32 @!p0 $0x1;
	_ =	shalt  }
.Lfunc_end2:
_tile_overlayer_lowered:
.L_overlay_start_2:
0xa1: {  	(tag) =	ssettag $0x2  }
0xa2: {  	s0 =	rddreg [dreg:$0x0];
	s2 =	stileid.u32  }
0xa3: {  	s1 =	rddreg [dreg:$0x1];
	p0 =	sne.s32 s2, $0x0  }
0xa4: {  	s3 =	rddreg [dreg:$0x2];
	[bflag:$0x3] =	sbarrier.arrive $0xFFFF;
	s2 =	simm.s32 @!p0 $0x1C09  }
0xa5: {  	[timem:s3], [sflag:s2] =	dma.local @!p0 [hbm:s0], s1  }
0xa6: {  	s0 =	simm.s32 @!p0 $0x9  }
0xa7: {  	_ =	swait.ge @!p0 [sflag:s0], s1  }
0xa8: {  	s1 =	ssub.s32 @!p0 $0x0, s1;
	[sflag:s0] =	ssyncset.done @!p0 $0x0  }
0xa9: {  	[sflag:s0] =	ssyncadd.s32 @!p0 s1  }
0xaa: {  	[bflag:$0x3] =	sbarrier.arrive $0xFFFF  }
0xab: {  	_ =	shalt  }

// kernel: kernel.16.cloned.1.call-start
scs
__scs_entry_jumppad:
0x0: {  	(pc) =	sbr.rel $0x88, $3  }
0x1: {  	(tag) =	ssettag $0x0;
	lr =	simm.s32 $0x1  }
0x2: {  	[smem:$0x3F99] =	sst lr;
	_ =	strace $0xD0000000  }
0x3: {  	_ = 	snop  }
0x4: {  	_ = 	snop  }
0x5: {  	_ = 	snop  }
0x6: {  	_ = 	snop  }
0x7: {  	_ = 	snop  }
__scs_overlays_trampoline_lowered:
0x8: {  	[smem:$0x3FA8] =	sst s0  }
0x9: {  	[smem:$0x3FA9] =	sst s1  }
0xa: {  	[smem:$0x3FAA] =	sst s2  }
0xb: {  	[smem:$0x3FAB] =	sst s3  }
0xc: {  	[smem:$0x3FAC] =	sst s4  }
0xd: {  	[smem:$0x3FAD] =	sst s5  }
0xe: {  	[smem:$0x3FAE] =	sst s6  }
0xf: {  	[smem:$0x3FAF] =	sst s7  }
0x10: {  	[smem:$0x3FB0] =	sst s8  }
0x11: {  	[smem:$0x3FB1] =	sst s9;
	s0 =	simm.s32 @!p0 $0x0  }
0x12: {  	s1 =	sld [smem:$0x3F97];
	s0 =	simm.s32 @p0 $0x1  }
0x13: {  	[smem:$0x3FB2] =	sst s0;
	s0 =	simm.s32 @!p1 $0x0  }
0x14: {  	s2 =	sld [smem:$0x3F96];
	s0 =	simm.s32 @p1 $0x1  }
0x15: {  	[smem:$0x3FB3] =	sst s0;
	s0 =	simm.s32 @!p2 $0x0  }
0x16: {  	s3 =	sld [smem:$0x3FDB];
	s0 =	simm.s32 @p2 $0x1  }
0x17: {  	s4 =	simm.s32 $0x1BF5;
	[smem:$0x3FB5] =	sst s0  }
0x18: {  	s0 =	sld [smem:$0x3F98];
	_ =	swait.ge [sflag:s4], $0x0  }
0x19: {  	s7 =	sld [smem:$0x3F99]  }
0x1a: {  	s8 =	sadd.s32 $0xFFFFE003, lr  }
0x1b: {  	s9 =	sadd.s32 $0xFFFFFEF7, lr;
	s5 =	simm.s32 $0xFFFFFFFF;
	p2 =	slt.u32 s8, $0xFFFFF086  }
0x1c: {  	p1 =	slt.u32 s9, $0xF7A;
	s5 =	simm.s32 @!p2 $0x0  }
0x1d: {  	s5 =	simm.s32 @p1 $0x1;
	p0 =	seq.s32 s7, s2  }
0x1e: {  	s7 =	smul.u32 @!p0 $0xF7A, s2;
	p2 =	seq.s32 @!p0 s5, $0x0  }
0x1f: {  	s9 =	smul.u32 $0xF7A, s1;
	s8 =	simm.s32 @!p0 $0x1BF5;
	p2 =	por !p2, p0  }
0x20: {  	[sflag:s8] =	ssyncset.s32 @!p0 $0xFFFFF086;
	s6 =	sadd.s32 @!p0 s3, s7;
	s7 =	simm.s32 @!p0 $0x108  }
0x21: {  	s3 =	sadd.s32 s3, s9;
	s6 =	sadd.s32 @!p0 $0x88, s6;
	s7 =	simm.s32 @p2 $0x1082  }
0x22: {  	[simem:s7], [sflag:s8] =	dma.local @!p0 [hbm:s6], $0xF7A  }
0x23: {  	s9 =	sor.u32 $0xD0000000, s2;
	s6 =	simm.s32 $0x108;
	_ =	swait.ge @!p0 [sflag:s8], $0x0  }
0x24: {  	s3 =	sadd.s32 $0x88, s3;
	s6 =	simm.s32 @!p1 $0x1082;
	[sflag:s4] =	ssyncset.s32 $0xFFFFF086  }
0x25: {  	[simem:s6], [sflag:s4] =	dma.local [hbm:s3], $0xF7A  }
0x26: {  	[smem:$0x3F99] =	sst s1;
	(tag) =	ssettag s2;
	_ =	strace s9  }
0x27: {  	s1 =	sld [smem:$0x3FA9]  }
0x28: {  	s2 =	sld [smem:$0x3FAA]  }
0x29: {  	s4 =	sld [smem:$0x3FAC]  }
0x2a: {  	p0 =	seq.s32 s5, $0x0;
	s5 =	sld [smem:$0x3FAD]  }
0x2b: {  	s6 =	sld [smem:$0x3FAE]  }
0x2c: {  	s7 =	sld [smem:$0x3FAF]  }
0x2d: {  	s3 =	simm.s32 $0x108;
	s8 =	sld [smem:$0x3FB0]  }
0x2e: {  	s3 =	simm.s32 @!p0 $0x1082;
	s9 =	sld [smem:$0x3FB1]  }
0x2f: {  	lr =	sadd.s32 s0, s3;
	s0 =	sld [smem:$0x3FA8]  }
0x30: {  	s3 =	sld [smem:$0x3FAB]  }
0x31: {  	[smem:$0x3FB4] =	sst s10  }
0x32: {  	s10 =	sld [smem:$0x3FB2];
	_ =	sdelay $0x3  }
0x33: {  	p0 =	seq.s32 s10, $0x1;
	s10 =	sld [smem:$0x3FB4];
	_ =	sdelay $0x3  }
0x34: {  	[smem:$0x3FB4] =	sst s10  }
0x35: {  	s10 =	sld [smem:$0x3FB3];
	_ =	sdelay $0x3  }
0x36: {  	p1 =	seq.s32 s10, $0x1;
	s10 =	sld [smem:$0x3FB4];
	_ =	sdelay $0x3  }
0x37: {  	[smem:$0x3FB4] =	sst s10  }
0x38: {  	s10 =	sld [smem:$0x3FB5]  }
0x39: {  	_ = 	snop;
	(pc) =	sbr.ind lr, $3  }
0x3a: {  	_ = 	snop  }
0x3b: {  	_ = 	snop  }
0x3c: {  	p2 =	seq.s32 s10, $0x1;
	s10 =	sld [smem:$0x3FB4]  }
0x3d: {  	_ =	shalt  }
0x3e: {  	_ =	shalt  }
0x3f: {  	_ =	shalt  }
0x40: {  	_ =	shalt  }
0x41: {  	_ =	shalt  }
0x42: {  	_ =	shalt  }
0x43: {  	_ =	shalt  }
0x44: {  	_ =	shalt  }
0x45: {  	_ =	shalt  }
0x46: {  	_ =	shalt  }
0x47: {  	_ =	shalt  }
0x48: {  	_ =	shalt  }
0x49: {  	_ =	shalt  }
0x4a: {  	_ =	shalt  }
0x4b: {  	_ =	shalt  }
0x4c: {  	_ =	shalt  }
0x4d: {  	_ =	shalt  }
0x4e: {  	_ =	shalt  }
0x4f: {  	_ =	shalt  }
0x50: {  	_ =	shalt  }
0x51: {  	_ =	shalt  }
0x52: {  	_ =	shalt  }
0x53: {  	_ =	shalt  }
0x54: {  	_ =	shalt  }
0x55: {  	_ =	shalt  }
0x56: {  	_ =	shalt  }
0x57: {  	_ =	shalt  }
0x58: {  	_ =	shalt  }
0x59: {  	_ =	shalt  }
0x5a: {  	_ =	shalt  }
0x5b: {  	_ =	shalt  }
0x5c: {  	_ =	shalt  }
0x5d: {  	_ =	shalt  }
0x5e: {  	_ =	shalt  }
0x5f: {  	_ =	shalt  }
0x60: {  	_ =	shalt  }
0x61: {  	_ =	shalt  }
0x62: {  	_ =	shalt  }
0x63: {  	_ =	shalt  }
0x64: {  	_ =	shalt  }
0x65: {  	_ =	shalt  }
0x66: {  	_ =	shalt  }
0x67: {  	_ =	shalt  }
0x68: {  	_ =	shalt  }
0x69: {  	_ =	shalt  }
0x6a: {  	_ =	shalt  }
0x6b: {  	_ =	shalt  }
0x6c: {  	_ =	shalt  }
0x6d: {  	_ =	shalt  }
0x6e: {  	_ =	shalt  }
0x6f: {  	_ =	shalt  }
0x70: {  	_ =	shalt  }
0x71: {  	_ =	shalt  }
0x72: {  	_ =	shalt  }
0x73: {  	_ =	shalt  }
0x74: {  	_ =	shalt  }
0x75: {  	_ =	shalt  }
0x76: {  	_ =	shalt  }
0x77: {  	_ =	shalt  }
0x78: {  	_ =	shalt  }
0x79: {  	_ =	shalt  }
0x7a: {  	_ =	shalt  }
0x7b: {  	_ =	shalt  }
0x7c: {  	_ =	shalt  }
0x7d: {  	_ =	shalt  }
0x7e: {  	_ =	shalt  }
0x7f: {  	_ =	shalt  }
0x80: {  	_ =	shalt  }
0x81: {  	_ =	shalt  }
0x82: {  	_ =	shalt  }
0x83: {  	_ =	shalt  }
0x84: {  	_ =	shalt  }
0x85: {  	_ =	shalt  }
0x86: {  	_ =	shalt  }
0x87: {  	_ =	shalt  }
.Lfunc_end0:
.L_simem_size_0:
called_computation.2_lowered:
.L_overlay_start_0:
0x88: {  	s2 =	sld [smem:$0x3FD9]  }
0x89: {  	s3 =	sld [smem:$0x3FFE];
	_ =	sdelay $0x1  }
0x8a: {  	s1 =	srdreg.scid  }
0x8b: {  	s0 =	sand.u32 $0x1, s1  }
0x8c: {  	s16 =	sshll.u32 s0, $0xA;
	s2 =	sadd.s32 s3, s2  }
0x8d: {  	s2 =	sadd.s32 s2, s16  }
0x8e: {  	[smem:$0x3FC0] =	sst s2  }
0x8f: {  	_ = 	snop  }
0x90: {  	(tm) =	ssettm $0x1  }
0x91: {  	s17 =	sld [smem:$0x3FFB];
	_ =	sdelay $0x3  }
0x92: {  	_ =	strace s17  }
0x93: {  	s2 =	sld [smem:$0x3FFC];
	_ =	sdelay $0x3  }
0x94: {  	_ =	strace s2  }
0x95: {  	s2 =	sld [smem:$0x3FFD];
	_ =	sdelay $0x3  }
0x96: {  	_ =	strace s2  }
0x97: {  	_ =	strace $0x8FFFFFFF  }
0x98: {  	s18 =	sld [smem:$0x3FDB];
	_ =	sdelay $0x1  }
0x99: {  	s19 =	simm.s32 $_scs_section_size  }
0x9a: {  	s4 =	simm.s32 $_size__tile_overlayer_lowered;
	s5 =	simm.s32 $_tile_overlayer_lowered  }
0x9b: {  	s22 =	simm.s32 $0x1BFF;
	s21 =	sshll.u32 s5, $0x1;
	s2 =	sadd.s32 s19, s18  }
0x9c: {  	s6 =	simm.s32 $0x0;
	s20 =	sshll.u32 s4, $0x1;
	s4 =	sadd.s32 s21, s2  }
0x9d: {  	[timem:s6], [sflag:s22] =	dma.local [hbm:s4], s20  }
0x9e: {  	_ =	swait.ge [sflag:s22], s20  }
0x9f: {  	s3 =	ssub.s32 $0x0, s20;
	[sflag:s22] =	ssyncset.done $0x0  }
0xa0: {  	[sflag:s22] =	ssyncadd.s32 s3;
	_ =	sdelay $0x1  }
0xa1: {  	s23 =	simm.s32 $0x1B8B  }
0xa2: {  	_ =	swait.ge [sflag:s23], $0x1  }
0xa3: {  	[sflag:s23] =	ssyncset.done $0x0  }
0xa4: {  	s25 =	simm.s32 $0x1B8E;
	s24 =	sld [smem:$0x3FFE];
	[sflag:s23] =	ssyncadd.s32 $0xFFFFFFFF  }
0xa5: {  	s26 =	simm.s32 $execute0_lowered;
	[smem:$0x3FD2] =	sst s25  }
0xa6: {  	s4 =	sshll.u32 s26, $0x1;
	_ =	strace $0x8000004C;
	[dreg:$0x1] =	wrdreg $0xFFFFFFFF  }
0xa7: {  	s28 =	simm.s32 $_size_execute0_lowered;
	s2 =	sadd.s32 s2, s4;
	[dreg:$0x0] =	wrdreg $0x0  }
0xa8: {  	s4 =	sshll.u32 s28, $0x1;
	[dreg:$0x2] =	wrdreg s2  }
0xa9: {  	[dreg:$0x3] =	wrdreg s4  }
0xaa: {  	[dreg:$0x4] =	wrdreg $0xC0  }
0xab: {  	_ =	task [dreg:s6], $0x5FFFF  }
0xac: {  	[dreg:$0x1] =	wrdreg $0xFFFFFFFF  }
0xad: {  	[dreg:$0x0] =	wrdreg $0x60  }
0xae: {  	[dreg:$0x2] =	wrdreg s24  }
0xaf: {  	[dreg:$0x3] =	wrdreg $0x8F000  }
0xb0: {  	[dreg:$0x4] =	wrdreg $0xDF000  }
0xb1: {  	[dreg:$0x5] =	wrdreg $0x9  }
0xb2: {  	_ =	task.clear_ibuf [dreg:s6], $0x6FFFF;
	_ =	strace $0x9000004C  }
0xb3: {  	s29 =	simm.s32 $0x9;
	_ =	strace $0x8000004E  }
0xb4: {  	_ =	swait.ge [sflag:s29], $0x1  }
0xb5: {  	[sflag:s29] =	ssyncadd.s32 $0xFFFFFFFF  }
0xb6: {  	_ =	strace $0x9000004E  }
0xb7: {  	_ =	sfence  }
0xb8: {  	s30 =	sld [smem:$0x0];
	_ =	sdelay $0x2  }
0xb9: {  	s31 =	sshll.u32 s1, $0xD;
	s1 =	sshrl.u32 s1, $0x2  }
0xba: {  	s3 =	sand.u32 $0x4000, s31;
	s1 =	sadd.s32 s1, s30  }
0xbb: {  	s0 =	sor.u32 s3, s0;
	s1 =	sshll.u32 s1, $0x11  }
0xbc: {  	s0 =	sor.u32 s1, s0  }
0xbd: {  	s0 =	sadd.s32 $0x8F2B, s0  }
0xbe: {  	[sflag:s0] =	ssyncadd.remote.s32 $0x1  }
0xbf: {  	_ =	sfence.sel $0xFFFF  }
0xc0: {  	[dreg:$0x0] =	wrdreg $0xFFFFFFFF;
	(pc) =	sbr.abs _section_cstart, $3  }
0xc1: {  	[dreg:$0x1] =	wrdreg $0xFFFFFFFF  }
0xc2: {  	_ =	task.clear_ibuf [dreg:s6], $0x2FFFF;
	_ =	strace $0x9FFFFFFF  }
0xc3: {  	(tm) =	ssettm $0x7FFFFFFF  }
tec
execute0_lowered:
.L_overlay_start_1:
0x0: {  	(tag) =	ssettag $0x1  }
0x1: {  	s0 =	rddreg [dreg:$0x0]  }
0x2: {  	s2 =	rddreg [dreg:$0x1]  }
0x3: {  	s3 =	rddreg [dreg:$0x2]  }
0x4: {  	s4 =	srdreg.scid;
	s1 =	stileid.u32  }
0x5: {  	s16 =	simm.s32 $0x80;
	s5 =	sand.u32 $0x1, s4;
	s4 =	simm.s32 $0x0  }
0x6: {  	s9 =	smul.u32 $0x5000, s1;
	s31 =	sshll.u32 s1, $0x6;
	s6 =	sshll.u32 s5, $0x4  }
0x7: {  	[smem:$0x7FF] =	sst s4;
	s7 =	smul.u32 $0xA000, s5;
	s11 =	ssub.s32 $0x2, s5  }
0x8: {  	s5 =	simm.s32 $0x4F;
	s6 =	sor.u32 s1, s6;
	_ =	strace $0x8000004D  }
0x9: {  	s19 =	sshrl.u32 s9, $0x3;
	s28 =	sshrl.u32 s11, $0x1;
	s30 =	sadd.s32 s9, s2  }
0xa: {  	s15 =	sadd.s32 s9, s3;
	s8 =	smul.u32 $0x4E, s6;
	s10 =	sadd.s32 s19, s0  }
0xb: {  	s26 =	smax.u32 s6, $0x1C;
	s12 =	sadd.s32 s7, s0;
	p0 =	sgt.u32 s6, $0x1B  }
0xc: {  	s11 =	ssub.s32 s11, s28;
	s14 =	sshrl.u32 s30, $0x3;
	s15 =	sshrl.u32 s15, $0x3  }
0xd: {  	s5 =	simm.s32 @!p0 $0x4E;
	s9 =	sadd.s32 $0x15E00, s10;
	s8 =	sadd.s32 s8, s26  }
0xe: {  	s20 =	sadd.s32 $0x29E00, s12;
	s13 =	sadd.s32 $0x2, s5;
	s29 =	sshll.u32 s8, $0x4  }
0xf: {  	s19 =	sadd.s32 s19, s20;
	s20 =	simm.s32 $0x0;
	s0 =	sadd.s32 s0, s29  }
0x10: {  	s8 =	sadd.s32 $0x1FE00, s10;
	[dreg:$0x4] =	wrdreg s13;
	s6 =	sadd.s32 $0x2240, s0  }
0x11: {  	s10 =	smax.u32 s11, $0x1;
	s0 =	sadd.s32 $0xBE80, s0;
	[dreg:$0x5] =	wrdreg s6  }
0x12: {  	s11 =	simm.s32 $0x9;
	s13 =	sor.u32 $0x1C09, s31;
	[dreg:$0x6] =	wrdreg s0  }
.LBB2_1:
0x13: {  	s0 =	rddreg [dreg:$0x5]  }
0x14: {  	[tilespmem:s4], [sflag:$0x9] =	stream.linear.gather [hbm4b:s0+s4], $0x2780, $0x38;
	[tilespmem:$0x12F00] =	vst v63  }
0x15: {  	_ =	swait.ge [sflag:s11], $0x2780  }
0x16: {  	[sflag:s11] =	ssyncset.done $0x0  }
0x17: {  	s1 =	simm.s32 $0x2780;
	s26 =	rddreg [dreg:$0x6];
	[sflag:s11] =	ssyncadd.s32 $0xFFFFD880  }
0x18: {  	[tilespmem:s1], [sflag:$0x9] =	stream.linear.gather [hbm4b:s26+s4], $0x2780, $0x38;
	[tilespmem:$0x12F00] =	vst v63  }
0x19: {  	_ =	swait.ge [sflag:s11], $0x2780  }
0x1a: {  	[sflag:s11] =	ssyncset.done $0x0  }
0x1b: {  	[sflag:s11] =	ssyncadd.s32 $0xFFFFD880  }
0x1c: {  	[spmem:s14], [sflag:s13] =	dma.local [hbm:s8], $0xA00  }
0x1d: {  	_ =	swait.ge [sflag:s11], $0xA00  }
0x1e: {  	[sflag:s11] =	ssyncset.done $0x0  }
0x1f: {  	[sflag:s11] =	ssyncadd.s32 $0xFFFFF600  }
0x20: {  	[spmem:s15], [sflag:s13] =	dma.local [hbm:s9], $0xA00  }
0x21: {  	_ =	swait.ge [sflag:s11], $0xA00  }
0x22: {  	[sflag:s11] =	ssyncset.done $0x0  }
0x23: {  	[sflag:s11] =	ssyncadd.s32 $0xFFFFF600  }
0x24: {  	s29 =	simm.s32 $0x4F00;
	[bflag:$0x0] =	sbarrier.arrive $0xFFFF  }
0x25: {  	[tilespmem:s29], [sflag:$0x1] =	stream.indirect.gather [spmem:s3], $0x20, s4, s16, $0xb8;
	[tilespmem:$0x12F00] =	vst v63  }
0x26: {  	p0 =	por $0x1, $0x1;
	s0 =	rddreg [dreg:$0x4]  }
0x27: {  	s31 =	simm.s32 $0x5F00;
	p1 =	sle.u32 @!p0 s0, $0x0  }
0x28: {  	[tilespmem:s31], [sflag:$0x2] =	stream.indirect.gather [spmem:s3], $0x20, s16, s16, $0xb8;
	[tilespmem:$0x12F00] =	vst v63  }
0x29: {  	p3 =	por p1, p0  }
0x2a: {  	s0 =	simm.s32 @!p3 $0x7  }
0x2b: {  	p2 =	sle.u32 s5, $0x0;
	p1 =	sle.u32 s5, $0x2;
	_ =	swait.ge @!p3 [sflag:s0], $0x1000  }
0x2c: {  	s21 =	simm.s32 @!p1 $0x80;
	s22 =	simm.s32 @!p1 $0x100;
	[sflag:s0] =	ssyncset.done @!p3 $0x0  }
0x2d: {  	s23 =	simm.s32 @!p1 $0x6F00;
	[sflag:s0] =	ssyncadd.s32 @!p3 $0xFFFFF000;
	s0 =	simm.s32 @!p2 $0x1  }
0x2e: {  	[tilespmem:s23], [sflag:$0x3] =	stream.indirect.gather @!p1 [spmem:s3], $0x20, s22, s21, $0xb8;
	[tilespmem:$0x12F00] =	vst v63  }
0x2f: {  	s24 =	simm.s32 @!p2 $0x4F00;
	p3 =	slt.u32 @!p0 s5, $0x0;
	_ =	swait.ge @!p2 [sflag:s0], $0x1000  }
0x30: {  	s22 =	simm.s32 @!p2 $0x2780;
	p3 =	por p3, p0;
	[sflag:s0] =	ssyncset.done @!p2 $0x0  }
0x31: {  	s26 =	simm.s32 @!p3 $0x8;
	[sflag:s0] =	ssyncadd.s32 @!p2 $0xFFFFF000;
	s0 =	simm.s32 @!p2 $0x80  }
0x32: {  	[spmem:s2] =	stream.indirect.scatter.add.f32 @!p2 [tilespmem:s24], [sflag:$0x5], $0x20, s22, s0, $0xb8;
	[tilespmem:$0x12F00] =	vst v63  }
0x33: {  	_ =	swait.ge @!p3 [sflag:s26], $0x1000  }
0x34: {  	p0 =	sle.u32 s5, $0x3;
	[sflag:s26] =	ssyncset.done @!p3 $0x0  }
0x35: {  	s25 =	simm.s32 @!p0 $0x7F00;
	[sflag:s26] =	ssyncadd.s32 @!p3 $0xFFFFF000;
	p3 =	sle.u32 s5, $0x1  }
0x36: {  	s28 =	simm.s32 @!p0 $0x80;
	s0 =	simm.s32 @!p0 $0x180;
	s22 =	simm.s32 @!p3 $0x2  }
0x37: {  	[tilespmem:s25], [sflag:$0x4] =	stream.indirect.gather @!p0 [spmem:s3], $0x20, s0, s28, $0xb8;
	[tilespmem:$0x12F00] =	vst v63  }
0x38: {  	_ =	swait.ge @!p3 [sflag:s22], $0x1000  }
0x39: {  	s29 =	simm.s32 @!p2 $0x5;
	s0 =	simm.s32 @!p3 $0x2800;
	[sflag:s22] =	ssyncset.done @!p3 $0x0  }
0x3a: {  	s24 =	simm.s32 @!p3 $0x5F00;
	s26 =	simm.s32 @!p3 $0x80;
	[sflag:s22] =	ssyncadd.s32 @!p3 $0xFFFFF000  }
0x3b: {  	[spmem:s2] =	stream.indirect.scatter.add.f32 @!p3 [tilespmem:s24], [sflag:$0x6], $0x20, s0, s26, $0xb8;
	[tilespmem:$0x12F00] =	vst v63  }
0x3c: {  	p4 =	sle.u32 s5, $0x4;
	_ =	swait.ge @!p2 [sflag:s29], $0x1000  }
0x3d: {  	s22 =	simm.s32 @!p4 $0x200;
	s0 =	simm.s32 @!p4 $0x80;
	[sflag:s29] =	ssyncset.done @!p2 $0x0  }
0x3e: {  	s24 =	simm.s32 @!p1 $0x3;
	s26 =	simm.s32 @!p4 $0x4F00;
	[sflag:s29] =	ssyncadd.s32 @!p2 $0xFFFFF000  }
0x3f: {  	[tilespmem:s26], [sflag:$0x1] =	stream.indirect.gather @!p4 [spmem:s3], $0x20, s22, s0, $0xb8;
	[tilespmem:$0x12F00] =	vst v63  }
0x40: {  	_ =	swait.ge @!p1 [sflag:s24], $0x1000  }
0x41: {  	[sflag:s24] =	ssyncset.done @!p1 $0x0  }
0x42: {  	s0 =	simm.s32 @!p1 $0x2880;
	s22 =	simm.s32 @!p3 $0x6;
	[sflag:s24] =	ssyncadd.s32 @!p1 $0xFFFFF000  }
0x43: {  	[spmem:s2] =	stream.indirect.scatter.add.f32 @!p1 [tilespmem:s23], [sflag:$0x7], $0x20, s0, s21, $0xb8;
	[tilespmem:$0x12F00] =	vst v63  }
0x44: {  	s30 =	simm.s32 @!p0 $0x4;
	p1 =	sle.u32 s5, $0x5;
	_ =	swait.ge @!p3 [sflag:s22], $0x1000  }
0x45: {  	s26 =	simm.s32 $0x4;
	s0 =	simm.s32 @!p1 $0x80;
	[sflag:s22] =	ssyncset.done @!p3 $0x0  }
0x46: {  	s23 =	simm.s32 @!p1 $0x280;
	[sflag:s22] =	ssyncadd.s32 @!p3 $0xFFFFF000;
	s22 =	simm.s32 @!p1 $0x5F00  }
0x47: {  	[tilespmem:s22], [sflag:$0x2] =	stream.indirect.gather @!p1 [spmem:s3], $0x20, s23, s0, $0xb8;
	[tilespmem:$0x12F00] =	vst v63  }
0x48: {  	s24 =	simm.s32 $0x1000;
	s21 =	simm.s32 $0x800;
	s0 =	simm.s32 @!p0 $0x2900  }
0x49: {  	s22 =	simm.s32 $0x9;
	s23 =	simm.s32 $0x4;
	_ =	swait.ge @!p0 [sflag:s30], $0x1000  }
.LBB2_2:
0x4a: {  	p4 =	seq.s32 s21, $0x0  }
0x4b: {  	s31 =	rddreg [dreg:$0x4];
	[sflag:s30] =	ssyncset.done @!p0 $0x0;
	s29 =	smov.u32 s24  }
0x4c: {  	s23 =	sadd.s32 $0x4, s23;
	[sflag:s30] =	ssyncadd.s32 @!p0 $0xFFFFF000;
	p1 =	sge.u32 @!p4 s26, s31  }
0x4d: {  	[spmem:s2] =	stream.indirect.scatter.add.f32 @!p0 [tilespmem:s25], [sflag:$0x8], $0x20, s0, s28, $0xb8;
	[tilespmem:$0x12F00] =	vst v63  }
0x4e: {  	s18 =	sadd.s32 $0x2, s26;
	p3 =	sge.u32 s26, s5;
	p5 =	por p1, p4  }
0x4f: {  	s1 =	sshra.s32 @!p3 s21, $0x2;
	p1 =	sge.u32 s18, s5;
	s25 =	simm.s32 @!p5 $0x7  }
0x50: {  	p0 =	sgt.u32 @!p4 s26, s5;
	s0 =	sshra.s32 @!p1 s21, $0x2;
	_ =	swait.ge @!p5 [sflag:s25], $0x1000  }
0x51: {  	s30 =	simm.s32 @!p1 $0x80;
	s31 =	simm.s32 @!p1 $0x6F00;
	[sflag:s25] =	ssyncset.done @!p5 $0x0  }
0x52: {  	s28 =	sadd.s32 @!p1 $0x100, s0;
	[sflag:s25] =	ssyncadd.s32 @!p5 $0xFFFFF000;
	s25 =	simm.s32 @!p3 $0x1  }
0x53: {  	[tilespmem:s31], [sflag:$0x3] =	stream.indirect.gather @!p1 [spmem:s3], $0x20, s28, s30, $0xb8;
	[tilespmem:$0x12F00] =	vst v63  }
0x54: {  	s12 =	simm.s32 @!p3 $0x4F00;
	p4 =	por p0, p4;
	_ =	swait.ge @!p3 [sflag:s25], $0x1000  }
0x55: {  	s1 =	sadd.s32 @!p3 $0x2780, s1;
	s17 =	simm.s32 @!p4 $0x8;
	[sflag:s25] =	ssyncset.done @!p3 $0x0  }
0x56: {  	s28 =	sadd.s32 $0x3, s26;
	[sflag:s25] =	ssyncadd.s32 @!p3 $0xFFFFF000;
	s25 =	simm.s32 @!p3 $0x80  }
0x57: {  	[spmem:s2] =	stream.indirect.scatter.add.f32 @!p3 [tilespmem:s12], [sflag:$0x5], $0x20, s1, s25, $0xb8;
	[tilespmem:$0x12F00] =	vst v63  }
0x58: {  	p2 =	sge.u32 s23, s5;
	p0 =	sge.u32 s28, s5;
	_ =	swait.ge @!p4 [sflag:s17], $0x1000  }
0x59: {  	s26 =	sadd.s32 $0x1, s26;
	s28 =	simm.s32 @!p0 $0x80;
	[sflag:s17] =	ssyncset.done @!p4 $0x0  }
0x5a: {  	s12 =	sshra.s32 @!p0 s21, $0x2;
	[sflag:s17] =	ssyncadd.s32 @!p4 $0xFFFFF000;
	p4 =	sge.u32 s26, s5  }
0x5b: {  	s25 =	simm.s32 @!p0 $0x7F00;
	s17 =	sadd.s32 @!p0 $0x180, s12;
	s1 =	simm.s32 @!p4 $0x2  }
0x5c: {  	[tilespmem:s25], [sflag:$0x4] =	stream.indirect.gather @!p0 [spmem:s3], $0x20, s17, s28, $0xb8;
	[tilespmem:$0x12F00] =	vst v63  }
0x5d: {  	s6 =	simm.s32 @!p3 $0x5;
	s26 =	sshra.s32 @!p4 s21, $0x2;
	_ =	swait.ge @!p4 [sflag:s1], $0x1000  }
0x5e: {  	s18 =	simm.s32 @!p4 $0x80;
	s17 =	sadd.s32 @!p4 $0x2800, s26;
	[sflag:s1] =	ssyncset.done @!p4 $0x0  }
0x5f: {  	s26 =	simm.s32 @!p4 $0x5F00;
	[sflag:s1] =	ssyncadd.s32 @!p4 $0xFFFFF000;
	s1 =	sadd.s32 @!p1 $0x2880, s0  }
0x60: {  	[spmem:s2] =	stream.indirect.scatter.add.f32 @!p4 [tilespmem:s26], [sflag:$0x6], $0x20, s17, s18, $0xb8;
	[tilespmem:$0x12F00] =	vst v63  }
0x61: {  	s0 =	sadd.s32 @!p0 $0x2900, s12;
	s12 =	sshra.s32 @!p2 s21, $0x2;
	_ =	swait.ge @!p3 [sflag:s6], $0x1000  }
0x62: {  	s17 =	simm.s32 @!p2 $0x80;
	s12 =	sadd.s32 @!p2 $0x200, s12;
	[sflag:s6] =	ssyncset.done @!p3 $0x0  }
0x63: {  	s18 =	simm.s32 @!p1 $0x3;
	[sflag:s6] =	ssyncadd.s32 @!p3 $0xFFFFF000;
	s6 =	simm.s32 @!p2 $0x4F00  }
0x64: {  	[tilespmem:s6], [sflag:$0x1] =	stream.indirect.gather @!p2 [spmem:s3], $0x20, s12, s17, $0xb8;
	[tilespmem:$0x12F00] =	vst v63  }
0x65: {  	s24 =	sadd.s32 $0x800, s24;
	s7 =	sadd.s32 $0x5, s23;
	_ =	swait.ge @!p1 [sflag:s18], $0x1000  }
0x66: {  	s26 =	smov.u32 s23;
	p3 =	sge.u32 s22, s5;
	[sflag:s18] =	ssyncset.done @!p1 $0x0  }
0x67: {  	p2 =	sne.s32 s24, $0xA800;
	s6 =	simm.s32 @!p4 $0x6;
	[sflag:s18] =	ssyncadd.s32 @!p1 $0xFFFFF000  }
0x68: {  	[spmem:s2] =	stream.indirect.scatter.add.f32 @!p1 [tilespmem:s31], [sflag:$0x7], $0x20, s1, s30, $0xb8;
	[tilespmem:$0x12F00] =	vst v63  }
.Ltmp0:
0x69: {  	s12 =	simm.s32 @!p3 $0x80;
	_ =	swait.ge @!p4 [sflag:s6], $0x1000;
	(pc) =	sbr.rel @p2 .LBB2_2-.Ltmp0, $4  }
0x6a: {  	s1 =	sshra.s32 @!p3 s21, $0x2;
	s30 =	simm.s32 @!p0 $0x4;
	[sflag:s6] =	ssyncset.done @!p4 $0x0  }
0x6b: {  	s1 =	sadd.s32 @!p3 $0x280, s1;
	[sflag:s6] =	ssyncadd.s32 @!p4 $0xFFFFF000;
	s6 =	simm.s32 @!p3 $0x5F00  }
0x6c: {  	[tilespmem:s6], [sflag:$0x2] =	stream.indirect.gather @!p3 [spmem:s3], $0x20, s1, s12, $0xb8;
	[tilespmem:$0x12F00] =	vst v63  }
0x6d: {  	s22 =	smov.u32 s7;
	s21 =	smov.u32 s29;
	_ =	swait.ge @!p0 [sflag:s30], $0x1000  }
0x6e: {  	[sflag:s30] =	ssyncset.done @!p0 $0x0  }
0x6f: {  	s1 =	rddreg [dreg:$0x4];
	p2 =	seq.s32 s21, $0x0;
	[sflag:s30] =	ssyncadd.s32 @!p0 $0xFFFFF000  }
0x70: {  	[spmem:s2] =	stream.indirect.scatter.add.f32 @!p0 [tilespmem:s25], [sflag:$0x8], $0x20, s0, s28, $0xb8;
	[tilespmem:$0x12F00] =	vst v63  }
0x71: {  	p0 =	sge.u32 @!p2 s26, s1  }
0x72: {  	p1 =	sge.u32 s26, s5;
	s28 =	sadd.s32 $0x2, s26;
	p4 =	por p0, p2  }
0x73: {  	s29 =	sadd.s32 $0x3, s26;
	p0 =	sge.u32 s28, s5;
	s1 =	simm.s32 @!p4 $0x7  }
0x74: {  	p3 =	sgt.u32 @!p2 s26, s5;
	s0 =	sshra.s32 @!p0 s21, $0x2;
	_ =	swait.ge @!p4 [sflag:s1], $0x1000  }
0x75: {  	s6 =	simm.s32 @!p0 $0x80;
	s12 =	simm.s32 @!p0 $0x6F00;
	[sflag:s1] =	ssyncset.done @!p4 $0x0  }
0x76: {  	s7 =	sadd.s32 @!p0 $0x100, s0;
	[sflag:s1] =	ssyncadd.s32 @!p4 $0xFFFFF000;
	s1 =	simm.s32 @!p1 $0x1  }
0x77: {  	[tilespmem:s12], [sflag:$0x3] =	stream.indirect.gather @!p0 [spmem:s3], $0x20, s7, s6, $0xb8;
	[tilespmem:$0x12F00] =	vst v63  }
0x78: {  	s17 =	sshra.s32 @!p1 s21, $0x2;
	p3 =	por p3, p2;
	_ =	swait.ge @!p1 [sflag:s1], $0x1000  }
0x79: {  	s18 =	simm.s32 @!p1 $0x4F00;
	s24 =	simm.s32 @!p3 $0x8;
	[sflag:s1] =	ssyncset.done @!p1 $0x0  }
0x7a: {  	s7 =	sadd.s32 @!p1 $0x2780, s17;
	[sflag:s1] =	ssyncadd.s32 @!p1 $0xFFFFF000;
	s1 =	simm.s32 @!p1 $0x80  }
0x7b: {  	[spmem:s2] =	stream.indirect.scatter.add.f32 @!p1 [tilespmem:s18], [sflag:$0x5], $0x20, s7, s1, $0xb8;
	[tilespmem:$0x12F00] =	vst v63  }
0x7c: {  	s31 =	sadd.s32 $0x1, s26;
	p2 =	sge.u32 s29, s5;
	_ =	swait.ge @!p3 [sflag:s24], $0x1000  }
0x7d: {  	s30 =	sadd.s32 $0x4, s23;
	s23 =	simm.s32 @!p2 $0x80;
	[sflag:s24] =	ssyncset.done @!p3 $0x0  }
0x7e: {  	s17 =	sshra.s32 @!p2 s21, $0x2;
	[sflag:s24] =	ssyncadd.s32 @!p3 $0xFFFFF000;
	p3 =	sge.u32 s31, s5  }
0x7f: {  	s18 =	simm.s32 @!p2 $0x7F00;
	s7 =	sadd.s32 @!p2 $0x180, s17;
	s24 =	simm.s32 @!p3 $0x2  }
0x80: {  	[tilespmem:s18], [sflag:$0x4] =	stream.indirect.gather @!p2 [spmem:s3], $0x20, s7, s23, $0xb8;
	[tilespmem:$0x12F00] =	vst v63  }
0x81: {  	s26 =	simm.s32 @!p1 $0x5;
	_ =	swait.ge @!p3 [sflag:s24], $0x1000  }
0x82: {  	s1 =	sshra.s32 @!p3 s21, $0x2;
	s7 =	simm.s32 @!p3 $0x5F00;
	[sflag:s24] =	ssyncset.done @!p3 $0x0  }
0x83: {  	s25 =	simm.s32 @!p3 $0x80;
	s1 =	sadd.s32 @!p3 $0x2800, s1;
	[sflag:s24] =	ssyncadd.s32 @!p3 $0xFFFFF000  }
0x84: {  	[spmem:s2] =	stream.indirect.scatter.add.f32 @!p3 [tilespmem:s7], [sflag:$0x6], $0x20, s1, s25, $0xb8;
	[tilespmem:$0x12F00] =	vst v63  }
0x85: {  	p4 =	sge.u32 s30, s5;
	s24 =	simm.s32 @!p0 $0x3;
	_ =	swait.ge @!p1 [sflag:s26], $0x1000  }
0x86: {  	s1 =	sshra.s32 @!p4 s21, $0x2;
	s7 =	simm.s32 @!p4 $0x80;
	[sflag:s26] =	ssyncset.done @!p1 $0x0  }
0x87: {  	s25 =	simm.s32 @!p4 $0x4F00;
	s1 =	sadd.s32 @!p4 $0x200, s1;
	[sflag:s26] =	ssyncadd.s32 @!p1 $0xFFFFF000  }
0x88: {  	[tilespmem:s25], [sflag:$0x1] =	stream.indirect.gather @!p4 [spmem:s3], $0x20, s1, s7, $0xb8;
	[tilespmem:$0x12F00] =	vst v63  }
0x89: {  	_ =	swait.ge @!p0 [sflag:s24], $0x1000  }
0x8a: {  	[sflag:s24] =	ssyncset.done @!p0 $0x0  }
0x8b: {  	s0 =	sadd.s32 @!p0 $0x2880, s0;
	s1 =	simm.s32 @!p3 $0x6;
	[sflag:s24] =	ssyncadd.s32 @!p0 $0xFFFFF000  }
0x8c: {  	[spmem:s2] =	stream.indirect.scatter.add.f32 @!p0 [tilespmem:s12], [sflag:$0x7], $0x20, s0, s6, $0xb8;
	[tilespmem:$0x12F00] =	vst v63  }
0x8d: {  	p1 =	sge.u32 s22, s5;
	s7 =	simm.s32 @!p2 $0x4;
	_ =	swait.ge @!p3 [sflag:s1], $0x1000  }
0x8e: {  	s0 =	sshra.s32 @!p1 s21, $0x2;
	s6 =	simm.s32 @!p1 $0x80;
	[sflag:s1] =	ssyncset.done @!p3 $0x0  }
0x8f: {  	s0 =	sadd.s32 @!p1 $0x280, s0;
	[sflag:s1] =	ssyncadd.s32 @!p3 $0xFFFFF000;
	s1 =	simm.s32 @!p1 $0x5F00  }
0x90: {  	[tilespmem:s1], [sflag:$0x2] =	stream.indirect.gather @!p1 [spmem:s3], $0x20, s0, s6, $0xb8;
	[tilespmem:$0x12F00] =	vst v63  }
0x91: {  	_ =	swait.ge @!p2 [sflag:s7], $0x1000  }
0x92: {  	s20 =	sadd.s32 $0x1, s20;
	[sflag:s7] =	ssyncset.done @!p2 $0x0  }
0x93: {  	p0 =	sne.s32 s20, s10;
	s0 =	sadd.s32 @!p2 $0x2900, s17;
	[sflag:s7] =	ssyncadd.s32 @!p2 $0xFFFFF000  }
0x94: {  	[spmem:s2] =	stream.indirect.scatter.add.f32 @!p2 [tilespmem:s18], [sflag:$0x8], $0x20, s0, s23, $0xb8;
	[tilespmem:$0x12F00] =	vst v63  }
.Ltmp1:
0x95: {  	[bflag:$0x0] =	sbarrier.arrive $0xFFFF;
	(pc) =	sbr.rel @p0 .LBB2_1-.Ltmp1, $4  }
0x96: {  	[hbm:s19], [sflag:s13] =	dma.local [spmem:s14], $0xA00  }
0x97: {  	_ =	swait.ge [sflag:s11], $0xA00  }
0x98: {  	[sflag:s11] =	ssyncset.done $0x0  }
0x99: {  	[sflag:s11] =	ssyncadd.s32 $0xFFFFF600  }
0x9a: {  	_ =	sfence.sel $0x180000  }
0x9b: {  	[bflag:$0x0] =	sbarrier.arrive $0xFFFF  }
0x9c: {  	_ =	strace $0x9000004D  }
0x9d: {  	s0 =	stileid.u32;
	[bflag:$0x2] =	sbarrier.arrive $0xFFFF  }
0x9e: {  	p0 =	sne.s32 s0, $0x0;
	s0 =	rddreg [dreg:$0x3]  }
0x9f: {  	s0 =	sadd.s32 @!p0 $0x100000, s0  }
0xa0: {  	[sflag:s0] =	ssyncadd.tile.s32 @!p0 $0x1;
	_ =	shalt  }
.Lfunc_end2:
_tile_overlayer_lowered:
.L_overlay_start_2:
0xa1: {  	(tag) =	ssettag $0x2  }
0xa2: {  	s0 =	rddreg [dreg:$0x0];
	s2 =	stileid.u32  }
0xa3: {  	s1 =	rddreg [dreg:$0x1];
	p0 =	sne.s32 s2, $0x0  }
0xa4: {  	s3 =	rddreg [dreg:$0x2];
	[bflag:$0x3] =	sbarrier.arrive $0xFFFF;
	s2 =	simm.s32 @!p0 $0x1C09  }
0xa5: {  	[timem:s3], [sflag:s2] =	dma.local @!p0 [hbm:s0], s1  }
0xa6: {  	s0 =	simm.s32 @!p0 $0x9  }
0xa7: {  	_ =	swait.ge @!p0 [sflag:s0], s1  }
0xa8: {  	s1 =	ssub.s32 @!p0 $0x0, s1;
	[sflag:s0] =	ssyncset.done @!p0 $0x0  }
0xa9: {  	[sflag:s0] =	ssyncadd.s32 @!p0 s1  }
0xaa: {  	[bflag:$0x3] =	sbarrier.arrive $0xFFFF  }
0xab: {  	_ =	shalt  }

// kernel: kernel.19.cloned.1.call-start
scs
__scs_entry_jumppad:
0x0: {  	(pc) =	sbr.rel $0x88, $3  }
0x1: {  	(tag) =	ssettag $0x0;
	lr =	simm.s32 $0x1  }
0x2: {  	[smem:$0x3F99] =	sst lr;
	_ =	strace $0xD0000000  }
0x3: {  	_ = 	snop  }
0x4: {  	_ = 	snop  }
0x5: {  	_ = 	snop  }
0x6: {  	_ = 	snop  }
0x7: {  	_ = 	snop  }
__scs_overlays_trampoline_lowered:
0x8: {  	[smem:$0x3FA8] =	sst s0  }
0x9: {  	[smem:$0x3FA9] =	sst s1  }
0xa: {  	[smem:$0x3FAA] =	sst s2  }
0xb: {  	[smem:$0x3FAB] =	sst s3  }
0xc: {  	[smem:$0x3FAC] =	sst s4  }
0xd: {  	[smem:$0x3FAD] =	sst s5  }
0xe: {  	[smem:$0x3FAE] =	sst s6  }
0xf: {  	[smem:$0x3FAF] =	sst s7  }
0x10: {  	[smem:$0x3FB0] =	sst s8  }
0x11: {  	[smem:$0x3FB1] =	sst s9;
	s0 =	simm.s32 @!p0 $0x0  }
0x12: {  	s1 =	sld [smem:$0x3F97];
	s0 =	simm.s32 @p0 $0x1  }
0x13: {  	[smem:$0x3FB2] =	sst s0;
	s0 =	simm.s32 @!p1 $0x0  }
0x14: {  	s2 =	sld [smem:$0x3F96];
	s0 =	simm.s32 @p1 $0x1  }
0x15: {  	[smem:$0x3FB3] =	sst s0;
	s0 =	simm.s32 @!p2 $0x0  }
0x16: {  	s3 =	sld [smem:$0x3FDB];
	s0 =	simm.s32 @p2 $0x1  }
0x17: {  	s4 =	simm.s32 $0x1BF5;
	[smem:$0x3FB5] =	sst s0  }
0x18: {  	s0 =	sld [smem:$0x3F98];
	_ =	swait.ge [sflag:s4], $0x0  }
0x19: {  	s7 =	sld [smem:$0x3F99]  }
0x1a: {  	s8 =	sadd.s32 $0xFFFFE003, lr  }
0x1b: {  	s9 =	sadd.s32 $0xFFFFFEF7, lr;
	s5 =	simm.s32 $0xFFFFFFFF;
	p2 =	slt.u32 s8, $0xFFFFF086  }
0x1c: {  	p1 =	slt.u32 s9, $0xF7A;
	s5 =	simm.s32 @!p2 $0x0  }
0x1d: {  	s5 =	simm.s32 @p1 $0x1;
	p0 =	seq.s32 s7, s2  }
0x1e: {  	s7 =	smul.u32 @!p0 $0xF7A, s2;
	p2 =	seq.s32 @!p0 s5, $0x0  }
0x1f: {  	s9 =	smul.u32 $0xF7A, s1;
	s8 =	simm.s32 @!p0 $0x1BF5;
	p2 =	por !p2, p0  }
0x20: {  	[sflag:s8] =	ssyncset.s32 @!p0 $0xFFFFF086;
	s6 =	sadd.s32 @!p0 s3, s7;
	s7 =	simm.s32 @!p0 $0x108  }
0x21: {  	s3 =	sadd.s32 s3, s9;
	s6 =	sadd.s32 @!p0 $0x88, s6;
	s7 =	simm.s32 @p2 $0x1082  }
0x22: {  	[simem:s7], [sflag:s8] =	dma.local @!p0 [hbm:s6], $0xF7A  }
0x23: {  	s9 =	sor.u32 $0xD0000000, s2;
	s6 =	simm.s32 $0x108;
	_ =	swait.ge @!p0 [sflag:s8], $0x0  }
0x24: {  	s3 =	sadd.s32 $0x88, s3;
	s6 =	simm.s32 @!p1 $0x1082;
	[sflag:s4] =	ssyncset.s32 $0xFFFFF086  }
0x25: {  	[simem:s6], [sflag:s4] =	dma.local [hbm:s3], $0xF7A  }
0x26: {  	[smem:$0x3F99] =	sst s1;
	(tag) =	ssettag s2;
	_ =	strace s9  }
0x27: {  	s1 =	sld [smem:$0x3FA9]  }
0x28: {  	s2 =	sld [smem:$0x3FAA]  }
0x29: {  	s4 =	sld [smem:$0x3FAC]  }
0x2a: {  	p0 =	seq.s32 s5, $0x0;
	s5 =	sld [smem:$0x3FAD]  }
0x2b: {  	s6 =	sld [smem:$0x3FAE]  }
0x2c: {  	s7 =	sld [smem:$0x3FAF]  }
0x2d: {  	s3 =	simm.s32 $0x108;
	s8 =	sld [smem:$0x3FB0]  }
0x2e: {  	s3 =	simm.s32 @!p0 $0x1082;
	s9 =	sld [smem:$0x3FB1]  }
0x2f: {  	lr =	sadd.s32 s0, s3;
	s0 =	sld [smem:$0x3FA8]  }
0x30: {  	s3 =	sld [smem:$0x3FAB]  }
0x31: {  	[smem:$0x3FB4] =	sst s10  }
0x32: {  	s10 =	sld [smem:$0x3FB2];
	_ =	sdelay $0x3  }
0x33: {  	p0 =	seq.s32 s10, $0x1;
	s10 =	sld [smem:$0x3FB4];
	_ =	sdelay $0x3  }
0x34: {  	[smem:$0x3FB4] =	sst s10  }
0x35: {  	s10 =	sld [smem:$0x3FB3];
	_ =	sdelay $0x3  }
0x36: {  	p1 =	seq.s32 s10, $0x1;
	s10 =	sld [smem:$0x3FB4];
	_ =	sdelay $0x3  }
0x37: {  	[smem:$0x3FB4] =	sst s10  }
0x38: {  	s10 =	sld [smem:$0x3FB5]  }
0x39: {  	_ = 	snop;
	(pc) =	sbr.ind lr, $3  }
0x3a: {  	_ = 	snop  }
0x3b: {  	_ = 	snop  }
0x3c: {  	p2 =	seq.s32 s10, $0x1;
	s10 =	sld [smem:$0x3FB4]  }
0x3d: {  	_ =	shalt  }
0x3e: {  	_ =	shalt  }
0x3f: {  	_ =	shalt  }
0x40: {  	_ =	shalt  }
0x41: {  	_ =	shalt  }
0x42: {  	_ =	shalt  }
0x43: {  	_ =	shalt  }
0x44: {  	_ =	shalt  }
0x45: {  	_ =	shalt  }
0x46: {  	_ =	shalt  }
0x47: {  	_ =	shalt  }
0x48: {  	_ =	shalt  }
0x49: {  	_ =	shalt  }
0x4a: {  	_ =	shalt  }
0x4b: {  	_ =	shalt  }
0x4c: {  	_ =	shalt  }
0x4d: {  	_ =	shalt  }
0x4e: {  	_ =	shalt  }
0x4f: {  	_ =	shalt  }
0x50: {  	_ =	shalt  }
0x51: {  	_ =	shalt  }
0x52: {  	_ =	shalt  }
0x53: {  	_ =	shalt  }
0x54: {  	_ =	shalt  }
0x55: {  	_ =	shalt  }
0x56: {  	_ =	shalt  }
0x57: {  	_ =	shalt  }
0x58: {  	_ =	shalt  }
0x59: {  	_ =	shalt  }
0x5a: {  	_ =	shalt  }
0x5b: {  	_ =	shalt  }
0x5c: {  	_ =	shalt  }
0x5d: {  	_ =	shalt  }
0x5e: {  	_ =	shalt  }
0x5f: {  	_ =	shalt  }
0x60: {  	_ =	shalt  }
0x61: {  	_ =	shalt  }
0x62: {  	_ =	shalt  }
0x63: {  	_ =	shalt  }
0x64: {  	_ =	shalt  }
0x65: {  	_ =	shalt  }
0x66: {  	_ =	shalt  }
0x67: {  	_ =	shalt  }
0x68: {  	_ =	shalt  }
0x69: {  	_ =	shalt  }
0x6a: {  	_ =	shalt  }
0x6b: {  	_ =	shalt  }
0x6c: {  	_ =	shalt  }
0x6d: {  	_ =	shalt  }
0x6e: {  	_ =	shalt  }
0x6f: {  	_ =	shalt  }
0x70: {  	_ =	shalt  }
0x71: {  	_ =	shalt  }
0x72: {  	_ =	shalt  }
0x73: {  	_ =	shalt  }
0x74: {  	_ =	shalt  }
0x75: {  	_ =	shalt  }
0x76: {  	_ =	shalt  }
0x77: {  	_ =	shalt  }
0x78: {  	_ =	shalt  }
0x79: {  	_ =	shalt  }
0x7a: {  	_ =	shalt  }
0x7b: {  	_ =	shalt  }
0x7c: {  	_ =	shalt  }
0x7d: {  	_ =	shalt  }
0x7e: {  	_ =	shalt  }
0x7f: {  	_ =	shalt  }
0x80: {  	_ =	shalt  }
0x81: {  	_ =	shalt  }
0x82: {  	_ =	shalt  }
0x83: {  	_ =	shalt  }
0x84: {  	_ =	shalt  }
0x85: {  	_ =	shalt  }
0x86: {  	_ =	shalt  }
0x87: {  	_ =	shalt  }
.Lfunc_end0:
.L_simem_size_0:
called_computation.3_lowered:
.L_overlay_start_0:
0x88: {  	s2 =	sld [smem:$0x3FD9]  }
0x89: {  	s3 =	sld [smem:$0x3FFE];
	_ =	sdelay $0x1  }
0x8a: {  	s1 =	srdreg.scid  }
0x8b: {  	s0 =	sand.u32 $0x1, s1  }
0x8c: {  	s16 =	sshll.u32 s0, $0xA;
	s2 =	sadd.s32 s3, s2  }
0x8d: {  	s2 =	sadd.s32 s2, s16  }
0x8e: {  	[smem:$0x3FC0] =	sst s2  }
0x8f: {  	_ = 	snop  }
0x90: {  	(tm) =	ssettm $0x1  }
0x91: {  	s17 =	sld [smem:$0x3FFB];
	_ =	sdelay $0x3  }
0x92: {  	_ =	strace s17  }
0x93: {  	s2 =	sld [smem:$0x3FFC];
	_ =	sdelay $0x3  }
0x94: {  	_ =	strace s2  }
0x95: {  	s2 =	sld [smem:$0x3FFD];
	_ =	sdelay $0x3  }
0x96: {  	_ =	strace s2  }
0x97: {  	_ =	strace $0x8FFFFFFF  }
0x98: {  	s18 =	sld [smem:$0x3FDB];
	_ =	sdelay $0x1  }
0x99: {  	s19 =	simm.s32 $_scs_section_size  }
0x9a: {  	s4 =	simm.s32 $_size__tile_overlayer_lowered;
	s5 =	simm.s32 $_tile_overlayer_lowered  }
0x9b: {  	s22 =	simm.s32 $0x1BFF;
	s21 =	sshll.u32 s5, $0x1;
	s2 =	sadd.s32 s19, s18  }
0x9c: {  	s6 =	simm.s32 $0x0;
	s20 =	sshll.u32 s4, $0x1;
	s4 =	sadd.s32 s21, s2  }
0x9d: {  	[timem:s6], [sflag:s22] =	dma.local [hbm:s4], s20  }
0x9e: {  	_ =	swait.ge [sflag:s22], s20  }
0x9f: {  	s3 =	ssub.s32 $0x0, s20;
	[sflag:s22] =	ssyncset.done $0x0  }
0xa0: {  	[sflag:s22] =	ssyncadd.s32 s3;
	_ =	sdelay $0x1  }
0xa1: {  	s23 =	simm.s32 $0x1B8B  }
0xa2: {  	_ =	swait.ge [sflag:s23], $0x1  }
0xa3: {  	[sflag:s23] =	ssyncset.done $0x0  }
0xa4: {  	s25 =	simm.s32 $0x1B8E;
	s24 =	sld [smem:$0x3FFE];
	[sflag:s23] =	ssyncadd.s32 $0xFFFFFFFF  }
0xa5: {  	s26 =	simm.s32 $execute0_lowered;
	[smem:$0x3FD2] =	sst s25  }
0xa6: {  	s4 =	sshll.u32 s26, $0x1;
	_ =	strace $0x8000004F;
	[dreg:$0x1] =	wrdreg $0xFFFFFFFF  }
0xa7: {  	s28 =	simm.s32 $_size_execute0_lowered;
	s2 =	sadd.s32 s2, s4;
	[dreg:$0x0] =	wrdreg $0x0  }
0xa8: {  	s4 =	sshll.u32 s28, $0x1;
	[dreg:$0x2] =	wrdreg s2  }
0xa9: {  	[dreg:$0x3] =	wrdreg s4  }
0xaa: {  	[dreg:$0x4] =	wrdreg $0xC0  }
0xab: {  	_ =	task [dreg:s6], $0x5FFFF  }
0xac: {  	[dreg:$0x1] =	wrdreg $0xFFFFFFFF  }
0xad: {  	[dreg:$0x0] =	wrdreg $0x60  }
0xae: {  	[dreg:$0x2] =	wrdreg s24  }
0xaf: {  	[dreg:$0x3] =	wrdreg $0x5F000  }
0xb0: {  	[dreg:$0x4] =	wrdreg $0x73000  }
0xb1: {  	[dreg:$0x5] =	wrdreg $0x9  }
0xb2: {  	_ =	task.clear_ibuf [dreg:s6], $0x6FFFF;
	_ =	strace $0x9000004F  }
0xb3: {  	s29 =	simm.s32 $0x9;
	_ =	strace $0x80000051  }
0xb4: {  	_ =	swait.ge [sflag:s29], $0x1  }
0xb5: {  	[sflag:s29] =	ssyncadd.s32 $0xFFFFFFFF  }
0xb6: {  	_ =	strace $0x90000051  }
0xb7: {  	_ =	sfence  }
0xb8: {  	s30 =	sld [smem:$0x0];
	_ =	sdelay $0x2  }
0xb9: {  	s31 =	sshll.u32 s1, $0xD;
	s1 =	sshrl.u32 s1, $0x2  }
0xba: {  	s3 =	sand.u32 $0x4000, s31;
	s1 =	sadd.s32 s1, s30  }
0xbb: {  	s0 =	sor.u32 s3, s0;
	s1 =	sshll.u32 s1, $0x11  }
0xbc: {  	s0 =	sor.u32 s1, s0  }
0xbd: {  	s0 =	sadd.s32 $0x8F2B, s0  }
0xbe: {  	[sflag:s0] =	ssyncadd.remote.s32 $0x1  }
0xbf: {  	_ =	sfence.sel $0xFFFF  }
0xc0: {  	[dreg:$0x0] =	wrdreg $0xFFFFFFFF;
	(pc) =	sbr.abs _section_cstart, $3  }
0xc1: {  	[dreg:$0x1] =	wrdreg $0xFFFFFFFF  }
0xc2: {  	_ =	task.clear_ibuf [dreg:s6], $0x2FFFF;
	_ =	strace $0x9FFFFFFF  }
0xc3: {  	(tm) =	ssettm $0x7FFFFFFF  }
tec
execute0_lowered:
.L_overlay_start_1:
0x0: {  	(tag) =	ssettag $0x1  }
0x1: {  	s0 =	rddreg [dreg:$0x0]  }
0x2: {  	s2 =	rddreg [dreg:$0x1]  }
0x3: {  	s3 =	rddreg [dreg:$0x2]  }
0x4: {  	s4 =	srdreg.scid;
	s1 =	stileid.u32  }
0x5: {  	s16 =	simm.s32 $0x80;
	s5 =	sand.u32 $0x1, s4;
	s4 =	simm.s32 $0x0  }
0x6: {  	s9 =	smul.u32 $0x1400, s1;
	s31 =	sshll.u32 s1, $0x6;
	s6 =	sshll.u32 s5, $0x4  }
0x7: {  	[smem:$0x7FF] =	sst s4;
	s7 =	smul.u32 $0x2800, s5;
	s11 =	ssub.s32 $0x2, s5  }
0x8: {  	s5 =	simm.s32 $0x4F;
	s6 =	sor.u32 s1, s6;
	_ =	strace $0x80000050  }
0x9: {  	s19 =	sshrl.u32 s9, $0x3;
	s28 =	sshrl.u32 s11, $0x1;
	s30 =	sadd.s32 s9, s2  }
0xa: {  	s15 =	sadd.s32 s9, s3;
	s8 =	smul.u32 $0x4E, s6;
	s10 =	sadd.s32 s19, s0  }
0xb: {  	s26 =	smax.u32 s6, $0x1C;
	s12 =	sadd.s32 s7, s0;
	p0 =	sgt.u32 s6, $0x1B  }
0xc: {  	s11 =	ssub.s32 s11, s28;
	s14 =	sshrl.u32 s30, $0x3;
	s15 =	sshrl.u32 s15, $0x3  }
0xd: {  	s5 =	simm.s32 @!p0 $0x4E;
	s9 =	sadd.s32 $0x15E00, s10;
	s8 =	sadd.s32 s8, s26  }
0xe: {  	s20 =	sadd.s32 $0x1AE00, s12;
	s13 =	sadd.s32 $0x2, s5;
	s29 =	sshll.u32 s8, $0x4  }
0xf: {  	s19 =	sadd.s32 s19, s20;
	s20 =	simm.s32 $0x0;
	s0 =	sadd.s32 s0, s29  }
0x10: {  	s8 =	sadd.s32 $0x18600, s10;
	[dreg:$0x4] =	wrdreg s13;
	s6 =	sadd.s32 $0x2240, s0  }
0x11: {  	s10 =	smax.u32 s11, $0x1;
	s0 =	sadd.s32 $0xBE80, s0;
	[dreg:$0x5] =	wrdreg s6  }
0x12: {  	s11 =	simm.s32 $0x9;
	s13 =	sor.u32 $0x1C09, s31;
	[dreg:$0x6] =	wrdreg s0  }
.LBB2_1:
0x13: {  	s0 =	rddreg [dreg:$0x5]  }
0x14: {  	[tilespmem:s4], [sflag:$0x9] =	stream.linear.gather [hbm4b:s0+s4], $0x2780, $0x38;
	[tilespmem:$0x8700] =	vst v63  }
0x15: {  	_ =	swait.ge [sflag:s11], $0x2780  }
0x16: {  	[sflag:s11] =	ssyncset.done $0x0  }
0x17: {  	s1 =	simm.s32 $0x2780;
	s26 =	rddreg [dreg:$0x6];
	[sflag:s11] =	ssyncadd.s32 $0xFFFFD880  }
0x18: {  	[tilespmem:s1], [sflag:$0x9] =	stream.linear.gather [hbm4b:s26+s4], $0x2780, $0x38;
	[tilespmem:$0x8700] =	vst v63  }
0x19: {  	_ =	swait.ge [sflag:s11], $0x2780  }
0x1a: {  	[sflag:s11] =	ssyncset.done $0x0  }
0x1b: {  	[sflag:s11] =	ssyncadd.s32 $0xFFFFD880  }
0x1c: {  	[spmem:s14], [sflag:s13] =	dma.local [hbm:s8], $0x280  }
0x1d: {  	_ =	swait.ge [sflag:s11], $0x280  }
0x1e: {  	[sflag:s11] =	ssyncset.done $0x0  }
0x1f: {  	[sflag:s11] =	ssyncadd.s32 $0xFFFFFD80  }
0x20: {  	[spmem:s15], [sflag:s13] =	dma.local [hbm:s9], $0x280  }
0x21: {  	_ =	swait.ge [sflag:s11], $0x280  }
0x22: {  	[sflag:s11] =	ssyncset.done $0x0  }
0x23: {  	[sflag:s11] =	ssyncadd.s32 $0xFFFFFD80  }
0x24: {  	s29 =	simm.s32 $0x4F00;
	[bflag:$0x0] =	sbarrier.arrive $0xFFFF  }
0x25: {  	[tilespmem:s29], [sflag:$0x1] =	stream.indirect.gather [spmem:s3], $0x8, s4, s16, $0xb8;
	[tilespmem:$0x8700] =	vst v63  }
0x26: {  	p0 =	por $0x1, $0x1;
	s0 =	rddreg [dreg:$0x4]  }
0x27: {  	s31 =	simm.s32 $0x5300;
	p1 =	sle.u32 @!p0 s0, $0x0  }
0x28: {  	[tilespmem:s31], [sflag:$0x2] =	stream.indirect.gather [spmem:s3], $0x8, s16, s16, $0xb8;
	[tilespmem:$0x8700] =	vst v63  }
0x29: {  	p3 =	por p1, p0  }
0x2a: {  	s0 =	simm.s32 @!p3 $0x7  }
0x2b: {  	p2 =	sle.u32 s5, $0x0;
	p1 =	sle.u32 s5, $0x2;
	_ =	swait.ge @!p3 [sflag:s0], $0x400  }
0x2c: {  	s21 =	simm.s32 @!p1 $0x80;
	s22 =	simm.s32 @!p1 $0x100;
	[sflag:s0] =	ssyncset.done @!p3 $0x0  }
0x2d: {  	s23 =	simm.s32 @!p1 $0x5700;
	[sflag:s0] =	ssyncadd.s32 @!p3 $0xFFFFFC00;
	s0 =	simm.s32 @!p2 $0x1  }
0x2e: {  	[tilespmem:s23], [sflag:$0x3] =	stream.indirect.gather @!p1 [spmem:s3], $0x8, s22, s21, $0xb8;
	[tilespmem:$0x8700] =	vst v63  }
0x2f: {  	s24 =	simm.s32 @!p2 $0x4F00;
	p3 =	slt.u32 @!p0 s5, $0x0;
	_ =	swait.ge @!p2 [sflag:s0], $0x400  }
0x30: {  	s22 =	simm.s32 @!p2 $0x2780;
	p3 =	por p3, p0;
	[sflag:s0] =	ssyncset.done @!p2 $0x0  }
0x31: {  	s26 =	simm.s32 @!p3 $0x8;
	[sflag:s0] =	ssyncadd.s32 @!p2 $0xFFFFFC00;
	s0 =	simm.s32 @!p2 $0x80  }
0x32: {  	[spmem:s2] =	stream.indirect.scatter.add.f32 @!p2 [tilespmem:s24], [sflag:$0x5], $0x8, s22, s0, $0xb8;
	[tilespmem:$0x8700] =	vst v63  }
0x33: {  	_ =	swait.ge @!p3 [sflag:s26], $0x400  }
0x34: {  	p0 =	sle.u32 s5, $0x3;
	[sflag:s26] =	ssyncset.done @!p3 $0x0  }
0x35: {  	s25 =	simm.s32 @!p0 $0x5B00;
	[sflag:s26] =	ssyncadd.s32 @!p3 $0xFFFFFC00;
	p3 =	sle.u32 s5, $0x1  }
0x36: {  	s28 =	simm.s32 @!p0 $0x80;
	s0 =	simm.s32 @!p0 $0x180;
	s22 =	simm.s32 @!p3 $0x2  }
0x37: {  	[tilespmem:s25], [sflag:$0x4] =	stream.indirect.gather @!p0 [spmem:s3], $0x8, s0, s28, $0xb8;
	[tilespmem:$0x8700] =	vst v63  }
0x38: {  	_ =	swait.ge @!p3 [sflag:s22], $0x400  }
0x39: {  	s29 =	simm.s32 @!p2 $0x5;
	s0 =	simm.s32 @!p3 $0x2800;
	[sflag:s22] =	ssyncset.done @!p3 $0x0  }
0x3a: {  	s24 =	simm.s32 @!p3 $0x5300;
	s26 =	simm.s32 @!p3 $0x80;
	[sflag:s22] =	ssyncadd.s32 @!p3 $0xFFFFFC00  }
0x3b: {  	[spmem:s2] =	stream.indirect.scatter.add.f32 @!p3 [tilespmem:s24], [sflag:$0x6], $0x8, s0, s26, $0xb8;
	[tilespmem:$0x8700] =	vst v63  }
0x3c: {  	p4 =	sle.u32 s5, $0x4;
	_ =	swait.ge @!p2 [sflag:s29], $0x400  }
0x3d: {  	s22 =	simm.s32 @!p4 $0x200;
	s0 =	simm.s32 @!p4 $0x80;
	[sflag:s29] =	ssyncset.done @!p2 $0x0  }
0x3e: {  	s24 =	simm.s32 @!p1 $0x3;
	s26 =	simm.s32 @!p4 $0x4F00;
	[sflag:s29] =	ssyncadd.s32 @!p2 $0xFFFFFC00  }
0x3f: {  	[tilespmem:s26], [sflag:$0x1] =	stream.indirect.gather @!p4 [spmem:s3], $0x8, s22, s0, $0xb8;
	[tilespmem:$0x8700] =	vst v63  }
0x40: {  	_ =	swait.ge @!p1 [sflag:s24], $0x400  }
0x41: {  	[sflag:s24] =	ssyncset.done @!p1 $0x0  }
0x42: {  	s0 =	simm.s32 @!p1 $0x2880;
	s22 =	simm.s32 @!p3 $0x6;
	[sflag:s24] =	ssyncadd.s32 @!p1 $0xFFFFFC00  }
0x43: {  	[spmem:s2] =	stream.indirect.scatter.add.f32 @!p1 [tilespmem:s23], [sflag:$0x7], $0x8, s0, s21, $0xb8;
	[tilespmem:$0x8700] =	vst v63  }
0x44: {  	s30 =	simm.s32 @!p0 $0x4;
	p1 =	sle.u32 s5, $0x5;
	_ =	swait.ge @!p3 [sflag:s22], $0x400  }
0x45: {  	s26 =	simm.s32 $0x4;
	s0 =	simm.s32 @!p1 $0x80;
	[sflag:s22] =	ssyncset.done @!p3 $0x0  }
0x46: {  	s23 =	simm.s32 @!p1 $0x280;
	[sflag:s22] =	ssyncadd.s32 @!p3 $0xFFFFFC00;
	s22 =	simm.s32 @!p1 $0x5300  }
0x47: {  	[tilespmem:s22], [sflag:$0x2] =	stream.indirect.gather @!p1 [spmem:s3], $0x8, s23, s0, $0xb8;
	[tilespmem:$0x8700] =	vst v63  }
0x48: {  	s24 =	simm.s32 $0x1000;
	s21 =	simm.s32 $0x800;
	s0 =	simm.s32 @!p0 $0x2900  }
0x49: {  	s22 =	simm.s32 $0x9;
	s23 =	simm.s32 $0x4;
	_ =	swait.ge @!p0 [sflag:s30], $0x400  }
.LBB2_2:
0x4a: {  	p4 =	seq.s32 s21, $0x0  }
0x4b: {  	s31 =	rddreg [dreg:$0x4];
	[sflag:s30] =	ssyncset.done @!p0 $0x0;
	s29 =	smov.u32 s24  }
0x4c: {  	s23 =	sadd.s32 $0x4, s23;
	[sflag:s30] =	ssyncadd.s32 @!p0 $0xFFFFFC00;
	p1 =	sge.u32 @!p4 s26, s31  }
0x4d: {  	[spmem:s2] =	stream.indirect.scatter.add.f32 @!p0 [tilespmem:s25], [sflag:$0x8], $0x8, s0, s28, $0xb8;
	[tilespmem:$0x8700] =	vst v63  }
0x4e: {  	s18 =	sadd.s32 $0x2, s26;
	p3 =	sge.u32 s26, s5;
	p5 =	por p1, p4  }
0x4f: {  	s1 =	sshra.s32 @!p3 s21, $0x2;
	p1 =	sge.u32 s18, s5;
	s25 =	simm.s32 @!p5 $0x7  }
0x50: {  	p0 =	sgt.u32 @!p4 s26, s5;
	s0 =	sshra.s32 @!p1 s21, $0x2;
	_ =	swait.ge @!p5 [sflag:s25], $0x400  }
0x51: {  	s30 =	simm.s32 @!p1 $0x80;
	s31 =	simm.s32 @!p1 $0x5700;
	[sflag:s25] =	ssyncset.done @!p5 $0x0  }
0x52: {  	s28 =	sadd.s32 @!p1 $0x100, s0;
	[sflag:s25] =	ssyncadd.s32 @!p5 $0xFFFFFC00;
	s25 =	simm.s32 @!p3 $0x1  }
0x53: {  	[tilespmem:s31], [sflag:$0x3] =	stream.indirect.gather @!p1 [spmem:s3], $0x8, s28, s30, $0xb8;
	[tilespmem:$0x8700] =	vst v63  }
0x54: {  	s12 =	simm.s32 @!p3 $0x4F00;
	p4 =	por p0, p4;
	_ =	swait.ge @!p3 [sflag:s25], $0x400  }
0x55: {  	s1 =	sadd.s32 @!p3 $0x2780, s1;
	s17 =	simm.s32 @!p4 $0x8;
	[sflag:s25] =	ssyncset.done @!p3 $0x0  }
0x56: {  	s28 =	sadd.s32 $0x3, s26;
	[sflag:s25] =	ssyncadd.s32 @!p3 $0xFFFFFC00;
	s25 =	simm.s32 @!p3 $0x80  }
0x57: {  	[spmem:s2] =	stream.indirect.scatter.add.f32 @!p3 [tilespmem:s12], [sflag:$0x5], $0x8, s1, s25, $0xb8;
	[tilespmem:$0x8700] =	vst v63  }
0x58: {  	p2 =	sge.u32 s23, s5;
	p0 =	sge.u32 s28, s5;
	_ =	swait.ge @!p4 [sflag:s17], $0x400  }
0x59: {  	s26 =	sadd.s32 $0x1, s26;
	s28 =	simm.s32 @!p0 $0x80;
	[sflag:s17] =	ssyncset.done @!p4 $0x0  }
0x5a: {  	s12 =	sshra.s32 @!p0 s21, $0x2;
	[sflag:s17] =	ssyncadd.s32 @!p4 $0xFFFFFC00;
	p4 =	sge.u32 s26, s5  }
0x5b: {  	s25 =	simm.s32 @!p0 $0x5B00;
	s17 =	sadd.s32 @!p0 $0x180, s12;
	s1 =	simm.s32 @!p4 $0x2  }
0x5c: {  	[tilespmem:s25], [sflag:$0x4] =	stream.indirect.gather @!p0 [spmem:s3], $0x8, s17, s28, $0xb8;
	[tilespmem:$0x8700] =	vst v63  }
0x5d: {  	s6 =	simm.s32 @!p3 $0x5;
	s26 =	sshra.s32 @!p4 s21, $0x2;
	_ =	swait.ge @!p4 [sflag:s1], $0x400  }
0x5e: {  	s18 =	simm.s32 @!p4 $0x80;
	s17 =	sadd.s32 @!p4 $0x2800, s26;
	[sflag:s1] =	ssyncset.done @!p4 $0x0  }
0x5f: {  	s26 =	simm.s32 @!p4 $0x5300;
	[sflag:s1] =	ssyncadd.s32 @!p4 $0xFFFFFC00;
	s1 =	sadd.s32 @!p1 $0x2880, s0  }
0x60: {  	[spmem:s2] =	stream.indirect.scatter.add.f32 @!p4 [tilespmem:s26], [sflag:$0x6], $0x8, s17, s18, $0xb8;
	[tilespmem:$0x8700] =	vst v63  }
0x61: {  	s0 =	sadd.s32 @!p0 $0x2900, s12;
	s12 =	sshra.s32 @!p2 s21, $0x2;
	_ =	swait.ge @!p3 [sflag:s6], $0x400  }
0x62: {  	s17 =	simm.s32 @!p2 $0x80;
	s12 =	sadd.s32 @!p2 $0x200, s12;
	[sflag:s6] =	ssyncset.done @!p3 $0x0  }
0x63: {  	s18 =	simm.s32 @!p1 $0x3;
	[sflag:s6] =	ssyncadd.s32 @!p3 $0xFFFFFC00;
	s6 =	simm.s32 @!p2 $0x4F00  }
0x64: {  	[tilespmem:s6], [sflag:$0x1] =	stream.indirect.gather @!p2 [spmem:s3], $0x8, s12, s17, $0xb8;
	[tilespmem:$0x8700] =	vst v63  }
0x65: {  	s24 =	sadd.s32 $0x800, s24;
	s7 =	sadd.s32 $0x5, s23;
	_ =	swait.ge @!p1 [sflag:s18], $0x400  }
0x66: {  	s26 =	smov.u32 s23;
	p3 =	sge.u32 s22, s5;
	[sflag:s18] =	ssyncset.done @!p1 $0x0  }
0x67: {  	p2 =	sne.s32 s24, $0xA800;
	s6 =	simm.s32 @!p4 $0x6;
	[sflag:s18] =	ssyncadd.s32 @!p1 $0xFFFFFC00  }
0x68: {  	[spmem:s2] =	stream.indirect.scatter.add.f32 @!p1 [tilespmem:s31], [sflag:$0x7], $0x8, s1, s30, $0xb8;
	[tilespmem:$0x8700] =	vst v63  }
.Ltmp0:
0x69: {  	s12 =	simm.s32 @!p3 $0x80;
	_ =	swait.ge @!p4 [sflag:s6], $0x400;
	(pc) =	sbr.rel @p2 .LBB2_2-.Ltmp0, $4  }
0x6a: {  	s1 =	sshra.s32 @!p3 s21, $0x2;
	s30 =	simm.s32 @!p0 $0x4;
	[sflag:s6] =	ssyncset.done @!p4 $0x0  }
0x6b: {  	s1 =	sadd.s32 @!p3 $0x280, s1;
	[sflag:s6] =	ssyncadd.s32 @!p4 $0xFFFFFC00;
	s6 =	simm.s32 @!p3 $0x5300  }
0x6c: {  	[tilespmem:s6], [sflag:$0x2] =	stream.indirect.gather @!p3 [spmem:s3], $0x8, s1, s12, $0xb8;
	[tilespmem:$0x8700] =	vst v63  }
0x6d: {  	s22 =	smov.u32 s7;
	s21 =	smov.u32 s29;
	_ =	swait.ge @!p0 [sflag:s30], $0x400  }
0x6e: {  	[sflag:s30] =	ssyncset.done @!p0 $0x0  }
0x6f: {  	s1 =	rddreg [dreg:$0x4];
	p2 =	seq.s32 s21, $0x0;
	[sflag:s30] =	ssyncadd.s32 @!p0 $0xFFFFFC00  }
0x70: {  	[spmem:s2] =	stream.indirect.scatter.add.f32 @!p0 [tilespmem:s25], [sflag:$0x8], $0x8, s0, s28, $0xb8;
	[tilespmem:$0x8700] =	vst v63  }
0x71: {  	p0 =	sge.u32 @!p2 s26, s1  }
0x72: {  	p1 =	sge.u32 s26, s5;
	s28 =	sadd.s32 $0x2, s26;
	p4 =	por p0, p2  }
0x73: {  	s29 =	sadd.s32 $0x3, s26;
	p0 =	sge.u32 s28, s5;
	s1 =	simm.s32 @!p4 $0x7  }
0x74: {  	p3 =	sgt.u32 @!p2 s26, s5;
	s0 =	sshra.s32 @!p0 s21, $0x2;
	_ =	swait.ge @!p4 [sflag:s1], $0x400  }
0x75: {  	s6 =	simm.s32 @!p0 $0x80;
	s12 =	simm.s32 @!p0 $0x5700;
	[sflag:s1] =	ssyncset.done @!p4 $0x0  }
0x76: {  	s7 =	sadd.s32 @!p0 $0x100, s0;
	[sflag:s1] =	ssyncadd.s32 @!p4 $0xFFFFFC00;
	s1 =	simm.s32 @!p1 $0x1  }
0x77: {  	[tilespmem:s12], [sflag:$0x3] =	stream.indirect.gather @!p0 [spmem:s3], $0x8, s7, s6, $0xb8;
	[tilespmem:$0x8700] =	vst v63  }
0x78: {  	s17 =	sshra.s32 @!p1 s21, $0x2;
	p3 =	por p3, p2;
	_ =	swait.ge @!p1 [sflag:s1], $0x400  }
0x79: {  	s18 =	simm.s32 @!p1 $0x4F00;
	s24 =	simm.s32 @!p3 $0x8;
	[sflag:s1] =	ssyncset.done @!p1 $0x0  }
0x7a: {  	s7 =	sadd.s32 @!p1 $0x2780, s17;
	[sflag:s1] =	ssyncadd.s32 @!p1 $0xFFFFFC00;
	s1 =	simm.s32 @!p1 $0x80  }
0x7b: {  	[spmem:s2] =	stream.indirect.scatter.add.f32 @!p1 [tilespmem:s18], [sflag:$0x5], $0x8, s7, s1, $0xb8;
	[tilespmem:$0x8700] =	vst v63  }
0x7c: {  	s31 =	sadd.s32 $0x1, s26;
	p2 =	sge.u32 s29, s5;
	_ =	swait.ge @!p3 [sflag:s24], $0x400  }
0x7d: {  	s30 =	sadd.s32 $0x4, s23;
	s23 =	simm.s32 @!p2 $0x80;
	[sflag:s24] =	ssyncset.done @!p3 $0x0  }
0x7e: {  	s17 =	sshra.s32 @!p2 s21, $0x2;
	[sflag:s24] =	ssyncadd.s32 @!p3 $0xFFFFFC00;
	p3 =	sge.u32 s31, s5  }
0x7f: {  	s18 =	simm.s32 @!p2 $0x5B00;
	s7 =	sadd.s32 @!p2 $0x180, s17;
	s24 =	simm.s32 @!p3 $0x2  }
0x80: {  	[tilespmem:s18], [sflag:$0x4] =	stream.indirect.gather @!p2 [spmem:s3], $0x8, s7, s23, $0xb8;
	[tilespmem:$0x8700] =	vst v63  }
0x81: {  	s26 =	simm.s32 @!p1 $0x5;
	_ =	swait.ge @!p3 [sflag:s24], $0x400  }
0x82: {  	s1 =	sshra.s32 @!p3 s21, $0x2;
	s7 =	simm.s32 @!p3 $0x5300;
	[sflag:s24] =	ssyncset.done @!p3 $0x0  }
0x83: {  	s25 =	simm.s32 @!p3 $0x80;
	s1 =	sadd.s32 @!p3 $0x2800, s1;
	[sflag:s24] =	ssyncadd.s32 @!p3 $0xFFFFFC00  }
0x84: {  	[spmem:s2] =	stream.indirect.scatter.add.f32 @!p3 [tilespmem:s7], [sflag:$0x6], $0x8, s1, s25, $0xb8;
	[tilespmem:$0x8700] =	vst v63  }
0x85: {  	p4 =	sge.u32 s30, s5;
	s24 =	simm.s32 @!p0 $0x3;
	_ =	swait.ge @!p1 [sflag:s26], $0x400  }
0x86: {  	s1 =	sshra.s32 @!p4 s21, $0x2;
	s7 =	simm.s32 @!p4 $0x80;
	[sflag:s26] =	ssyncset.done @!p1 $0x0  }
0x87: {  	s25 =	simm.s32 @!p4 $0x4F00;
	s1 =	sadd.s32 @!p4 $0x200, s1;
	[sflag:s26] =	ssyncadd.s32 @!p1 $0xFFFFFC00  }
0x88: {  	[tilespmem:s25], [sflag:$0x1] =	stream.indirect.gather @!p4 [spmem:s3], $0x8, s1, s7, $0xb8;
	[tilespmem:$0x8700] =	vst v63  }
0x89: {  	_ =	swait.ge @!p0 [sflag:s24], $0x400  }
0x8a: {  	[sflag:s24] =	ssyncset.done @!p0 $0x0  }
0x8b: {  	s0 =	sadd.s32 @!p0 $0x2880, s0;
	s1 =	simm.s32 @!p3 $0x6;
	[sflag:s24] =	ssyncadd.s32 @!p0 $0xFFFFFC00  }
0x8c: {  	[spmem:s2] =	stream.indirect.scatter.add.f32 @!p0 [tilespmem:s12], [sflag:$0x7], $0x8, s0, s6, $0xb8;
	[tilespmem:$0x8700] =	vst v63  }
0x8d: {  	p1 =	sge.u32 s22, s5;
	s7 =	simm.s32 @!p2 $0x4;
	_ =	swait.ge @!p3 [sflag:s1], $0x400  }
0x8e: {  	s0 =	sshra.s32 @!p1 s21, $0x2;
	s6 =	simm.s32 @!p1 $0x80;
	[sflag:s1] =	ssyncset.done @!p3 $0x0  }
0x8f: {  	s0 =	sadd.s32 @!p1 $0x280, s0;
	[sflag:s1] =	ssyncadd.s32 @!p3 $0xFFFFFC00;
	s1 =	simm.s32 @!p1 $0x5300  }
0x90: {  	[tilespmem:s1], [sflag:$0x2] =	stream.indirect.gather @!p1 [spmem:s3], $0x8, s0, s6, $0xb8;
	[tilespmem:$0x8700] =	vst v63  }
0x91: {  	_ =	swait.ge @!p2 [sflag:s7], $0x400  }
0x92: {  	s20 =	sadd.s32 $0x1, s20;
	[sflag:s7] =	ssyncset.done @!p2 $0x0  }
0x93: {  	p0 =	sne.s32 s20, s10;
	s0 =	sadd.s32 @!p2 $0x2900, s17;
	[sflag:s7] =	ssyncadd.s32 @!p2 $0xFFFFFC00  }
0x94: {  	[spmem:s2] =	stream.indirect.scatter.add.f32 @!p2 [tilespmem:s18], [sflag:$0x8], $0x8, s0, s23, $0xb8;
	[tilespmem:$0x8700] =	vst v63  }
.Ltmp1:
0x95: {  	[bflag:$0x0] =	sbarrier.arrive $0xFFFF;
	(pc) =	sbr.rel @p0 .LBB2_1-.Ltmp1, $4  }
0x96: {  	[hbm:s19], [sflag:s13] =	dma.local [spmem:s14], $0x280  }
0x97: {  	_ =	swait.ge [sflag:s11], $0x280  }
0x98: {  	[sflag:s11] =	ssyncset.done $0x0  }
0x99: {  	[sflag:s11] =	ssyncadd.s32 $0xFFFFFD80  }
0x9a: {  	_ =	sfence.sel $0x180000  }
0x9b: {  	[bflag:$0x0] =	sbarrier.arrive $0xFFFF  }
0x9c: {  	_ =	strace $0x90000050  }
0x9d: {  	s0 =	stileid.u32;
	[bflag:$0x2] =	sbarrier.arrive $0xFFFF  }
0x9e: {  	p0 =	sne.s32 s0, $0x0;
	s0 =	rddreg [dreg:$0x3]  }
0x9f: {  	s0 =	sadd.s32 @!p0 $0x100000, s0  }
0xa0: {  	[sflag:s0] =	ssyncadd.tile.s32 @!p0 $0x1;
	_ =	shalt  }
.Lfunc_end2:
_tile_overlayer_lowered:
.L_overlay_start_2:
0xa1: {  	(tag) =	ssettag $0x2  }
0xa2: {  	s0 =	rddreg [dreg:$0x0];
	s2 =	stileid.u32  }
0xa3: {  	s1 =	rddreg [dreg:$0x1];
	p0 =	sne.s32 s2, $0x0  }
0xa4: {  	s3 =	rddreg [dreg:$0x2];
	[bflag:$0x3] =	sbarrier.arrive $0xFFFF;
	s2 =	simm.s32 @!p0 $0x1C09  }
0xa5: {  	[timem:s3], [sflag:s2] =	dma.local @!p0 [hbm:s0], s1  }
0xa6: {  	s0 =	simm.s32 @!p0 $0x9  }
0xa7: {  	_ =	swait.ge @!p0 [sflag:s0], s1  }
0xa8: {  	s1 =	ssub.s32 @!p0 $0x0, s1;
	[sflag:s0] =	ssyncset.done @!p0 $0x0  }
0xa9: {  	[sflag:s0] =	ssyncadd.s32 @!p0 s1  }
0xaa: {  	[bflag:$0x3] =	sbarrier.arrive $0xFFFF  }
0xab: {  	_ =	shalt  }

</sc_bundles>
